<compile_context>
chip_gen: v7x
topology: tpu7x:2x2x1
jax: 0.10.2.dev20260603
libtpu: 0.0.44.dev20260713+nightly
codegen_flags: <defaults>
</compile_context>

<pallas_src>
import jax
import jax.numpy as jnp
from jax import lax
from jax.experimental import pallas as pl
from jax.experimental.pallas import tpu as pltpu
from jax.experimental.pallas import tpu_sc as plsc

B, C, H, W = 8, 96, 224, 224
R = B * C
NC, NS = 2, 16
NW = NC * NS
M = R // NW


def _body(x_hbm, perm_hbm, out_hbm, idx_v, bufs, gsems, ssems):
    wid = lax.axis_index("c") * NS + lax.axis_index("s")
    base = wid * M
    batch = wid // (C // M)
    c0 = pl.multiple_of((wid % (C // M)) * M, 8)
    pltpu.sync_copy(perm_hbm.at[pl.ds(c0, M)], idx_v)

    lanes = lax.broadcasted_iota(jnp.int32, (16,), 0)
    v0 = idx_v[pl.ds(0, 16)]
    v1 = idx_v[pl.ds(8, 16)]

    def src_of(j):
        vec, lane = (v0, j) if j < 16 else (v1, j - 8)
        ch = lax.reduce_max(jnp.where(lanes == lane, vec, 0), (0,))
        return ch + batch * C

    srcs = [src_of(j) for j in range(M)]

    def gather(j):
        b = j % 2
        return pltpu.async_copy(x_hbm.at[pl.ds(srcs[j], 1)], bufs[b],
                                gsems[b])

    def wait_gather(j):
        b = j % 2
        pltpu.make_async_copy(x_hbm.at[pl.ds(srcs[j], 1)], bufs[b],
                              gsems[b]).wait()

    def scatter(j):
        b = j % 2
        return pltpu.async_copy(bufs[b], out_hbm.at[pl.ds(base + j, 1)],
                                ssems[b])

    def wait_scatter(j):
        b = j % 2
        pltpu.make_async_copy(bufs[b], out_hbm.at[pl.ds(base + j, 1)],
                              ssems[b]).wait()

    gather(0)
    gather(1)
    for j in range(M):
        wait_gather(j)
        scatter(j)
        if j + 2 < M:
            wait_scatter(j)
            gather(j + 2)
    wait_scatter(M - 2)
    wait_scatter(M - 1)


@jax.jit
def kernel(x, perm):
    x3 = x.reshape(R, H, W)
    perm32 = perm.astype(jnp.int32)

    mesh = plsc.VectorSubcoreMesh(core_axis_name="c", subcore_axis_name="s")
    out3 = pl.kernel(
        _body,
        out_type=jax.ShapeDtypeStruct((R, H, W), jnp.float32),
        mesh=mesh,
        compiler_params=pltpu.CompilerParams(use_tc_tiling_on_sc=True,
                                             needs_layout_passes=False),
        scratch_types=[
            pltpu.VMEM((M,), jnp.int32),
            [pltpu.VMEM((1, H, W), jnp.float32) for _ in range(2)],
            [pltpu.SemaphoreType.DMA for _ in range(2)],
            [pltpu.SemaphoreType.DMA for _ in range(2)],
        ],
    )(x3, perm32)
    return out3.reshape(B, C, H, W)

# --- scband reference (transcript-rebuilt; emitter-appended) ---
"""Pipeline reference for scband-permutation-57501022159540 (READ-ONLY COPY).

The authoritative reference and input builder live on the scoring server;
editing this copy changes nothing except your own understanding.
"""

import jax, jax.numpy as jnp
import numpy as np


def setup_inputs(seed: int = 0) -> dict:
    key = jax.random.key(seed)
    kx, kp = jax.random.split(key)
    x = jax.random.normal(kx, (8, 96, 224, 224), dtype=jnp.float32)
    # buffer created in __init__: perm = torch.randperm(num_channels)
    perm = jax.random.permutation(kp, 96)
    return {"x": x, "perm": perm}


def reference(x, perm):
    # forward (reverse=False): x[:, perm, ...]
    return jnp.take(x, perm, axis=1)

if __name__ == "__main__":
    import jax
    _d = setup_inputs()
    print(jax.jit(kernel)(*tuple(_d.values())))

</pallas_src>

<mosaic_0001>
#map = affine_map<(d0, d1) -> (0, 0, 0)>
#map1 = affine_map<(d0, d1) -> (0)>
module attributes {stable_mosaic.version = 14 : i64} {
  func.func @_body(%arg0: i32, %arg1: i32, %arg2: memref<768x224x224xf32, #tpu.memory_space<hbm>>, %arg3: memref<96xi32, #tpu.memory_space<hbm>>, %arg4: memref<768x224x224xf32, #tpu.memory_space<hbm>>, %arg5: memref<24xi32, #tpu.memory_space<vmem>>, %arg6: memref<1x224x224xf32, #tpu.memory_space<vmem>>, %arg7: memref<1x224x224xf32, #tpu.memory_space<vmem>>, %arg8: memref<!tpu.dma_semaphore, #tpu.memory_space<semaphore_mem>>, %arg9: memref<!tpu.dma_semaphore, #tpu.memory_space<semaphore_mem>>, %arg10: memref<!tpu.dma_semaphore, #tpu.memory_space<semaphore_mem>>, %arg11: memref<!tpu.dma_semaphore, #tpu.memory_space<semaphore_mem>>) attributes {dimension_semantics = [#tpu.dimension_semantics<core_parallel>, #tpu.dimension_semantics<subcore_parallel>], iteration_bounds = array<i64: 2, 16>, scalar_prefetch = 0 : i64, scratch_operands = 7 : i64, tpu.core_type = #tpu.core_type<sc_vector_subcore>, window_params = [{transform_indices = #map}, {transform_indices = #map1}, {transform_indices = #map}]} {
    %mul3A = arith.constant 16 : i32
    %mul3A_0 = arith.muli %arg0, %mul3A : i32
    %add3A = arith.addi %mul3A_0, %arg1 : i32
    %mul3A_1 = arith.constant 24 : i32
    %mul3A_2 = arith.muli %add3A, %mul3A_1 : i32
    %jit3A = arith.constant 4 : i32
    %div3A = arith.divsi %add3A, %jit3A : i32
    %sign3A = arith.constant 0 : i32
    %sign3A_3 = arith.cmpi sgt, %add3A, %sign3A : i32
    %sign3A_4 = arith.extui %sign3A_3 : i1 to i32
    %sign3A_5 = arith.constant 0 : i32
    %sign3A_6 = arith.cmpi slt, %add3A, %sign3A_5 : i32
    %sign3A_7 = arith.extui %sign3A_6 : i1 to i32
    %sign3A_8 = arith.subi %sign3A_4, %sign3A_7 : i32
    %sign3A_9 = arith.constant 0 : i32
    %sign3A_10 = arith.cmpi sgt, %jit3A, %sign3A_9 : i32
    %sign3A_11 = arith.extui %sign3A_10 : i1 to i32
    %sign3A_12 = arith.constant 0 : i32
    %sign3A_13 = arith.cmpi slt, %jit3A, %sign3A_12 : i32
    %sign3A_14 = arith.extui %sign3A_13 : i1 to i32
    %sign3A_15 = arith.subi %sign3A_11, %sign3A_14 : i32
    %ne3A = arith.cmpi ne, %sign3A_8, %sign3A_15 : i32
    %rem3A = arith.remsi %add3A, %jit3A : i32
    %ne3A_16 = arith.constant 0 : i32
    %ne3A_17 = arith.cmpi ne, %rem3A, %ne3A_16 : i32
    %and3A = arith.andi %ne3A, %ne3A_17 : i1
    %sub3A = arith.constant 1 : i32
    %sub3A_18 = arith.subi %div3A, %sub3A : i32
    %select_n3A = arith.select %and3A, %sub3A_18, %div3A : i32
    %jit3A_19 = arith.constant 4 : i32
    %eq3A = arith.constant 0 : i32
    %eq3A_20 = arith.cmpi eq, %jit3A_19, %eq3A : i32
    %jit3A_21 = arith.constant 1 : i32
    %select_n3A_22 = arith.select %eq3A_20, %jit3A_21, %jit3A_19 : i32
    %rem3A_23 = arith.remsi %add3A, %select_n3A_22 : i32
    %ne3A_24 = arith.constant 0 : i32
    %ne3A_25 = arith.cmpi ne, %rem3A_23, %ne3A_24 : i32
    %lt3A = arith.constant 0 : i32
    %lt3A_26 = arith.cmpi slt, %rem3A_23, %lt3A : i32
    %lt3A_27 = arith.constant 0 : i32
    %lt3A_28 = arith.cmpi slt, %select_n3A_22, %lt3A_27 : i32
    %ne3A_29 = arith.xori %lt3A_26, %lt3A_28 : i1
    %and3A_30 = arith.andi %ne3A_29, %ne3A_25 : i1
    %add3A_31 = arith.addi %rem3A_23, %select_n3A_22 : i32
    %select_n3A_32 = arith.select %and3A_30, %add3A_31, %rem3A_23 : i32
    %mul3A_33 = arith.constant 24 : i32
    %mul3A_34 = arith.muli %select_n3A_32, %mul3A_33 : i32
    %multiple_of3A = tpu.assume_multiple %mul3A_34, 8 : i32
    "tpu.region"() ({
      %run_scoped3A = tpu.sem_alloc : memref<!tpu.dma_semaphore, #tpu.memory_space<semaphore_mem>>
      %dma_start3A_1114 = tpu.memref_slice %arg3[%multiple_of3A] : memref<96xi32, #tpu.memory_space<hbm>> -> memref<24xi32, #tpu.memory_space<hbm>>
      %dma_start3A_1115 = tpu.memref_slice %arg3[%multiple_of3A] : memref<96xi32, #tpu.memory_space<hbm>> -> memref<24xi32, #tpu.memory_space<hbm>>
      tpu.enqueue_dma source(%dma_start3A_1115 : memref<24xi32, #tpu.memory_space<hbm>>) target(%arg5 : memref<24xi32, #tpu.memory_space<vmem>>) target_semaphore(%run_scoped3A : memref<!tpu.dma_semaphore, #tpu.memory_space<semaphore_mem>>)
      %dma_wait3A_1116 = tpu.memref_slice %arg3[%multiple_of3A] : memref<96xi32, #tpu.memory_space<hbm>> -> memref<24xi32, #tpu.memory_space<hbm>>
      %dma_wait3A_1117 = tpu.memref_slice %arg3[%multiple_of3A] : memref<96xi32, #tpu.memory_space<hbm>> -> memref<24xi32, #tpu.memory_space<hbm>>
      tpu.wait_dma2 semaphore(%run_scoped3A : memref<!tpu.dma_semaphore, #tpu.memory_space<semaphore_mem>>) src(%dma_wait3A_1117 : memref<24xi32, #tpu.memory_space<hbm>>) dst(%arg5 : memref<24xi32, #tpu.memory_space<vmem>>)
      tpu.yield
    }) : () -> ()
    %iota3A = tpu.iota {dimensions = array<i32: 0>} : vector<16xi32>
    %get3A = arith.constant 0 : index
    %get3A_35 = tpu.vector_load %arg5[%get3A] {strides = array<i32>} : memref<24xi32, #tpu.memory_space<vmem>>, vector<16xi32>,
    %get3A_36 = arith.constant 8 : index
    %get3A_37 = tpu.vector_load %arg5[%get3A_36] {strides = array<i32>} : memref<24xi32, #tpu.memory_space<vmem>>, vector<16xi32>,
    %eq3A_38 = arith.constant 0 : i32
    %eq3A_39 = vector.broadcast %eq3A_38 : i32 to vector<16xi32>
    %eq3A_40 = arith.cmpi eq, %iota3A, %eq3A_39 : vector<16xi32>
    %jit3A_41 = arith.constant 0 : i32
    %broadcast_in_dim3A = vector.broadcast %jit3A_41 : i32 to vector<16xi32>
    %select_n3A_42 = arith.select %eq3A_40, %get3A_35, %broadcast_in_dim3A : vector<16xi1>, vector<16xi32>
    %reduce_max3A = arith.constant true
    %reduce_max3A_43 = vector.broadcast %reduce_max3A : i1 to vector<16xi1>
    %reduce_max3A_44 = arith.constant -2147483648 : i32
    %reduce_max3A_45 = vector.broadcast %reduce_max3A_44 : i32 to vector<16xi32>
    %reduce_max3A_46 = arith.xori %select_n3A_42, %reduce_max3A_45 : vector<16xi32>
    %reduce_max3A_47 = tpu.scan <max>, %reduce_max3A_46 masked %reduce_max3A_43 : vector<16xi32>, vector<16xi1> -> vector<16xi32>
    %reduce_max3A_48 = arith.xori %reduce_max3A_47, %reduce_max3A_45 : vector<16xi32>
    %reduce_max3A_49 = vector.extract %reduce_max3A_48[15] : i32 from vector<16xi32>
    %mul3A_50 = arith.constant 96 : i32
    %mul3A_51 = arith.muli %select_n3A, %mul3A_50 : i32
    %add3A_52 = arith.addi %reduce_max3A_49, %mul3A_51 : i32
    %eq3A_53 = arith.constant 1 : i32
    %eq3A_54 = vector.broadcast %eq3A_53 : i32 to vector<16xi32>
    %eq3A_55 = arith.cmpi eq, %iota3A, %eq3A_54 : vector<16xi32>
    %jit3A_56 = arith.constant 0 : i32
    %broadcast_in_dim3A_57 = vector.broadcast %jit3A_56 : i32 to vector<16xi32>
    %select_n3A_58 = arith.select %eq3A_55, %get3A_35, %broadcast_in_dim3A_57 : vector<16xi1>, vector<16xi32>
    %reduce_max3A_59 = arith.constant true
    %reduce_max3A_60 = vector.broadcast %reduce_max3A_59 : i1 to vector<16xi1>
    %reduce_max3A_61 = arith.constant -2147483648 : i32
    %reduce_max3A_62 = vector.broadcast %reduce_max3A_61 : i32 to vector<16xi32>
    %reduce_max3A_63 = arith.xori %select_n3A_58, %reduce_max3A_62 : vector<16xi32>
    %reduce_max3A_64 = tpu.scan <max>, %reduce_max3A_63 masked %reduce_max3A_60 : vector<16xi32>, vector<16xi1> -> vector<16xi32>
    %reduce_max3A_65 = arith.xori %reduce_max3A_64, %reduce_max3A_62 : vector<16xi32>
    %reduce_max3A_66 = vector.extract %reduce_max3A_65[15] : i32 from vector<16xi32>
    %mul3A_67 = arith.constant 96 : i32
    %mul3A_68 = arith.muli %select_n3A, %mul3A_67 : i32
    %add3A_69 = arith.addi %reduce_max3A_66, %mul3A_68 : i32
    %eq3A_70 = arith.constant 2 : i32
    %eq3A_71 = vector.broadcast %eq3A_70 : i32 to vector<16xi32>
    %eq3A_72 = arith.cmpi eq, %iota3A, %eq3A_71 : vector<16xi32>
    %jit3A_73 = arith.constant 0 : i32
    %broadcast_in_dim3A_74 = vector.broadcast %jit3A_73 : i32 to vector<16xi32>
    %select_n3A_75 = arith.select %eq3A_72, %get3A_35, %broadcast_in_dim3A_74 : vector<16xi1>, vector<16xi32>
    %reduce_max3A_76 = arith.constant true
    %reduce_max3A_77 = vector.broadcast %reduce_max3A_76 : i1 to vector<16xi1>
    %reduce_max3A_78 = arith.constant -2147483648 : i32
    %reduce_max3A_79 = vector.broadcast %reduce_max3A_78 : i32 to vector<16xi32>
    %reduce_max3A_80 = arith.xori %select_n3A_75, %reduce_max3A_79 : vector<16xi32>
    %reduce_max3A_81 = tpu.scan <max>, %reduce_max3A_80 masked %reduce_max3A_77 : vector<16xi32>, vector<16xi1> -> vector<16xi32>
    %reduce_max3A_82 = arith.xori %reduce_max3A_81, %reduce_max3A_79 : vector<16xi32>
    %reduce_max3A_83 = vector.extract %reduce_max3A_82[15] : i32 from vector<16xi32>
    %mul3A_84 = arith.constant 96 : i32
    %mul3A_85 = arith.muli %select_n3A, %mul3A_84 : i32
    %add3A_86 = arith.addi %reduce_max3A_83, %mul3A_85 : i32
    %eq3A_87 = arith.constant 3 : i32
    %eq3A_88 = vector.broadcast %eq3A_87 : i32 to vector<16xi32>
    %eq3A_89 = arith.cmpi eq, %iota3A, %eq3A_88 : vector<16xi32>
    %jit3A_90 = arith.constant 0 : i32
    %broadcast_in_dim3A_91 = vector.broadcast %jit3A_90 : i32 to vector<16xi32>
    %select_n3A_92 = arith.select %eq3A_89, %get3A_35, %broadcast_in_dim3A_91 : vector<16xi1>, vector<16xi32>
    %reduce_max3A_93 = arith.constant true
    %reduce_max3A_94 = vector.broadcast %reduce_max3A_93 : i1 to vector<16xi1>
    %reduce_max3A_95 = arith.constant -2147483648 : i32
    %reduce_max3A_96 = vector.broadcast %reduce_max3A_95 : i32 to vector<16xi32>
    %reduce_max3A_97 = arith.xori %select_n3A_92, %reduce_max3A_96 : vector<16xi32>
    %reduce_max3A_98 = tpu.scan <max>, %reduce_max3A_97 masked %reduce_max3A_94 : vector<16xi32>, vector<16xi1> -> vector<16xi32>
    %reduce_max3A_99 = arith.xori %reduce_max3A_98, %reduce_max3A_96 : vector<16xi32>
    %reduce_max3A_100 = vector.extract %reduce_max3A_99[15] : i32 from vector<16xi32>
    %mul3A_101 = arith.constant 96 : i32
    %mul3A_102 = arith.muli %select_n3A, %mul3A_101 : i32
    %add3A_103 = arith.addi %reduce_max3A_100, %mul3A_102 : i32
    %eq3A_104 = arith.constant 4 : i32
    %eq3A_105 = vector.broadcast %eq3A_104 : i32 to vector<16xi32>
    %eq3A_106 = arith.cmpi eq, %iota3A, %eq3A_105 : vector<16xi32>
    %jit3A_107 = arith.constant 0 : i32
    %broadcast_in_dim3A_108 = vector.broadcast %jit3A_107 : i32 to vector<16xi32>
    %select_n3A_109 = arith.select %eq3A_106, %get3A_35, %broadcast_in_dim3A_108 : vector<16xi1>, vector<16xi32>
    %reduce_max3A_110 = arith.constant true
    %reduce_max3A_111 = vector.broadcast %reduce_max3A_110 : i1 to vector<16xi1>
    %reduce_max3A_112 = arith.constant -2147483648 : i32
    %reduce_max3A_113 = vector.broadcast %reduce_max3A_112 : i32 to vector<16xi32>
    %reduce_max3A_114 = arith.xori %select_n3A_109, %reduce_max3A_113 : vector<16xi32>
    %reduce_max3A_115 = tpu.scan <max>, %reduce_max3A_114 masked %reduce_max3A_111 : vector<16xi32>, vector<16xi1> -> vector<16xi32>
    %reduce_max3A_116 = arith.xori %reduce_max3A_115, %reduce_max3A_113 : vector<16xi32>
    %reduce_max3A_117 = vector.extract %reduce_max3A_116[15] : i32 from vector<16xi32>
    %mul3A_118 = arith.constant 96 : i32
    %mul3A_119 = arith.muli %select_n3A, %mul3A_118 : i32
    %add3A_120 = arith.addi %reduce_max3A_117, %mul3A_119 : i32
    %eq3A_121 = arith.constant 5 : i32
    %eq3A_122 = vector.broadcast %eq3A_121 : i32 to vector<16xi32>
    %eq3A_123 = arith.cmpi eq, %iota3A, %eq3A_122 : vector<16xi32>
    %jit3A_124 = arith.constant 0 : i32
    %broadcast_in_dim3A_125 = vector.broadcast %jit3A_124 : i32 to vector<16xi32>
    %select_n3A_126 = arith.select %eq3A_123, %get3A_35, %broadcast_in_dim3A_125 : vector<16xi1>, vector<16xi32>
    %reduce_max3A_127 = arith.constant true
    %reduce_max3A_128 = vector.broadcast %reduce_max3A_127 : i1 to vector<16xi1>
    %reduce_max3A_129 = arith.constant -2147483648 : i32
    %reduce_max3A_130 = vector.broadcast %reduce_max3A_129 : i32 to vector<16xi32>
    %reduce_max3A_131 = arith.xori %select_n3A_126, %reduce_max3A_130 : vector<16xi32>
    %reduce_max3A_132 = tpu.scan <max>, %reduce_max3A_131 masked %reduce_max3A_128 : vector<16xi32>, vector<16xi1> -> vector<16xi32>
    %reduce_max3A_133 = arith.xori %reduce_max3A_132, %reduce_max3A_130 : vector<16xi32>
    %reduce_max3A_134 = vector.extract %reduce_max3A_133[15] : i32 from vector<16xi32>
    %mul3A_135 = arith.constant 96 : i32
    %mul3A_136 = arith.muli %select_n3A, %mul3A_135 : i32
    %add3A_137 = arith.addi %reduce_max3A_134, %mul3A_136 : i32
    %eq3A_138 = arith.constant 6 : i32
    %eq3A_139 = vector.broadcast %eq3A_138 : i32 to vector<16xi32>
    %eq3A_140 = arith.cmpi eq, %iota3A, %eq3A_139 : vector<16xi32>
    %jit3A_141 = arith.constant 0 : i32
    %broadcast_in_dim3A_142 = vector.broadcast %jit3A_141 : i32 to vector<16xi32>
    %select_n3A_143 = arith.select %eq3A_140, %get3A_35, %broadcast_in_dim3A_142 : vector<16xi1>, vector<16xi32>
    %reduce_max3A_144 = arith.constant true
    %reduce_max3A_145 = vector.broadcast %reduce_max3A_144 : i1 to vector<16xi1>
    %reduce_max3A_146 = arith.constant -2147483648 : i32
    %reduce_max3A_147 = vector.broadcast %reduce_max3A_146 : i32 to vector<16xi32>
    %reduce_max3A_148 = arith.xori %select_n3A_143, %reduce_max3A_147 : vector<16xi32>
    %reduce_max3A_149 = tpu.scan <max>, %reduce_max3A_148 masked %reduce_max3A_145 : vector<16xi32>, vector<16xi1> -> vector<16xi32>
    %reduce_max3A_150 = arith.xori %reduce_max3A_149, %reduce_max3A_147 : vector<16xi32>
    %reduce_max3A_151 = vector.extract %reduce_max3A_150[15] : i32 from vector<16xi32>
    %mul3A_152 = arith.constant 96 : i32
    %mul3A_153 = arith.muli %select_n3A, %mul3A_152 : i32
    %add3A_154 = arith.addi %reduce_max3A_151, %mul3A_153 : i32
    %eq3A_155 = arith.constant 7 : i32
    %eq3A_156 = vector.broadcast %eq3A_155 : i32 to vector<16xi32>
    %eq3A_157 = arith.cmpi eq, %iota3A, %eq3A_156 : vector<16xi32>
    %jit3A_158 = arith.constant 0 : i32
    %broadcast_in_dim3A_159 = vector.broadcast %jit3A_158 : i32 to vector<16xi32>
    %select_n3A_160 = arith.select %eq3A_157, %get3A_35, %broadcast_in_dim3A_159 : vector<16xi1>, vector<16xi32>
    %reduce_max3A_161 = arith.constant true
    %reduce_max3A_162 = vector.broadcast %reduce_max3A_161 : i1 to vector<16xi1>
    %reduce_max3A_163 = arith.constant -2147483648 : i32
    %reduce_max3A_164 = vector.broadcast %reduce_max3A_163 : i32 to vector<16xi32>
    %reduce_max3A_165 = arith.xori %select_n3A_160, %reduce_max3A_164 : vector<16xi32>
    %reduce_max3A_166 = tpu.scan <max>, %reduce_max3A_165 masked %reduce_max3A_162 : vector<16xi32>, vector<16xi1> -> vector<16xi32>
    %reduce_max3A_167 = arith.xori %reduce_max3A_166, %reduce_max3A_164 : vector<16xi32>
    %reduce_max3A_168 = vector.extract %reduce_max3A_167[15] : i32 from vector<16xi32>
    %mul3A_169 = arith.constant 96 : i32
    %mul3A_170 = arith.muli %select_n3A, %mul3A_169 : i32
    %add3A_171 = arith.addi %reduce_max3A_168, %mul3A_170 : i32
    %eq3A_172 = arith.constant 8 : i32
    %eq3A_173 = vector.broadcast %eq3A_172 : i32 to vector<16xi32>
    %eq3A_174 = arith.cmpi eq, %iota3A, %eq3A_173 : vector<16xi32>
    %jit3A_175 = arith.constant 0 : i32
    %broadcast_in_dim3A_176 = vector.broadcast %jit3A_175 : i32 to vector<16xi32>
    %select_n3A_177 = arith.select %eq3A_174, %get3A_35, %broadcast_in_dim3A_176 : vector<16xi1>, vector<16xi32>
    %reduce_max3A_178 = arith.constant true
    %reduce_max3A_179 = vector.broadcast %reduce_max3A_178 : i1 to vector<16xi1>
    %reduce_max3A_180 = arith.constant -2147483648 : i32
    %reduce_max3A_181 = vector.broadcast %reduce_max3A_180 : i32 to vector<16xi32>
    %reduce_max3A_182 = arith.xori %select_n3A_177, %reduce_max3A_181 : vector<16xi32>
    %reduce_max3A_183 = tpu.scan <max>, %reduce_max3A_182 masked %reduce_max3A_179 : vector<16xi32>, vector<16xi1> -> vector<16xi32>
    %reduce_max3A_184 = arith.xori %reduce_max3A_183, %reduce_max3A_181 : vector<16xi32>
    %reduce_max3A_185 = vector.extract %reduce_max3A_184[15] : i32 from vector<16xi32>
    %mul3A_186 = arith.constant 96 : i32
    %mul3A_187 = arith.muli %select_n3A, %mul3A_186 : i32
    %add3A_188 = arith.addi %reduce_max3A_185, %mul3A_187 : i32
    %eq3A_189 = arith.constant 9 : i32
    %eq3A_190 = vector.broadcast %eq3A_189 : i32 to vector<16xi32>
    %eq3A_191 = arith.cmpi eq, %iota3A, %eq3A_190 : vector<16xi32>
    %jit3A_192 = arith.constant 0 : i32
    %broadcast_in_dim3A_193 = vector.broadcast %jit3A_192 : i32 to vector<16xi32>
    %select_n3A_194 = arith.select %eq3A_191, %get3A_35, %broadcast_in_dim3A_193 : vector<16xi1>, vector<16xi32>
    %reduce_max3A_195 = arith.constant true
    %reduce_max3A_196 = vector.broadcast %reduce_max3A_195 : i1 to vector<16xi1>
    %reduce_max3A_197 = arith.constant -2147483648 : i32
    %reduce_max3A_198 = vector.broadcast %reduce_max3A_197 : i32 to vector<16xi32>
    %reduce_max3A_199 = arith.xori %select_n3A_194, %reduce_max3A_198 : vector<16xi32>
    %reduce_max3A_200 = tpu.scan <max>, %reduce_max3A_199 masked %reduce_max3A_196 : vector<16xi32>, vector<16xi1> -> vector<16xi32>
    %reduce_max3A_201 = arith.xori %reduce_max3A_200, %reduce_max3A_198 : vector<16xi32>
    %reduce_max3A_202 = vector.extract %reduce_max3A_201[15] : i32 from vector<16xi32>
    %mul3A_203 = arith.constant 96 : i32
    %mul3A_204 = arith.muli %select_n3A, %mul3A_203 : i32
    %add3A_205 = arith.addi %reduce_max3A_202, %mul3A_204 : i32
    %eq3A_206 = arith.constant 10 : i32
    %eq3A_207 = vector.broadcast %eq3A_206 : i32 to vector<16xi32>
    %eq3A_208 = arith.cmpi eq, %iota3A, %eq3A_207 : vector<16xi32>
    %jit3A_209 = arith.constant 0 : i32
    %broadcast_in_dim3A_210 = vector.broadcast %jit3A_209 : i32 to vector<16xi32>
    %select_n3A_211 = arith.select %eq3A_208, %get3A_35, %broadcast_in_dim3A_210 : vector<16xi1>, vector<16xi32>
    %reduce_max3A_212 = arith.constant true
    %reduce_max3A_213 = vector.broadcast %reduce_max3A_212 : i1 to vector<16xi1>
    %reduce_max3A_214 = arith.constant -2147483648 : i32
    %reduce_max3A_215 = vector.broadcast %reduce_max3A_214 : i32 to vector<16xi32>
    %reduce_max3A_216 = arith.xori %select_n3A_211, %reduce_max3A_215 : vector<16xi32>
    %reduce_max3A_217 = tpu.scan <max>, %reduce_max3A_216 masked %reduce_max3A_213 : vector<16xi32>, vector<16xi1> -> vector<16xi32>
    %reduce_max3A_218 = arith.xori %reduce_max3A_217, %reduce_max3A_215 : vector<16xi32>
    %reduce_max3A_219 = vector.extract %reduce_max3A_218[15] : i32 from vector<16xi32>
    %mul3A_220 = arith.constant 96 : i32
    %mul3A_221 = arith.muli %select_n3A, %mul3A_220 : i32
    %add3A_222 = arith.addi %reduce_max3A_219, %mul3A_221 : i32
    %eq3A_223 = arith.constant 11 : i32
    %eq3A_224 = vector.broadcast %eq3A_223 : i32 to vector<16xi32>
    %eq3A_225 = arith.cmpi eq, %iota3A, %eq3A_224 : vector<16xi32>
    %jit3A_226 = arith.constant 0 : i32
    %broadcast_in_dim3A_227 = vector.broadcast %jit3A_226 : i32 to vector<16xi32>
    %select_n3A_228 = arith.select %eq3A_225, %get3A_35, %broadcast_in_dim3A_227 : vector<16xi1>, vector<16xi32>
    %reduce_max3A_229 = arith.constant true
    %reduce_max3A_230 = vector.broadcast %reduce_max3A_229 : i1 to vector<16xi1>
    %reduce_max3A_231 = arith.constant -2147483648 : i32
    %reduce_max3A_232 = vector.broadcast %reduce_max3A_231 : i32 to vector<16xi32>
    %reduce_max3A_233 = arith.xori %select_n3A_228, %reduce_max3A_232 : vector<16xi32>
    %reduce_max3A_234 = tpu.scan <max>, %reduce_max3A_233 masked %reduce_max3A_230 : vector<16xi32>, vector<16xi1> -> vector<16xi32>
    %reduce_max3A_235 = arith.xori %reduce_max3A_234, %reduce_max3A_232 : vector<16xi32>
    %reduce_max3A_236 = vector.extract %reduce_max3A_235[15] : i32 from vector<16xi32>
    %mul3A_237 = arith.constant 96 : i32
    %mul3A_238 = arith.muli %select_n3A, %mul3A_237 : i32
    %add3A_239 = arith.addi %reduce_max3A_236, %mul3A_238 : i32
    %eq3A_240 = arith.constant 12 : i32
    %eq3A_241 = vector.broadcast %eq3A_240 : i32 to vector<16xi32>
    %eq3A_242 = arith.cmpi eq, %iota3A, %eq3A_241 : vector<16xi32>
    %jit3A_243 = arith.constant 0 : i32
    %broadcast_in_dim3A_244 = vector.broadcast %jit3A_243 : i32 to vector<16xi32>
    %select_n3A_245 = arith.select %eq3A_242, %get3A_35, %broadcast_in_dim3A_244 : vector<16xi1>, vector<16xi32>
    %reduce_max3A_246 = arith.constant true
    %reduce_max3A_247 = vector.broadcast %reduce_max3A_246 : i1 to vector<16xi1>
    %reduce_max3A_248 = arith.constant -2147483648 : i32
    %reduce_max3A_249 = vector.broadcast %reduce_max3A_248 : i32 to vector<16xi32>
    %reduce_max3A_250 = arith.xori %select_n3A_245, %reduce_max3A_249 : vector<16xi32>
    %reduce_max3A_251 = tpu.scan <max>, %reduce_max3A_250 masked %reduce_max3A_247 : vector<16xi32>, vector<16xi1> -> vector<16xi32>
    %reduce_max3A_252 = arith.xori %reduce_max3A_251, %reduce_max3A_249 : vector<16xi32>
    %reduce_max3A_253 = vector.extract %reduce_max3A_252[15] : i32 from vector<16xi32>
    %mul3A_254 = arith.constant 96 : i32
    %mul3A_255 = arith.muli %select_n3A, %mul3A_254 : i32
    %add3A_256 = arith.addi %reduce_max3A_253, %mul3A_255 : i32
    %eq3A_257 = arith.constant 13 : i32
    %eq3A_258 = vector.broadcast %eq3A_257 : i32 to vector<16xi32>
    %eq3A_259 = arith.cmpi eq, %iota3A, %eq3A_258 : vector<16xi32>
    %jit3A_260 = arith.constant 0 : i32
    %broadcast_in_dim3A_261 = vector.broadcast %jit3A_260 : i32 to vector<16xi32>
    %select_n3A_262 = arith.select %eq3A_259, %get3A_35, %broadcast_in_dim3A_261 : vector<16xi1>, vector<16xi32>
    %reduce_max3A_263 = arith.constant true
    %reduce_max3A_264 = vector.broadcast %reduce_max3A_263 : i1 to vector<16xi1>
    %reduce_max3A_265 = arith.constant -2147483648 : i32
    %reduce_max3A_266 = vector.broadcast %reduce_max3A_265 : i32 to vector<16xi32>
    %reduce_max3A_267 = arith.xori %select_n3A_262, %reduce_max3A_266 : vector<16xi32>
    %reduce_max3A_268 = tpu.scan <max>, %reduce_max3A_267 masked %reduce_max3A_264 : vector<16xi32>, vector<16xi1> -> vector<16xi32>
    %reduce_max3A_269 = arith.xori %reduce_max3A_268, %reduce_max3A_266 : vector<16xi32>
    %reduce_max3A_270 = vector.extract %reduce_max3A_269[15] : i32 from vector<16xi32>
    %mul3A_271 = arith.constant 96 : i32
    %mul3A_272 = arith.muli %select_n3A, %mul3A_271 : i32
    %add3A_273 = arith.addi %reduce_max3A_270, %mul3A_272 : i32
    %eq3A_274 = arith.constant 14 : i32
    %eq3A_275 = vector.broadcast %eq3A_274 : i32 to vector<16xi32>
    %eq3A_276 = arith.cmpi eq, %iota3A, %eq3A_275 : vector<16xi32>
    %jit3A_277 = arith.constant 0 : i32
    %broadcast_in_dim3A_278 = vector.broadcast %jit3A_277 : i32 to vector<16xi32>
    %select_n3A_279 = arith.select %eq3A_276, %get3A_35, %broadcast_in_dim3A_278 : vector<16xi1>, vector<16xi32>
    %reduce_max3A_280 = arith.constant true
    %reduce_max3A_281 = vector.broadcast %reduce_max3A_280 : i1 to vector<16xi1>
    %reduce_max3A_282 = arith.constant -2147483648 : i32
    %reduce_max3A_283 = vector.broadcast %reduce_max3A_282 : i32 to vector<16xi32>
    %reduce_max3A_284 = arith.xori %select_n3A_279, %reduce_max3A_283 : vector<16xi32>
    %reduce_max3A_285 = tpu.scan <max>, %reduce_max3A_284 masked %reduce_max3A_281 : vector<16xi32>, vector<16xi1> -> vector<16xi32>
    %reduce_max3A_286 = arith.xori %reduce_max3A_285, %reduce_max3A_283 : vector<16xi32>
    %reduce_max3A_287 = vector.extract %reduce_max3A_286[15] : i32 from vector<16xi32>
    %mul3A_288 = arith.constant 96 : i32
    %mul3A_289 = arith.muli %select_n3A, %mul3A_288 : i32
    %add3A_290 = arith.addi %reduce_max3A_287, %mul3A_289 : i32
    %eq3A_291 = arith.constant 15 : i32
    %eq3A_292 = vector.broadcast %eq3A_291 : i32 to vector<16xi32>
    %eq3A_293 = arith.cmpi eq, %iota3A, %eq3A_292 : vector<16xi32>
    %jit3A_294 = arith.constant 0 : i32
    %broadcast_in_dim3A_295 = vector.broadcast %jit3A_294 : i32 to vector<16xi32>
    %select_n3A_296 = arith.select %eq3A_293, %get3A_35, %broadcast_in_dim3A_295 : vector<16xi1>, vector<16xi32>
    %reduce_max3A_297 = arith.constant true
    %reduce_max3A_298 = vector.broadcast %reduce_max3A_297 : i1 to vector<16xi1>
    %reduce_max3A_299 = arith.constant -2147483648 : i32
    %reduce_max3A_300 = vector.broadcast %reduce_max3A_299 : i32 to vector<16xi32>
    %reduce_max3A_301 = arith.xori %select_n3A_296, %reduce_max3A_300 : vector<16xi32>
    %reduce_max3A_302 = tpu.scan <max>, %reduce_max3A_301 masked %reduce_max3A_298 : vector<16xi32>, vector<16xi1> -> vector<16xi32>
    %reduce_max3A_303 = arith.xori %reduce_max3A_302, %reduce_max3A_300 : vector<16xi32>
    %reduce_max3A_304 = vector.extract %reduce_max3A_303[15] : i32 from vector<16xi32>
    %mul3A_305 = arith.constant 96 : i32
    %mul3A_306 = arith.muli %select_n3A, %mul3A_305 : i32
    %add3A_307 = arith.addi %reduce_max3A_304, %mul3A_306 : i32
    %eq3A_308 = arith.constant 8 : i32
    %eq3A_309 = vector.broadcast %eq3A_308 : i32 to vector<16xi32>
    %eq3A_310 = arith.cmpi eq, %iota3A, %eq3A_309 : vector<16xi32>
    %jit3A_311 = arith.constant 0 : i32
    %broadcast_in_dim3A_312 = vector.broadcast %jit3A_311 : i32 to vector<16xi32>
    %select_n3A_313 = arith.select %eq3A_310, %get3A_37, %broadcast_in_dim3A_312 : vector<16xi1>, vector<16xi32>
    %reduce_max3A_314 = arith.constant true
    %reduce_max3A_315 = vector.broadcast %reduce_max3A_314 : i1 to vector<16xi1>
    %reduce_max3A_316 = arith.constant -2147483648 : i32
    %reduce_max3A_317 = vector.broadcast %reduce_max3A_316 : i32 to vector<16xi32>
    %reduce_max3A_318 = arith.xori %select_n3A_313, %reduce_max3A_317 : vector<16xi32>
    %reduce_max3A_319 = tpu.scan <max>, %reduce_max3A_318 masked %reduce_max3A_315 : vector<16xi32>, vector<16xi1> -> vector<16xi32>
    %reduce_max3A_320 = arith.xori %reduce_max3A_319, %reduce_max3A_317 : vector<16xi32>
    %reduce_max3A_321 = vector.extract %reduce_max3A_320[15] : i32 from vector<16xi32>
    %mul3A_322 = arith.constant 96 : i32
    %mul3A_323 = arith.muli %select_n3A, %mul3A_322 : i32
    %add3A_324 = arith.addi %reduce_max3A_321, %mul3A_323 : i32
    %eq3A_325 = arith.constant 9 : i32
    %eq3A_326 = vector.broadcast %eq3A_325 : i32 to vector<16xi32>
    %eq3A_327 = arith.cmpi eq, %iota3A, %eq3A_326 : vector<16xi32>
    %jit3A_328 = arith.constant 0 : i32
    %broadcast_in_dim3A_329 = vector.broadcast %jit3A_328 : i32 to vector<16xi32>
    %select_n3A_330 = arith.select %eq3A_327, %get3A_37, %broadcast_in_dim3A_329 : vector<16xi1>, vector<16xi32>
    %reduce_max3A_331 = arith.constant true
    %reduce_max3A_332 = vector.broadcast %reduce_max3A_331 : i1 to vector<16xi1>
    %reduce_max3A_333 = arith.constant -2147483648 : i32
    %reduce_max3A_334 = vector.broadcast %reduce_max3A_333 : i32 to vector<16xi32>
    %reduce_max3A_335 = arith.xori %select_n3A_330, %reduce_max3A_334 : vector<16xi32>
    %reduce_max3A_336 = tpu.scan <max>, %reduce_max3A_335 masked %reduce_max3A_332 : vector<16xi32>, vector<16xi1> -> vector<16xi32>
    %reduce_max3A_337 = arith.xori %reduce_max3A_336, %reduce_max3A_334 : vector<16xi32>
    %reduce_max3A_338 = vector.extract %reduce_max3A_337[15] : i32 from vector<16xi32>
    %mul3A_339 = arith.constant 96 : i32
    %mul3A_340 = arith.muli %select_n3A, %mul3A_339 : i32
    %add3A_341 = arith.addi %reduce_max3A_338, %mul3A_340 : i32
    %eq3A_342 = arith.constant 10 : i32
    %eq3A_343 = vector.broadcast %eq3A_342 : i32 to vector<16xi32>
    %eq3A_344 = arith.cmpi eq, %iota3A, %eq3A_343 : vector<16xi32>
    %jit3A_345 = arith.constant 0 : i32
    %broadcast_in_dim3A_346 = vector.broadcast %jit3A_345 : i32 to vector<16xi32>
    %select_n3A_347 = arith.select %eq3A_344, %get3A_37, %broadcast_in_dim3A_346 : vector<16xi1>, vector<16xi32>
    %reduce_max3A_348 = arith.constant true
    %reduce_max3A_349 = vector.broadcast %reduce_max3A_348 : i1 to vector<16xi1>
    %reduce_max3A_350 = arith.constant -2147483648 : i32
    %reduce_max3A_351 = vector.broadcast %reduce_max3A_350 : i32 to vector<16xi32>
    %reduce_max3A_352 = arith.xori %select_n3A_347, %reduce_max3A_351 : vector<16xi32>
    %reduce_max3A_353 = tpu.scan <max>, %reduce_max3A_352 masked %reduce_max3A_349 : vector<16xi32>, vector<16xi1> -> vector<16xi32>
    %reduce_max3A_354 = arith.xori %reduce_max3A_353, %reduce_max3A_351 : vector<16xi32>
    %reduce_max3A_355 = vector.extract %reduce_max3A_354[15] : i32 from vector<16xi32>
    %mul3A_356 = arith.constant 96 : i32
    %mul3A_357 = arith.muli %select_n3A, %mul3A_356 : i32
    %add3A_358 = arith.addi %reduce_max3A_355, %mul3A_357 : i32
    %eq3A_359 = arith.constant 11 : i32
    %eq3A_360 = vector.broadcast %eq3A_359 : i32 to vector<16xi32>
    %eq3A_361 = arith.cmpi eq, %iota3A, %eq3A_360 : vector<16xi32>
    %jit3A_362 = arith.constant 0 : i32
    %broadcast_in_dim3A_363 = vector.broadcast %jit3A_362 : i32 to vector<16xi32>
    %select_n3A_364 = arith.select %eq3A_361, %get3A_37, %broadcast_in_dim3A_363 : vector<16xi1>, vector<16xi32>
    %reduce_max3A_365 = arith.constant true
    %reduce_max3A_366 = vector.broadcast %reduce_max3A_365 : i1 to vector<16xi1>
    %reduce_max3A_367 = arith.constant -2147483648 : i32
    %reduce_max3A_368 = vector.broadcast %reduce_max3A_367 : i32 to vector<16xi32>
    %reduce_max3A_369 = arith.xori %select_n3A_364, %reduce_max3A_368 : vector<16xi32>
    %reduce_max3A_370 = tpu.scan <max>, %reduce_max3A_369 masked %reduce_max3A_366 : vector<16xi32>, vector<16xi1> -> vector<16xi32>
    %reduce_max3A_371 = arith.xori %reduce_max3A_370, %reduce_max3A_368 : vector<16xi32>
    %reduce_max3A_372 = vector.extract %reduce_max3A_371[15] : i32 from vector<16xi32>
    %mul3A_373 = arith.constant 96 : i32
    %mul3A_374 = arith.muli %select_n3A, %mul3A_373 : i32
    %add3A_375 = arith.addi %reduce_max3A_372, %mul3A_374 : i32
    %eq3A_376 = arith.constant 12 : i32
    %eq3A_377 = vector.broadcast %eq3A_376 : i32 to vector<16xi32>
    %eq3A_378 = arith.cmpi eq, %iota3A, %eq3A_377 : vector<16xi32>
    %jit3A_379 = arith.constant 0 : i32
    %broadcast_in_dim3A_380 = vector.broadcast %jit3A_379 : i32 to vector<16xi32>
    %select_n3A_381 = arith.select %eq3A_378, %get3A_37, %broadcast_in_dim3A_380 : vector<16xi1>, vector<16xi32>
    %reduce_max3A_382 = arith.constant true
    %reduce_max3A_383 = vector.broadcast %reduce_max3A_382 : i1 to vector<16xi1>
    %reduce_max3A_384 = arith.constant -2147483648 : i32
    %reduce_max3A_385 = vector.broadcast %reduce_max3A_384 : i32 to vector<16xi32>
    %reduce_max3A_386 = arith.xori %select_n3A_381, %reduce_max3A_385 : vector<16xi32>
    %reduce_max3A_387 = tpu.scan <max>, %reduce_max3A_386 masked %reduce_max3A_383 : vector<16xi32>, vector<16xi1> -> vector<16xi32>
    %reduce_max3A_388 = arith.xori %reduce_max3A_387, %reduce_max3A_385 : vector<16xi32>
    %reduce_max3A_389 = vector.extract %reduce_max3A_388[15] : i32 from vector<16xi32>
    %mul3A_390 = arith.constant 96 : i32
    %mul3A_391 = arith.muli %select_n3A, %mul3A_390 : i32
    %add3A_392 = arith.addi %reduce_max3A_389, %mul3A_391 : i32
    %eq3A_393 = arith.constant 13 : i32
    %eq3A_394 = vector.broadcast %eq3A_393 : i32 to vector<16xi32>
    %eq3A_395 = arith.cmpi eq, %iota3A, %eq3A_394 : vector<16xi32>
    %jit3A_396 = arith.constant 0 : i32
    %broadcast_in_dim3A_397 = vector.broadcast %jit3A_396 : i32 to vector<16xi32>
    %select_n3A_398 = arith.select %eq3A_395, %get3A_37, %broadcast_in_dim3A_397 : vector<16xi1>, vector<16xi32>
    %reduce_max3A_399 = arith.constant true
    %reduce_max3A_400 = vector.broadcast %reduce_max3A_399 : i1 to vector<16xi1>
    %reduce_max3A_401 = arith.constant -2147483648 : i32
    %reduce_max3A_402 = vector.broadcast %reduce_max3A_401 : i32 to vector<16xi32>
    %reduce_max3A_403 = arith.xori %select_n3A_398, %reduce_max3A_402 : vector<16xi32>
    %reduce_max3A_404 = tpu.scan <max>, %reduce_max3A_403 masked %reduce_max3A_400 : vector<16xi32>, vector<16xi1> -> vector<16xi32>
    %reduce_max3A_405 = arith.xori %reduce_max3A_404, %reduce_max3A_402 : vector<16xi32>
    %reduce_max3A_406 = vector.extract %reduce_max3A_405[15] : i32 from vector<16xi32>
    %mul3A_407 = arith.constant 96 : i32
    %mul3A_408 = arith.muli %select_n3A, %mul3A_407 : i32
    %add3A_409 = arith.addi %reduce_max3A_406, %mul3A_408 : i32
    %eq3A_410 = arith.constant 14 : i32
    %eq3A_411 = vector.broadcast %eq3A_410 : i32 to vector<16xi32>
    %eq3A_412 = arith.cmpi eq, %iota3A, %eq3A_411 : vector<16xi32>
    %jit3A_413 = arith.constant 0 : i32
    %broadcast_in_dim3A_414 = vector.broadcast %jit3A_413 : i32 to vector<16xi32>
    %select_n3A_415 = arith.select %eq3A_412, %get3A_37, %broadcast_in_dim3A_414 : vector<16xi1>, vector<16xi32>
    %reduce_max3A_416 = arith.constant true
    %reduce_max3A_417 = vector.broadcast %reduce_max3A_416 : i1 to vector<16xi1>
    %reduce_max3A_418 = arith.constant -2147483648 : i32
    %reduce_max3A_419 = vector.broadcast %reduce_max3A_418 : i32 to vector<16xi32>
    %reduce_max3A_420 = arith.xori %select_n3A_415, %reduce_max3A_419 : vector<16xi32>
    %reduce_max3A_421 = tpu.scan <max>, %reduce_max3A_420 masked %reduce_max3A_417 : vector<16xi32>, vector<16xi1> -> vector<16xi32>
    %reduce_max3A_422 = arith.xori %reduce_max3A_421, %reduce_max3A_419 : vector<16xi32>
    %reduce_max3A_423 = vector.extract %reduce_max3A_422[15] : i32 from vector<16xi32>
    %mul3A_424 = arith.constant 96 : i32
    %mul3A_425 = arith.muli %select_n3A, %mul3A_424 : i32
    %add3A_426 = arith.addi %reduce_max3A_423, %mul3A_425 : i32
    %eq3A_427 = arith.constant 15 : i32
    %eq3A_428 = vector.broadcast %eq3A_427 : i32 to vector<16xi32>
    %eq3A_429 = arith.cmpi eq, %iota3A, %eq3A_428 : vector<16xi32>
    %jit3A_430 = arith.constant 0 : i32
    %broadcast_in_dim3A_431 = vector.broadcast %jit3A_430 : i32 to vector<16xi32>
    %select_n3A_432 = arith.select %eq3A_429, %get3A_37, %broadcast_in_dim3A_431 : vector<16xi1>, vector<16xi32>
    %reduce_max3A_433 = arith.constant true
    %reduce_max3A_434 = vector.broadcast %reduce_max3A_433 : i1 to vector<16xi1>
    %reduce_max3A_435 = arith.constant -2147483648 : i32
    %reduce_max3A_436 = vector.broadcast %reduce_max3A_435 : i32 to vector<16xi32>
    %reduce_max3A_437 = arith.xori %select_n3A_432, %reduce_max3A_436 : vector<16xi32>
    %reduce_max3A_438 = tpu.scan <max>, %reduce_max3A_437 masked %reduce_max3A_434 : vector<16xi32>, vector<16xi1> -> vector<16xi32>
    %reduce_max3A_439 = arith.xori %reduce_max3A_438, %reduce_max3A_436 : vector<16xi32>
    %reduce_max3A_440 = vector.extract %reduce_max3A_439[15] : i32 from vector<16xi32>
    %mul3A_441 = arith.constant 96 : i32
    %mul3A_442 = arith.muli %select_n3A, %mul3A_441 : i32
    %add3A_443 = arith.addi %reduce_max3A_440, %mul3A_442 : i32
    %dma_start3A = arith.constant 0 : i32
    %dma_start3A_444 = arith.constant 0 : i32
    %dma_start3A_445 = tpu.memref_slice %arg2[%add3A_52, %dma_start3A, %dma_start3A_444] : memref<768x224x224xf32, #tpu.memory_space<hbm>> -> memref<1x224x224xf32, #tpu.memory_space<hbm>>
    %dma_start3A_446 = arith.constant 0 : i32
    %dma_start3A_447 = arith.constant 0 : i32
    %dma_start3A_448 = tpu.memref_slice %arg2[%add3A_52, %dma_start3A_446, %dma_start3A_447] : memref<768x224x224xf32, #tpu.memory_space<hbm>> -> memref<1x224x224xf32, #tpu.memory_space<hbm>>
    tpu.enqueue_dma source(%dma_start3A_448 : memref<1x224x224xf32, #tpu.memory_space<hbm>>) target(%arg6 : memref<1x224x224xf32, #tpu.memory_space<vmem>>) target_semaphore(%arg8 : memref<!tpu.dma_semaphore, #tpu.memory_space<semaphore_mem>>)
    %dma_start3A_449 = arith.constant 0 : i32
    %dma_start3A_450 = arith.constant 0 : i32
    %dma_start3A_451 = tpu.memref_slice %arg2[%add3A_69, %dma_start3A_449, %dma_start3A_450] : memref<768x224x224xf32, #tpu.memory_space<hbm>> -> memref<1x224x224xf32, #tpu.memory_space<hbm>>
    %dma_start3A_452 = arith.constant 0 : i32
    %dma_start3A_453 = arith.constant 0 : i32
    %dma_start3A_454 = tpu.memref_slice %arg2[%add3A_69, %dma_start3A_452, %dma_start3A_453] : memref<768x224x224xf32, #tpu.memory_space<hbm>> -> memref<1x224x224xf32, #tpu.memory_space<hbm>>
    tpu.enqueue_dma source(%dma_start3A_454 : memref<1x224x224xf32, #tpu.memory_space<hbm>>) target(%arg7 : memref<1x224x224xf32, #tpu.memory_space<vmem>>) target_semaphore(%arg9 : memref<!tpu.dma_semaphore, #tpu.memory_space<semaphore_mem>>)
    %dma_wait3A = arith.constant 0 : i32
    %dma_wait3A_455 = arith.constant 0 : i32
    %dma_wait3A_456 = tpu.memref_slice %arg2[%add3A_52, %dma_wait3A, %dma_wait3A_455] : memref<768x224x224xf32, #tpu.memory_space<hbm>> -> memref<1x224x224xf32, #tpu.memory_space<hbm>>
    %dma_wait3A_457 = arith.constant 0 : i32
    %dma_wait3A_458 = arith.constant 0 : i32
    %dma_wait3A_459 = tpu.memref_slice %arg2[%add3A_52, %dma_wait3A_457, %dma_wait3A_458] : memref<768x224x224xf32, #tpu.memory_space<hbm>> -> memref<1x224x224xf32, #tpu.memory_space<hbm>>
    tpu.wait_dma2 semaphore(%arg8 : memref<!tpu.dma_semaphore, #tpu.memory_space<semaphore_mem>>) src(%dma_wait3A_459 : memref<1x224x224xf32, #tpu.memory_space<hbm>>) dst(%arg6 : memref<1x224x224xf32, #tpu.memory_space<vmem>>)
    %add3A_460 = arith.constant 0 : i32
    %add3A_461 = arith.addi %mul3A_2, %add3A_460 : i32
    %dma_start3A_462 = arith.constant 0 : i32
    %dma_start3A_463 = arith.constant 0 : i32
    %dma_start3A_464 = tpu.memref_slice %arg4[%add3A_461, %dma_start3A_462, %dma_start3A_463] : memref<768x224x224xf32, #tpu.memory_space<hbm>> -> memref<1x224x224xf32, #tpu.memory_space<hbm>>
    %dma_start3A_465 = arith.constant 0 : i32
    %dma_start3A_466 = arith.constant 0 : i32
    %dma_start3A_467 = tpu.memref_slice %arg4[%add3A_461, %dma_start3A_465, %dma_start3A_466] : memref<768x224x224xf32, #tpu.memory_space<hbm>> -> memref<1x224x224xf32, #tpu.memory_space<hbm>>
    tpu.enqueue_dma source(%arg6 : memref<1x224x224xf32, #tpu.memory_space<vmem>>) target(%dma_start3A_467 : memref<1x224x224xf32, #tpu.memory_space<hbm>>) target_semaphore(%arg10 : memref<!tpu.dma_semaphore, #tpu.memory_space<semaphore_mem>>)
    %add3A_468 = arith.constant 0 : i32
    %add3A_469 = arith.addi %mul3A_2, %add3A_468 : i32
    %dma_wait3A_470 = arith.constant 0 : i32
    %dma_wait3A_471 = arith.constant 0 : i32
    %dma_wait3A_472 = tpu.memref_slice %arg4[%add3A_469, %dma_wait3A_470, %dma_wait3A_471] : memref<768x224x224xf32, #tpu.memory_space<hbm>> -> memref<1x224x224xf32, #tpu.memory_space<hbm>>
    %dma_wait3A_473 = arith.constant 0 : i32
    %dma_wait3A_474 = arith.constant 0 : i32
    %dma_wait3A_475 = tpu.memref_slice %arg4[%add3A_469, %dma_wait3A_473, %dma_wait3A_474] : memref<768x224x224xf32, #tpu.memory_space<hbm>> -> memref<1x224x224xf32, #tpu.memory_space<hbm>>
    tpu.wait_dma2 semaphore(%arg10 : memref<!tpu.dma_semaphore, #tpu.memory_space<semaphore_mem>>) src(%arg6 : memref<1x224x224xf32, #tpu.memory_space<vmem>>) dst(%dma_wait3A_475 : memref<1x224x224xf32, #tpu.memory_space<hbm>>)
    %dma_start3A_476 = arith.constant 0 : i32
    %dma_start3A_477 = arith.constant 0 : i32
    %dma_start3A_478 = tpu.memref_slice %arg2[%add3A_86, %dma_start3A_476, %dma_start3A_477] : memref<768x224x224xf32, #tpu.memory_space<hbm>> -> memref<1x224x224xf32, #tpu.memory_space<hbm>>
    %dma_start3A_479 = arith.constant 0 : i32
    %dma_start3A_480 = arith.constant 0 : i32
    %dma_start3A_481 = tpu.memref_slice %arg2[%add3A_86, %dma_start3A_479, %dma_start3A_480] : memref<768x224x224xf32, #tpu.memory_space<hbm>> -> memref<1x224x224xf32, #tpu.memory_space<hbm>>
    tpu.enqueue_dma source(%dma_start3A_481 : memref<1x224x224xf32, #tpu.memory_space<hbm>>) target(%arg6 : memref<1x224x224xf32, #tpu.memory_space<vmem>>) target_semaphore(%arg8 : memref<!tpu.dma_semaphore, #tpu.memory_space<semaphore_mem>>)
    %dma_wait3A_482 = arith.constant 0 : i32
    %dma_wait3A_483 = arith.constant 0 : i32
    %dma_wait3A_484 = tpu.memref_slice %arg2[%add3A_69, %dma_wait3A_482, %dma_wait3A_483] : memref<768x224x224xf32, #tpu.memory_space<hbm>> -> memref<1x224x224xf32, #tpu.memory_space<hbm>>
    %dma_wait3A_485 = arith.constant 0 : i32
    %dma_wait3A_486 = arith.constant 0 : i32
    %dma_wait3A_487 = tpu.memref_slice %arg2[%add3A_69, %dma_wait3A_485, %dma_wait3A_486] : memref<768x224x224xf32, #tpu.memory_space<hbm>> -> memref<1x224x224xf32, #tpu.memory_space<hbm>>
    tpu.wait_dma2 semaphore(%arg9 : memref<!tpu.dma_semaphore, #tpu.memory_space<semaphore_mem>>) src(%dma_wait3A_487 : memref<1x224x224xf32, #tpu.memory_space<hbm>>) dst(%arg7 : memref<1x224x224xf32, #tpu.memory_space<vmem>>)
    %add3A_488 = arith.constant 1 : i32
    %add3A_489 = arith.addi %mul3A_2, %add3A_488 : i32
    %dma_start3A_490 = arith.constant 0 : i32
    %dma_start3A_491 = arith.constant 0 : i32
    %dma_start3A_492 = tpu.memref_slice %arg4[%add3A_489, %dma_start3A_490, %dma_start3A_491] : memref<768x224x224xf32, #tpu.memory_space<hbm>> -> memref<1x224x224xf32, #tpu.memory_space<hbm>>
    %dma_start3A_493 = arith.constant 0 : i32
    %dma_start3A_494 = arith.constant 0 : i32
    %dma_start3A_495 = tpu.memref_slice %arg4[%add3A_489, %dma_start3A_493, %dma_start3A_494] : memref<768x224x224xf32, #tpu.memory_space<hbm>> -> memref<1x224x224xf32, #tpu.memory_space<hbm>>
    tpu.enqueue_dma source(%arg7 : memref<1x224x224xf32, #tpu.memory_space<vmem>>) target(%dma_start3A_495 : memref<1x224x224xf32, #tpu.memory_space<hbm>>) target_semaphore(%arg11 : memref<!tpu.dma_semaphore, #tpu.memory_space<semaphore_mem>>)
    %add3A_496 = arith.constant 1 : i32
    %add3A_497 = arith.addi %mul3A_2, %add3A_496 : i32
    %dma_wait3A_498 = arith.constant 0 : i32
    %dma_wait3A_499 = arith.constant 0 : i32
    %dma_wait3A_500 = tpu.memref_slice %arg4[%add3A_497, %dma_wait3A_498, %dma_wait3A_499] : memref<768x224x224xf32, #tpu.memory_space<hbm>> -> memref<1x224x224xf32, #tpu.memory_space<hbm>>
    %dma_wait3A_501 = arith.constant 0 : i32
    %dma_wait3A_502 = arith.constant 0 : i32
    %dma_wait3A_503 = tpu.memref_slice %arg4[%add3A_497, %dma_wait3A_501, %dma_wait3A_502] : memref<768x224x224xf32, #tpu.memory_space<hbm>> -> memref<1x224x224xf32, #tpu.memory_space<hbm>>
    tpu.wait_dma2 semaphore(%arg11 : memref<!tpu.dma_semaphore, #tpu.memory_space<semaphore_mem>>) src(%arg7 : memref<1x224x224xf32, #tpu.memory_space<vmem>>) dst(%dma_wait3A_503 : memref<1x224x224xf32, #tpu.memory_space<hbm>>)
    %dma_start3A_504 = arith.constant 0 : i32
    %dma_start3A_505 = arith.constant 0 : i32
    %dma_start3A_506 = tpu.memref_slice %arg2[%add3A_103, %dma_start3A_504, %dma_start3A_505] : memref<768x224x224xf32, #tpu.memory_space<hbm>> -> memref<1x224x224xf32, #tpu.memory_space<hbm>>
    %dma_start3A_507 = arith.constant 0 : i32
    %dma_start3A_508 = arith.constant 0 : i32
    %dma_start3A_509 = tpu.memref_slice %arg2[%add3A_103, %dma_start3A_507, %dma_start3A_508] : memref<768x224x224xf32, #tpu.memory_space<hbm>> -> memref<1x224x224xf32, #tpu.memory_space<hbm>>
    tpu.enqueue_dma source(%dma_start3A_509 : memref<1x224x224xf32, #tpu.memory_space<hbm>>) target(%arg7 : memref<1x224x224xf32, #tpu.memory_space<vmem>>) target_semaphore(%arg9 : memref<!tpu.dma_semaphore, #tpu.memory_space<semaphore_mem>>)
    %dma_wait3A_510 = arith.constant 0 : i32
    %dma_wait3A_511 = arith.constant 0 : i32
    %dma_wait3A_512 = tpu.memref_slice %arg2[%add3A_86, %dma_wait3A_510, %dma_wait3A_511] : memref<768x224x224xf32, #tpu.memory_space<hbm>> -> memref<1x224x224xf32, #tpu.memory_space<hbm>>
    %dma_wait3A_513 = arith.constant 0 : i32
    %dma_wait3A_514 = arith.constant 0 : i32
    %dma_wait3A_515 = tpu.memref_slice %arg2[%add3A_86, %dma_wait3A_513, %dma_wait3A_514] : memref<768x224x224xf32, #tpu.memory_space<hbm>> -> memref<1x224x224xf32, #tpu.memory_space<hbm>>
    tpu.wait_dma2 semaphore(%arg8 : memref<!tpu.dma_semaphore, #tpu.memory_space<semaphore_mem>>) src(%dma_wait3A_515 : memref<1x224x224xf32, #tpu.memory_space<hbm>>) dst(%arg6 : memref<1x224x224xf32, #tpu.memory_space<vmem>>)
    %add3A_516 = arith.constant 2 : i32
    %add3A_517 = arith.addi %mul3A_2, %add3A_516 : i32
    %dma_start3A_518 = arith.constant 0 : i32
    %dma_start3A_519 = arith.constant 0 : i32
    %dma_start3A_520 = tpu.memref_slice %arg4[%add3A_517, %dma_start3A_518, %dma_start3A_519] : memref<768x224x224xf32, #tpu.memory_space<hbm>> -> memref<1x224x224xf32, #tpu.memory_space<hbm>>
    %dma_start3A_521 = arith.constant 0 : i32
    %dma_start3A_522 = arith.constant 0 : i32
    %dma_start3A_523 = tpu.memref_slice %arg4[%add3A_517, %dma_start3A_521, %dma_start3A_522] : memref<768x224x224xf32, #tpu.memory_space<hbm>> -> memref<1x224x224xf32, #tpu.memory_space<hbm>>
    tpu.enqueue_dma source(%arg6 : memref<1x224x224xf32, #tpu.memory_space<vmem>>) target(%dma_start3A_523 : memref<1x224x224xf32, #tpu.memory_space<hbm>>) target_semaphore(%arg10 : memref<!tpu.dma_semaphore, #tpu.memory_space<semaphore_mem>>)
    %add3A_524 = arith.constant 2 : i32
    %add3A_525 = arith.addi %mul3A_2, %add3A_524 : i32
    %dma_wait3A_526 = arith.constant 0 : i32
    %dma_wait3A_527 = arith.constant 0 : i32
    %dma_wait3A_528 = tpu.memref_slice %arg4[%add3A_525, %dma_wait3A_526, %dma_wait3A_527] : memref<768x224x224xf32, #tpu.memory_space<hbm>> -> memref<1x224x224xf32, #tpu.memory_space<hbm>>
    %dma_wait3A_529 = arith.constant 0 : i32
    %dma_wait3A_530 = arith.constant 0 : i32
    %dma_wait3A_531 = tpu.memref_slice %arg4[%add3A_525, %dma_wait3A_529, %dma_wait3A_530] : memref<768x224x224xf32, #tpu.memory_space<hbm>> -> memref<1x224x224xf32, #tpu.memory_space<hbm>>
    tpu.wait_dma2 semaphore(%arg10 : memref<!tpu.dma_semaphore, #tpu.memory_space<semaphore_mem>>) src(%arg6 : memref<1x224x224xf32, #tpu.memory_space<vmem>>) dst(%dma_wait3A_531 : memref<1x224x224xf32, #tpu.memory_space<hbm>>)
    %dma_start3A_532 = arith.constant 0 : i32
    %dma_start3A_533 = arith.constant 0 : i32
    %dma_start3A_534 = tpu.memref_slice %arg2[%add3A_120, %dma_start3A_532, %dma_start3A_533] : memref<768x224x224xf32, #tpu.memory_space<hbm>> -> memref<1x224x224xf32, #tpu.memory_space<hbm>>
    %dma_start3A_535 = arith.constant 0 : i32
    %dma_start3A_536 = arith.constant 0 : i32
    %dma_start3A_537 = tpu.memref_slice %arg2[%add3A_120, %dma_start3A_535, %dma_start3A_536] : memref<768x224x224xf32, #tpu.memory_space<hbm>> -> memref<1x224x224xf32, #tpu.memory_space<hbm>>
    tpu.enqueue_dma source(%dma_start3A_537 : memref<1x224x224xf32, #tpu.memory_space<hbm>>) target(%arg6 : memref<1x224x224xf32, #tpu.memory_space<vmem>>) target_semaphore(%arg8 : memref<!tpu.dma_semaphore, #tpu.memory_space<semaphore_mem>>)
    %dma_wait3A_538 = arith.constant 0 : i32
    %dma_wait3A_539 = arith.constant 0 : i32
    %dma_wait3A_540 = tpu.memref_slice %arg2[%add3A_103, %dma_wait3A_538, %dma_wait3A_539] : memref<768x224x224xf32, #tpu.memory_space<hbm>> -> memref<1x224x224xf32, #tpu.memory_space<hbm>>
    %dma_wait3A_541 = arith.constant 0 : i32
    %dma_wait3A_542 = arith.constant 0 : i32
    %dma_wait3A_543 = tpu.memref_slice %arg2[%add3A_103, %dma_wait3A_541, %dma_wait3A_542] : memref<768x224x224xf32, #tpu.memory_space<hbm>> -> memref<1x224x224xf32, #tpu.memory_space<hbm>>
    tpu.wait_dma2 semaphore(%arg9 : memref<!tpu.dma_semaphore, #tpu.memory_space<semaphore_mem>>) src(%dma_wait3A_543 : memref<1x224x224xf32, #tpu.memory_space<hbm>>) dst(%arg7 : memref<1x224x224xf32, #tpu.memory_space<vmem>>)
    %add3A_544 = arith.constant 3 : i32
    %add3A_545 = arith.addi %mul3A_2, %add3A_544 : i32
    %dma_start3A_546 = arith.constant 0 : i32
    %dma_start3A_547 = arith.constant 0 : i32
    %dma_start3A_548 = tpu.memref_slice %arg4[%add3A_545, %dma_start3A_546, %dma_start3A_547] : memref<768x224x224xf32, #tpu.memory_space<hbm>> -> memref<1x224x224xf32, #tpu.memory_space<hbm>>
    %dma_start3A_549 = arith.constant 0 : i32
    %dma_start3A_550 = arith.constant 0 : i32
    %dma_start3A_551 = tpu.memref_slice %arg4[%add3A_545, %dma_start3A_549, %dma_start3A_550] : memref<768x224x224xf32, #tpu.memory_space<hbm>> -> memref<1x224x224xf32, #tpu.memory_space<hbm>>
    tpu.enqueue_dma source(%arg7 : memref<1x224x224xf32, #tpu.memory_space<vmem>>) target(%dma_start3A_551 : memref<1x224x224xf32, #tpu.memory_space<hbm>>) target_semaphore(%arg11 : memref<!tpu.dma_semaphore, #tpu.memory_space<semaphore_mem>>)
    %add3A_552 = arith.constant 3 : i32
    %add3A_553 = arith.addi %mul3A_2, %add3A_552 : i32
    %dma_wait3A_554 = arith.constant 0 : i32
    %dma_wait3A_555 = arith.constant 0 : i32
    %dma_wait3A_556 = tpu.memref_slice %arg4[%add3A_553, %dma_wait3A_554, %dma_wait3A_555] : memref<768x224x224xf32, #tpu.memory_space<hbm>> -> memref<1x224x224xf32, #tpu.memory_space<hbm>>
    %dma_wait3A_557 = arith.constant 0 : i32
    %dma_wait3A_558 = arith.constant 0 : i32
    %dma_wait3A_559 = tpu.memref_slice %arg4[%add3A_553, %dma_wait3A_557, %dma_wait3A_558] : memref<768x224x224xf32, #tpu.memory_space<hbm>> -> memref<1x224x224xf32, #tpu.memory_space<hbm>>
    tpu.wait_dma2 semaphore(%arg11 : memref<!tpu.dma_semaphore, #tpu.memory_space<semaphore_mem>>) src(%arg7 : memref<1x224x224xf32, #tpu.memory_space<vmem>>) dst(%dma_wait3A_559 : memref<1x224x224xf32, #tpu.memory_space<hbm>>)
    %dma_start3A_560 = arith.constant 0 : i32
    %dma_start3A_561 = arith.constant 0 : i32
    %dma_start3A_562 = tpu.memref_slice %arg2[%add3A_137, %dma_start3A_560, %dma_start3A_561] : memref<768x224x224xf32, #tpu.memory_space<hbm>> -> memref<1x224x224xf32, #tpu.memory_space<hbm>>
    %dma_start3A_563 = arith.constant 0 : i32
    %dma_start3A_564 = arith.constant 0 : i32
    %dma_start3A_565 = tpu.memref_slice %arg2[%add3A_137, %dma_start3A_563, %dma_start3A_564] : memref<768x224x224xf32, #tpu.memory_space<hbm>> -> memref<1x224x224xf32, #tpu.memory_space<hbm>>
    tpu.enqueue_dma source(%dma_start3A_565 : memref<1x224x224xf32, #tpu.memory_space<hbm>>) target(%arg7 : memref<1x224x224xf32, #tpu.memory_space<vmem>>) target_semaphore(%arg9 : memref<!tpu.dma_semaphore, #tpu.memory_space<semaphore_mem>>)
    %dma_wait3A_566 = arith.constant 0 : i32
    %dma_wait3A_567 = arith.constant 0 : i32
    %dma_wait3A_568 = tpu.memref_slice %arg2[%add3A_120, %dma_wait3A_566, %dma_wait3A_567] : memref<768x224x224xf32, #tpu.memory_space<hbm>> -> memref<1x224x224xf32, #tpu.memory_space<hbm>>
    %dma_wait3A_569 = arith.constant 0 : i32
    %dma_wait3A_570 = arith.constant 0 : i32
    %dma_wait3A_571 = tpu.memref_slice %arg2[%add3A_120, %dma_wait3A_569, %dma_wait3A_570] : memref<768x224x224xf32, #tpu.memory_space<hbm>> -> memref<1x224x224xf32, #tpu.memory_space<hbm>>
    tpu.wait_dma2 semaphore(%arg8 : memref<!tpu.dma_semaphore, #tpu.memory_space<semaphore_mem>>) src(%dma_wait3A_571 : memref<1x224x224xf32, #tpu.memory_space<hbm>>) dst(%arg6 : memref<1x224x224xf32, #tpu.memory_space<vmem>>)
    %add3A_572 = arith.constant 4 : i32
    %add3A_573 = arith.addi %mul3A_2, %add3A_572 : i32
    %dma_start3A_574 = arith.constant 0 : i32
    %dma_start3A_575 = arith.constant 0 : i32
    %dma_start3A_576 = tpu.memref_slice %arg4[%add3A_573, %dma_start3A_574, %dma_start3A_575] : memref<768x224x224xf32, #tpu.memory_space<hbm>> -> memref<1x224x224xf32, #tpu.memory_space<hbm>>
    %dma_start3A_577 = arith.constant 0 : i32
    %dma_start3A_578 = arith.constant 0 : i32
    %dma_start3A_579 = tpu.memref_slice %arg4[%add3A_573, %dma_start3A_577, %dma_start3A_578] : memref<768x224x224xf32, #tpu.memory_space<hbm>> -> memref<1x224x224xf32, #tpu.memory_space<hbm>>
    tpu.enqueue_dma source(%arg6 : memref<1x224x224xf32, #tpu.memory_space<vmem>>) target(%dma_start3A_579 : memref<1x224x224xf32, #tpu.memory_space<hbm>>) target_semaphore(%arg10 : memref<!tpu.dma_semaphore, #tpu.memory_space<semaphore_mem>>)
    %add3A_580 = arith.constant 4 : i32
    %add3A_581 = arith.addi %mul3A_2, %add3A_580 : i32
    %dma_wait3A_582 = arith.constant 0 : i32
    %dma_wait3A_583 = arith.constant 0 : i32
    %dma_wait3A_584 = tpu.memref_slice %arg4[%add3A_581, %dma_wait3A_582, %dma_wait3A_583] : memref<768x224x224xf32, #tpu.memory_space<hbm>> -> memref<1x224x224xf32, #tpu.memory_space<hbm>>
    %dma_wait3A_585 = arith.constant 0 : i32
    %dma_wait3A_586 = arith.constant 0 : i32
    %dma_wait3A_587 = tpu.memref_slice %arg4[%add3A_581, %dma_wait3A_585, %dma_wait3A_586] : memref<768x224x224xf32, #tpu.memory_space<hbm>> -> memref<1x224x224xf32, #tpu.memory_space<hbm>>
    tpu.wait_dma2 semaphore(%arg10 : memref<!tpu.dma_semaphore, #tpu.memory_space<semaphore_mem>>) src(%arg6 : memref<1x224x224xf32, #tpu.memory_space<vmem>>) dst(%dma_wait3A_587 : memref<1x224x224xf32, #tpu.memory_space<hbm>>)
    %dma_start3A_588 = arith.constant 0 : i32
    %dma_start3A_589 = arith.constant 0 : i32
    %dma_start3A_590 = tpu.memref_slice %arg2[%add3A_154, %dma_start3A_588, %dma_start3A_589] : memref<768x224x224xf32, #tpu.memory_space<hbm>> -> memref<1x224x224xf32, #tpu.memory_space<hbm>>
    %dma_start3A_591 = arith.constant 0 : i32
    %dma_start3A_592 = arith.constant 0 : i32
    %dma_start3A_593 = tpu.memref_slice %arg2[%add3A_154, %dma_start3A_591, %dma_start3A_592] : memref<768x224x224xf32, #tpu.memory_space<hbm>> -> memref<1x224x224xf32, #tpu.memory_space<hbm>>
    tpu.enqueue_dma source(%dma_start3A_593 : memref<1x224x224xf32, #tpu.memory_space<hbm>>) target(%arg6 : memref<1x224x224xf32, #tpu.memory_space<vmem>>) target_semaphore(%arg8 : memref<!tpu.dma_semaphore, #tpu.memory_space<semaphore_mem>>)
    %dma_wait3A_594 = arith.constant 0 : i32
    %dma_wait3A_595 = arith.constant 0 : i32
    %dma_wait3A_596 = tpu.memref_slice %arg2[%add3A_137, %dma_wait3A_594, %dma_wait3A_595] : memref<768x224x224xf32, #tpu.memory_space<hbm>> -> memref<1x224x224xf32, #tpu.memory_space<hbm>>
    %dma_wait3A_597 = arith.constant 0 : i32
    %dma_wait3A_598 = arith.constant 0 : i32
    %dma_wait3A_599 = tpu.memref_slice %arg2[%add3A_137, %dma_wait3A_597, %dma_wait3A_598] : memref<768x224x224xf32, #tpu.memory_space<hbm>> -> memref<1x224x224xf32, #tpu.memory_space<hbm>>
    tpu.wait_dma2 semaphore(%arg9 : memref<!tpu.dma_semaphore, #tpu.memory_space<semaphore_mem>>) src(%dma_wait3A_599 : memref<1x224x224xf32, #tpu.memory_space<hbm>>) dst(%arg7 : memref<1x224x224xf32, #tpu.memory_space<vmem>>)
    %add3A_600 = arith.constant 5 : i32
    %add3A_601 = arith.addi %mul3A_2, %add3A_600 : i32
    %dma_start3A_602 = arith.constant 0 : i32
    %dma_start3A_603 = arith.constant 0 : i32
    %dma_start3A_604 = tpu.memref_slice %arg4[%add3A_601, %dma_start3A_602, %dma_start3A_603] : memref<768x224x224xf32, #tpu.memory_space<hbm>> -> memref<1x224x224xf32, #tpu.memory_space<hbm>>
    %dma_start3A_605 = arith.constant 0 : i32
    %dma_start3A_606 = arith.constant 0 : i32
    %dma_start3A_607 = tpu.memref_slice %arg4[%add3A_601, %dma_start3A_605, %dma_start3A_606] : memref<768x224x224xf32, #tpu.memory_space<hbm>> -> memref<1x224x224xf32, #tpu.memory_space<hbm>>
    tpu.enqueue_dma source(%arg7 : memref<1x224x224xf32, #tpu.memory_space<vmem>>) target(%dma_start3A_607 : memref<1x224x224xf32, #tpu.memory_space<hbm>>) target_semaphore(%arg11 : memref<!tpu.dma_semaphore, #tpu.memory_space<semaphore_mem>>)
    %add3A_608 = arith.constant 5 : i32
    %add3A_609 = arith.addi %mul3A_2, %add3A_608 : i32
    %dma_wait3A_610 = arith.constant 0 : i32
    %dma_wait3A_611 = arith.constant 0 : i32
    %dma_wait3A_612 = tpu.memref_slice %arg4[%add3A_609, %dma_wait3A_610, %dma_wait3A_611] : memref<768x224x224xf32, #tpu.memory_space<hbm>> -> memref<1x224x224xf32, #tpu.memory_space<hbm>>
    %dma_wait3A_613 = arith.constant 0 : i32
    %dma_wait3A_614 = arith.constant 0 : i32
    %dma_wait3A_615 = tpu.memref_slice %arg4[%add3A_609, %dma_wait3A_613, %dma_wait3A_614] : memref<768x224x224xf32, #tpu.memory_space<hbm>> -> memref<1x224x224xf32, #tpu.memory_space<hbm>>
    tpu.wait_dma2 semaphore(%arg11 : memref<!tpu.dma_semaphore, #tpu.memory_space<semaphore_mem>>) src(%arg7 : memref<1x224x224xf32, #tpu.memory_space<vmem>>) dst(%dma_wait3A_615 : memref<1x224x224xf32, #tpu.memory_space<hbm>>)
    %dma_start3A_616 = arith.constant 0 : i32
    %dma_start3A_617 = arith.constant 0 : i32
    %dma_start3A_618 = tpu.memref_slice %arg2[%add3A_171, %dma_start3A_616, %dma_start3A_617] : memref<768x224x224xf32, #tpu.memory_space<hbm>> -> memref<1x224x224xf32, #tpu.memory_space<hbm>>
    %dma_start3A_619 = arith.constant 0 : i32
    %dma_start3A_620 = arith.constant 0 : i32
    %dma_start3A_621 = tpu.memref_slice %arg2[%add3A_171, %dma_start3A_619, %dma_start3A_620] : memref<768x224x224xf32, #tpu.memory_space<hbm>> -> memref<1x224x224xf32, #tpu.memory_space<hbm>>
    tpu.enqueue_dma source(%dma_start3A_621 : memref<1x224x224xf32, #tpu.memory_space<hbm>>) target(%arg7 : memref<1x224x224xf32, #tpu.memory_space<vmem>>) target_semaphore(%arg9 : memref<!tpu.dma_semaphore, #tpu.memory_space<semaphore_mem>>)
    %dma_wait3A_622 = arith.constant 0 : i32
    %dma_wait3A_623 = arith.constant 0 : i32
    %dma_wait3A_624 = tpu.memref_slice %arg2[%add3A_154, %dma_wait3A_622, %dma_wait3A_623] : memref<768x224x224xf32, #tpu.memory_space<hbm>> -> memref<1x224x224xf32, #tpu.memory_space<hbm>>
    %dma_wait3A_625 = arith.constant 0 : i32
    %dma_wait3A_626 = arith.constant 0 : i32
    %dma_wait3A_627 = tpu.memref_slice %arg2[%add3A_154, %dma_wait3A_625, %dma_wait3A_626] : memref<768x224x224xf32, #tpu.memory_space<hbm>> -> memref<1x224x224xf32, #tpu.memory_space<hbm>>
    tpu.wait_dma2 semaphore(%arg8 : memref<!tpu.dma_semaphore, #tpu.memory_space<semaphore_mem>>) src(%dma_wait3A_627 : memref<1x224x224xf32, #tpu.memory_space<hbm>>) dst(%arg6 : memref<1x224x224xf32, #tpu.memory_space<vmem>>)
    %add3A_628 = arith.constant 6 : i32
    %add3A_629 = arith.addi %mul3A_2, %add3A_628 : i32
    %dma_start3A_630 = arith.constant 0 : i32
    %dma_start3A_631 = arith.constant 0 : i32
    %dma_start3A_632 = tpu.memref_slice %arg4[%add3A_629, %dma_start3A_630, %dma_start3A_631] : memref<768x224x224xf32, #tpu.memory_space<hbm>> -> memref<1x224x224xf32, #tpu.memory_space<hbm>>
    %dma_start3A_633 = arith.constant 0 : i32
    %dma_start3A_634 = arith.constant 0 : i32
    %dma_start3A_635 = tpu.memref_slice %arg4[%add3A_629, %dma_start3A_633, %dma_start3A_634] : memref<768x224x224xf32, #tpu.memory_space<hbm>> -> memref<1x224x224xf32, #tpu.memory_space<hbm>>
    tpu.enqueue_dma source(%arg6 : memref<1x224x224xf32, #tpu.memory_space<vmem>>) target(%dma_start3A_635 : memref<1x224x224xf32, #tpu.memory_space<hbm>>) target_semaphore(%arg10 : memref<!tpu.dma_semaphore, #tpu.memory_space<semaphore_mem>>)
    %add3A_636 = arith.constant 6 : i32
    %add3A_637 = arith.addi %mul3A_2, %add3A_636 : i32
    %dma_wait3A_638 = arith.constant 0 : i32
    %dma_wait3A_639 = arith.constant 0 : i32
    %dma_wait3A_640 = tpu.memref_slice %arg4[%add3A_637, %dma_wait3A_638, %dma_wait3A_639] : memref<768x224x224xf32, #tpu.memory_space<hbm>> -> memref<1x224x224xf32, #tpu.memory_space<hbm>>
    %dma_wait3A_641 = arith.constant 0 : i32
    %dma_wait3A_642 = arith.constant 0 : i32
    %dma_wait3A_643 = tpu.memref_slice %arg4[%add3A_637, %dma_wait3A_641, %dma_wait3A_642] : memref<768x224x224xf32, #tpu.memory_space<hbm>> -> memref<1x224x224xf32, #tpu.memory_space<hbm>>
    tpu.wait_dma2 semaphore(%arg10 : memref<!tpu.dma_semaphore, #tpu.memory_space<semaphore_mem>>) src(%arg6 : memref<1x224x224xf32, #tpu.memory_space<vmem>>) dst(%dma_wait3A_643 : memref<1x224x224xf32, #tpu.memory_space<hbm>>)
    %dma_start3A_644 = arith.constant 0 : i32
    %dma_start3A_645 = arith.constant 0 : i32
    %dma_start3A_646 = tpu.memref_slice %arg2[%add3A_188, %dma_start3A_644, %dma_start3A_645] : memref<768x224x224xf32, #tpu.memory_space<hbm>> -> memref<1x224x224xf32, #tpu.memory_space<hbm>>
    %dma_start3A_647 = arith.constant 0 : i32
    %dma_start3A_648 = arith.constant 0 : i32
    %dma_start3A_649 = tpu.memref_slice %arg2[%add3A_188, %dma_start3A_647, %dma_start3A_648] : memref<768x224x224xf32, #tpu.memory_space<hbm>> -> memref<1x224x224xf32, #tpu.memory_space<hbm>>
    tpu.enqueue_dma source(%dma_start3A_649 : memref<1x224x224xf32, #tpu.memory_space<hbm>>) target(%arg6 : memref<1x224x224xf32, #tpu.memory_space<vmem>>) target_semaphore(%arg8 : memref<!tpu.dma_semaphore, #tpu.memory_space<semaphore_mem>>)
    %dma_wait3A_650 = arith.constant 0 : i32
    %dma_wait3A_651 = arith.constant 0 : i32
    %dma_wait3A_652 = tpu.memref_slice %arg2[%add3A_171, %dma_wait3A_650, %dma_wait3A_651] : memref<768x224x224xf32, #tpu.memory_space<hbm>> -> memref<1x224x224xf32, #tpu.memory_space<hbm>>
    %dma_wait3A_653 = arith.constant 0 : i32
    %dma_wait3A_654 = arith.constant 0 : i32
    %dma_wait3A_655 = tpu.memref_slice %arg2[%add3A_171, %dma_wait3A_653, %dma_wait3A_654] : memref<768x224x224xf32, #tpu.memory_space<hbm>> -> memref<1x224x224xf32, #tpu.memory_space<hbm>>
    tpu.wait_dma2 semaphore(%arg9 : memref<!tpu.dma_semaphore, #tpu.memory_space<semaphore_mem>>) src(%dma_wait3A_655 : memref<1x224x224xf32, #tpu.memory_space<hbm>>) dst(%arg7 : memref<1x224x224xf32, #tpu.memory_space<vmem>>)
    %add3A_656 = arith.constant 7 : i32
    %add3A_657 = arith.addi %mul3A_2, %add3A_656 : i32
    %dma_start3A_658 = arith.constant 0 : i32
    %dma_start3A_659 = arith.constant 0 : i32
    %dma_start3A_660 = tpu.memref_slice %arg4[%add3A_657, %dma_start3A_658, %dma_start3A_659] : memref<768x224x224xf32, #tpu.memory_space<hbm>> -> memref<1x224x224xf32, #tpu.memory_space<hbm>>
    %dma_start3A_661 = arith.constant 0 : i32
    %dma_start3A_662 = arith.constant 0 : i32
    %dma_start3A_663 = tpu.memref_slice %arg4[%add3A_657, %dma_start3A_661, %dma_start3A_662] : memref<768x224x224xf32, #tpu.memory_space<hbm>> -> memref<1x224x224xf32, #tpu.memory_space<hbm>>
    tpu.enqueue_dma source(%arg7 : memref<1x224x224xf32, #tpu.memory_space<vmem>>) target(%dma_start3A_663 : memref<1x224x224xf32, #tpu.memory_space<hbm>>) target_semaphore(%arg11 : memref<!tpu.dma_semaphore, #tpu.memory_space<semaphore_mem>>)
    %add3A_664 = arith.constant 7 : i32
    %add3A_665 = arith.addi %mul3A_2, %add3A_664 : i32
    %dma_wait3A_666 = arith.constant 0 : i32
    %dma_wait3A_667 = arith.constant 0 : i32
    %dma_wait3A_668 = tpu.memref_slice %arg4[%add3A_665, %dma_wait3A_666, %dma_wait3A_667] : memref<768x224x224xf32, #tpu.memory_space<hbm>> -> memref<1x224x224xf32, #tpu.memory_space<hbm>>
    %dma_wait3A_669 = arith.constant 0 : i32
    %dma_wait3A_670 = arith.constant 0 : i32
    %dma_wait3A_671 = tpu.memref_slice %arg4[%add3A_665, %dma_wait3A_669, %dma_wait3A_670] : memref<768x224x224xf32, #tpu.memory_space<hbm>> -> memref<1x224x224xf32, #tpu.memory_space<hbm>>
    tpu.wait_dma2 semaphore(%arg11 : memref<!tpu.dma_semaphore, #tpu.memory_space<semaphore_mem>>) src(%arg7 : memref<1x224x224xf32, #tpu.memory_space<vmem>>) dst(%dma_wait3A_671 : memref<1x224x224xf32, #tpu.memory_space<hbm>>)
    %dma_start3A_672 = arith.constant 0 : i32
    %dma_start3A_673 = arith.constant 0 : i32
    %dma_start3A_674 = tpu.memref_slice %arg2[%add3A_205, %dma_start3A_672, %dma_start3A_673] : memref<768x224x224xf32, #tpu.memory_space<hbm>> -> memref<1x224x224xf32, #tpu.memory_space<hbm>>
    %dma_start3A_675 = arith.constant 0 : i32
    %dma_start3A_676 = arith.constant 0 : i32
    %dma_start3A_677 = tpu.memref_slice %arg2[%add3A_205, %dma_start3A_675, %dma_start3A_676] : memref<768x224x224xf32, #tpu.memory_space<hbm>> -> memref<1x224x224xf32, #tpu.memory_space<hbm>>
    tpu.enqueue_dma source(%dma_start3A_677 : memref<1x224x224xf32, #tpu.memory_space<hbm>>) target(%arg7 : memref<1x224x224xf32, #tpu.memory_space<vmem>>) target_semaphore(%arg9 : memref<!tpu.dma_semaphore, #tpu.memory_space<semaphore_mem>>)
    %dma_wait3A_678 = arith.constant 0 : i32
    %dma_wait3A_679 = arith.constant 0 : i32
    %dma_wait3A_680 = tpu.memref_slice %arg2[%add3A_188, %dma_wait3A_678, %dma_wait3A_679] : memref<768x224x224xf32, #tpu.memory_space<hbm>> -> memref<1x224x224xf32, #tpu.memory_space<hbm>>
    %dma_wait3A_681 = arith.constant 0 : i32
    %dma_wait3A_682 = arith.constant 0 : i32
    %dma_wait3A_683 = tpu.memref_slice %arg2[%add3A_188, %dma_wait3A_681, %dma_wait3A_682] : memref<768x224x224xf32, #tpu.memory_space<hbm>> -> memref<1x224x224xf32, #tpu.memory_space<hbm>>
    tpu.wait_dma2 semaphore(%arg8 : memref<!tpu.dma_semaphore, #tpu.memory_space<semaphore_mem>>) src(%dma_wait3A_683 : memref<1x224x224xf32, #tpu.memory_space<hbm>>) dst(%arg6 : memref<1x224x224xf32, #tpu.memory_space<vmem>>)
    %add3A_684 = arith.constant 8 : i32
    %add3A_685 = arith.addi %mul3A_2, %add3A_684 : i32
    %dma_start3A_686 = arith.constant 0 : i32
    %dma_start3A_687 = arith.constant 0 : i32
    %dma_start3A_688 = tpu.memref_slice %arg4[%add3A_685, %dma_start3A_686, %dma_start3A_687] : memref<768x224x224xf32, #tpu.memory_space<hbm>> -> memref<1x224x224xf32, #tpu.memory_space<hbm>>
    %dma_start3A_689 = arith.constant 0 : i32
    %dma_start3A_690 = arith.constant 0 : i32
    %dma_start3A_691 = tpu.memref_slice %arg4[%add3A_685, %dma_start3A_689, %dma_start3A_690] : memref<768x224x224xf32, #tpu.memory_space<hbm>> -> memref<1x224x224xf32, #tpu.memory_space<hbm>>
    tpu.enqueue_dma source(%arg6 : memref<1x224x224xf32, #tpu.memory_space<vmem>>) target(%dma_start3A_691 : memref<1x224x224xf32, #tpu.memory_space<hbm>>) target_semaphore(%arg10 : memref<!tpu.dma_semaphore, #tpu.memory_space<semaphore_mem>>)
    %add3A_692 = arith.constant 8 : i32
    %add3A_693 = arith.addi %mul3A_2, %add3A_692 : i32
    %dma_wait3A_694 = arith.constant 0 : i32
    %dma_wait3A_695 = arith.constant 0 : i32
    %dma_wait3A_696 = tpu.memref_slice %arg4[%add3A_693, %dma_wait3A_694, %dma_wait3A_695] : memref<768x224x224xf32, #tpu.memory_space<hbm>> -> memref<1x224x224xf32, #tpu.memory_space<hbm>>
    %dma_wait3A_697 = arith.constant 0 : i32
    %dma_wait3A_698 = arith.constant 0 : i32
    %dma_wait3A_699 = tpu.memref_slice %arg4[%add3A_693, %dma_wait3A_697, %dma_wait3A_698] : memref<768x224x224xf32, #tpu.memory_space<hbm>> -> memref<1x224x224xf32, #tpu.memory_space<hbm>>
    tpu.wait_dma2 semaphore(%arg10 : memref<!tpu.dma_semaphore, #tpu.memory_space<semaphore_mem>>) src(%arg6 : memref<1x224x224xf32, #tpu.memory_space<vmem>>) dst(%dma_wait3A_699 : memref<1x224x224xf32, #tpu.memory_space<hbm>>)
    %dma_start3A_700 = arith.constant 0 : i32
    %dma_start3A_701 = arith.constant 0 : i32
    %dma_start3A_702 = tpu.memref_slice %arg2[%add3A_222, %dma_start3A_700, %dma_start3A_701] : memref<768x224x224xf32, #tpu.memory_space<hbm>> -> memref<1x224x224xf32, #tpu.memory_space<hbm>>
    %dma_start3A_703 = arith.constant 0 : i32
    %dma_start3A_704 = arith.constant 0 : i32
    %dma_start3A_705 = tpu.memref_slice %arg2[%add3A_222, %dma_start3A_703, %dma_start3A_704] : memref<768x224x224xf32, #tpu.memory_space<hbm>> -> memref<1x224x224xf32, #tpu.memory_space<hbm>>
    tpu.enqueue_dma source(%dma_start3A_705 : memref<1x224x224xf32, #tpu.memory_space<hbm>>) target(%arg6 : memref<1x224x224xf32, #tpu.memory_space<vmem>>) target_semaphore(%arg8 : memref<!tpu.dma_semaphore, #tpu.memory_space<semaphore_mem>>)
    %dma_wait3A_706 = arith.constant 0 : i32
    %dma_wait3A_707 = arith.constant 0 : i32
    %dma_wait3A_708 = tpu.memref_slice %arg2[%add3A_205, %dma_wait3A_706, %dma_wait3A_707] : memref<768x224x224xf32, #tpu.memory_space<hbm>> -> memref<1x224x224xf32, #tpu.memory_space<hbm>>
    %dma_wait3A_709 = arith.constant 0 : i32
    %dma_wait3A_710 = arith.constant 0 : i32
    %dma_wait3A_711 = tpu.memref_slice %arg2[%add3A_205, %dma_wait3A_709, %dma_wait3A_710] : memref<768x224x224xf32, #tpu.memory_space<hbm>> -> memref<1x224x224xf32, #tpu.memory_space<hbm>>
    tpu.wait_dma2 semaphore(%arg9 : memref<!tpu.dma_semaphore, #tpu.memory_space<semaphore_mem>>) src(%dma_wait3A_711 : memref<1x224x224xf32, #tpu.memory_space<hbm>>) dst(%arg7 : memref<1x224x224xf32, #tpu.memory_space<vmem>>)
    %add3A_712 = arith.constant 9 : i32
    %add3A_713 = arith.addi %mul3A_2, %add3A_712 : i32
    %dma_start3A_714 = arith.constant 0 : i32
    %dma_start3A_715 = arith.constant 0 : i32
    %dma_start3A_716 = tpu.memref_slice %arg4[%add3A_713, %dma_start3A_714, %dma_start3A_715] : memref<768x224x224xf32, #tpu.memory_space<hbm>> -> memref<1x224x224xf32, #tpu.memory_space<hbm>>
    %dma_start3A_717 = arith.constant 0 : i32
    %dma_start3A_718 = arith.constant 0 : i32
    %dma_start3A_719 = tpu.memref_slice %arg4[%add3A_713, %dma_start3A_717, %dma_start3A_718] : memref<768x224x224xf32, #tpu.memory_space<hbm>> -> memref<1x224x224xf32, #tpu.memory_space<hbm>>
    tpu.enqueue_dma source(%arg7 : memref<1x224x224xf32, #tpu.memory_space<vmem>>) target(%dma_start3A_719 : memref<1x224x224xf32, #tpu.memory_space<hbm>>) target_semaphore(%arg11 : memref<!tpu.dma_semaphore, #tpu.memory_space<semaphore_mem>>)
    %add3A_720 = arith.constant 9 : i32
    %add3A_721 = arith.addi %mul3A_2, %add3A_720 : i32
    %dma_wait3A_722 = arith.constant 0 : i32
    %dma_wait3A_723 = arith.constant 0 : i32
    %dma_wait3A_724 = tpu.memref_slice %arg4[%add3A_721, %dma_wait3A_722, %dma_wait3A_723] : memref<768x224x224xf32, #tpu.memory_space<hbm>> -> memref<1x224x224xf32, #tpu.memory_space<hbm>>
    %dma_wait3A_725 = arith.constant 0 : i32
    %dma_wait3A_726 = arith.constant 0 : i32
    %dma_wait3A_727 = tpu.memref_slice %arg4[%add3A_721, %dma_wait3A_725, %dma_wait3A_726] : memref<768x224x224xf32, #tpu.memory_space<hbm>> -> memref<1x224x224xf32, #tpu.memory_space<hbm>>
    tpu.wait_dma2 semaphore(%arg11 : memref<!tpu.dma_semaphore, #tpu.memory_space<semaphore_mem>>) src(%arg7 : memref<1x224x224xf32, #tpu.memory_space<vmem>>) dst(%dma_wait3A_727 : memref<1x224x224xf32, #tpu.memory_space<hbm>>)
    %dma_start3A_728 = arith.constant 0 : i32
    %dma_start3A_729 = arith.constant 0 : i32
    %dma_start3A_730 = tpu.memref_slice %arg2[%add3A_239, %dma_start3A_728, %dma_start3A_729] : memref<768x224x224xf32, #tpu.memory_space<hbm>> -> memref<1x224x224xf32, #tpu.memory_space<hbm>>
    %dma_start3A_731 = arith.constant 0 : i32
    %dma_start3A_732 = arith.constant 0 : i32
    %dma_start3A_733 = tpu.memref_slice %arg2[%add3A_239, %dma_start3A_731, %dma_start3A_732] : memref<768x224x224xf32, #tpu.memory_space<hbm>> -> memref<1x224x224xf32, #tpu.memory_space<hbm>>
    tpu.enqueue_dma source(%dma_start3A_733 : memref<1x224x224xf32, #tpu.memory_space<hbm>>) target(%arg7 : memref<1x224x224xf32, #tpu.memory_space<vmem>>) target_semaphore(%arg9 : memref<!tpu.dma_semaphore, #tpu.memory_space<semaphore_mem>>)
    %dma_wait3A_734 = arith.constant 0 : i32
    %dma_wait3A_735 = arith.constant 0 : i32
    %dma_wait3A_736 = tpu.memref_slice %arg2[%add3A_222, %dma_wait3A_734, %dma_wait3A_735] : memref<768x224x224xf32, #tpu.memory_space<hbm>> -> memref<1x224x224xf32, #tpu.memory_space<hbm>>
    %dma_wait3A_737 = arith.constant 0 : i32
    %dma_wait3A_738 = arith.constant 0 : i32
    %dma_wait3A_739 = tpu.memref_slice %arg2[%add3A_222, %dma_wait3A_737, %dma_wait3A_738] : memref<768x224x224xf32, #tpu.memory_space<hbm>> -> memref<1x224x224xf32, #tpu.memory_space<hbm>>
    tpu.wait_dma2 semaphore(%arg8 : memref<!tpu.dma_semaphore, #tpu.memory_space<semaphore_mem>>) src(%dma_wait3A_739 : memref<1x224x224xf32, #tpu.memory_space<hbm>>) dst(%arg6 : memref<1x224x224xf32, #tpu.memory_space<vmem>>)
    %add3A_740 = arith.constant 10 : i32
    %add3A_741 = arith.addi %mul3A_2, %add3A_740 : i32
    %dma_start3A_742 = arith.constant 0 : i32
    %dma_start3A_743 = arith.constant 0 : i32
    %dma_start3A_744 = tpu.memref_slice %arg4[%add3A_741, %dma_start3A_742, %dma_start3A_743] : memref<768x224x224xf32, #tpu.memory_space<hbm>> -> memref<1x224x224xf32, #tpu.memory_space<hbm>>
    %dma_start3A_745 = arith.constant 0 : i32
    %dma_start3A_746 = arith.constant 0 : i32
    %dma_start3A_747 = tpu.memref_slice %arg4[%add3A_741, %dma_start3A_745, %dma_start3A_746] : memref<768x224x224xf32, #tpu.memory_space<hbm>> -> memref<1x224x224xf32, #tpu.memory_space<hbm>>
    tpu.enqueue_dma source(%arg6 : memref<1x224x224xf32, #tpu.memory_space<vmem>>) target(%dma_start3A_747 : memref<1x224x224xf32, #tpu.memory_space<hbm>>) target_semaphore(%arg10 : memref<!tpu.dma_semaphore, #tpu.memory_space<semaphore_mem>>)
    %add3A_748 = arith.constant 10 : i32
    %add3A_749 = arith.addi %mul3A_2, %add3A_748 : i32
    %dma_wait3A_750 = arith.constant 0 : i32
    %dma_wait3A_751 = arith.constant 0 : i32
    %dma_wait3A_752 = tpu.memref_slice %arg4[%add3A_749, %dma_wait3A_750, %dma_wait3A_751] : memref<768x224x224xf32, #tpu.memory_space<hbm>> -> memref<1x224x224xf32, #tpu.memory_space<hbm>>
    %dma_wait3A_753 = arith.constant 0 : i32
    %dma_wait3A_754 = arith.constant 0 : i32
    %dma_wait3A_755 = tpu.memref_slice %arg4[%add3A_749, %dma_wait3A_753, %dma_wait3A_754] : memref<768x224x224xf32, #tpu.memory_space<hbm>> -> memref<1x224x224xf32, #tpu.memory_space<hbm>>
    tpu.wait_dma2 semaphore(%arg10 : memref<!tpu.dma_semaphore, #tpu.memory_space<semaphore_mem>>) src(%arg6 : memref<1x224x224xf32, #tpu.memory_space<vmem>>) dst(%dma_wait3A_755 : memref<1x224x224xf32, #tpu.memory_space<hbm>>)
    %dma_start3A_756 = arith.constant 0 : i32
    %dma_start3A_757 = arith.constant 0 : i32
    %dma_start3A_758 = tpu.memref_slice %arg2[%add3A_256, %dma_start3A_756, %dma_start3A_757] : memref<768x224x224xf32, #tpu.memory_space<hbm>> -> memref<1x224x224xf32, #tpu.memory_space<hbm>>
    %dma_start3A_759 = arith.constant 0 : i32
    %dma_start3A_760 = arith.constant 0 : i32
    %dma_start3A_761 = tpu.memref_slice %arg2[%add3A_256, %dma_start3A_759, %dma_start3A_760] : memref<768x224x224xf32, #tpu.memory_space<hbm>> -> memref<1x224x224xf32, #tpu.memory_space<hbm>>
    tpu.enqueue_dma source(%dma_start3A_761 : memref<1x224x224xf32, #tpu.memory_space<hbm>>) target(%arg6 : memref<1x224x224xf32, #tpu.memory_space<vmem>>) target_semaphore(%arg8 : memref<!tpu.dma_semaphore, #tpu.memory_space<semaphore_mem>>)
    %dma_wait3A_762 = arith.constant 0 : i32
    %dma_wait3A_763 = arith.constant 0 : i32
    %dma_wait3A_764 = tpu.memref_slice %arg2[%add3A_239, %dma_wait3A_762, %dma_wait3A_763] : memref<768x224x224xf32, #tpu.memory_space<hbm>> -> memref<1x224x224xf32, #tpu.memory_space<hbm>>
    %dma_wait3A_765 = arith.constant 0 : i32
    %dma_wait3A_766 = arith.constant 0 : i32
    %dma_wait3A_767 = tpu.memref_slice %arg2[%add3A_239, %dma_wait3A_765, %dma_wait3A_766] : memref<768x224x224xf32, #tpu.memory_space<hbm>> -> memref<1x224x224xf32, #tpu.memory_space<hbm>>
    tpu.wait_dma2 semaphore(%arg9 : memref<!tpu.dma_semaphore, #tpu.memory_space<semaphore_mem>>) src(%dma_wait3A_767 : memref<1x224x224xf32, #tpu.memory_space<hbm>>) dst(%arg7 : memref<1x224x224xf32, #tpu.memory_space<vmem>>)
    %add3A_768 = arith.constant 11 : i32
    %add3A_769 = arith.addi %mul3A_2, %add3A_768 : i32
    %dma_start3A_770 = arith.constant 0 : i32
    %dma_start3A_771 = arith.constant 0 : i32
    %dma_start3A_772 = tpu.memref_slice %arg4[%add3A_769, %dma_start3A_770, %dma_start3A_771] : memref<768x224x224xf32, #tpu.memory_space<hbm>> -> memref<1x224x224xf32, #tpu.memory_space<hbm>>
    %dma_start3A_773 = arith.constant 0 : i32
    %dma_start3A_774 = arith.constant 0 : i32
    %dma_start3A_775 = tpu.memref_slice %arg4[%add3A_769, %dma_start3A_773, %dma_start3A_774] : memref<768x224x224xf32, #tpu.memory_space<hbm>> -> memref<1x224x224xf32, #tpu.memory_space<hbm>>
    tpu.enqueue_dma source(%arg7 : memref<1x224x224xf32, #tpu.memory_space<vmem>>) target(%dma_start3A_775 : memref<1x224x224xf32, #tpu.memory_space<hbm>>) target_semaphore(%arg11 : memref<!tpu.dma_semaphore, #tpu.memory_space<semaphore_mem>>)
    %add3A_776 = arith.constant 11 : i32
    %add3A_777 = arith.addi %mul3A_2, %add3A_776 : i32
    %dma_wait3A_778 = arith.constant 0 : i32
    %dma_wait3A_779 = arith.constant 0 : i32
    %dma_wait3A_780 = tpu.memref_slice %arg4[%add3A_777, %dma_wait3A_778, %dma_wait3A_779] : memref<768x224x224xf32, #tpu.memory_space<hbm>> -> memref<1x224x224xf32, #tpu.memory_space<hbm>>
    %dma_wait3A_781 = arith.constant 0 : i32
    %dma_wait3A_782 = arith.constant 0 : i32
    %dma_wait3A_783 = tpu.memref_slice %arg4[%add3A_777, %dma_wait3A_781, %dma_wait3A_782] : memref<768x224x224xf32, #tpu.memory_space<hbm>> -> memref<1x224x224xf32, #tpu.memory_space<hbm>>
    tpu.wait_dma2 semaphore(%arg11 : memref<!tpu.dma_semaphore, #tpu.memory_space<semaphore_mem>>) src(%arg7 : memref<1x224x224xf32, #tpu.memory_space<vmem>>) dst(%dma_wait3A_783 : memref<1x224x224xf32, #tpu.memory_space<hbm>>)
    %dma_start3A_784 = arith.constant 0 : i32
    %dma_start3A_785 = arith.constant 0 : i32
    %dma_start3A_786 = tpu.memref_slice %arg2[%add3A_273, %dma_start3A_784, %dma_start3A_785] : memref<768x224x224xf32, #tpu.memory_space<hbm>> -> memref<1x224x224xf32, #tpu.memory_space<hbm>>
    %dma_start3A_787 = arith.constant 0 : i32
    %dma_start3A_788 = arith.constant 0 : i32
    %dma_start3A_789 = tpu.memref_slice %arg2[%add3A_273, %dma_start3A_787, %dma_start3A_788] : memref<768x224x224xf32, #tpu.memory_space<hbm>> -> memref<1x224x224xf32, #tpu.memory_space<hbm>>
    tpu.enqueue_dma source(%dma_start3A_789 : memref<1x224x224xf32, #tpu.memory_space<hbm>>) target(%arg7 : memref<1x224x224xf32, #tpu.memory_space<vmem>>) target_semaphore(%arg9 : memref<!tpu.dma_semaphore, #tpu.memory_space<semaphore_mem>>)
    %dma_wait3A_790 = arith.constant 0 : i32
    %dma_wait3A_791 = arith.constant 0 : i32
    %dma_wait3A_792 = tpu.memref_slice %arg2[%add3A_256, %dma_wait3A_790, %dma_wait3A_791] : memref<768x224x224xf32, #tpu.memory_space<hbm>> -> memref<1x224x224xf32, #tpu.memory_space<hbm>>
    %dma_wait3A_793 = arith.constant 0 : i32
    %dma_wait3A_794 = arith.constant 0 : i32
    %dma_wait3A_795 = tpu.memref_slice %arg2[%add3A_256, %dma_wait3A_793, %dma_wait3A_794] : memref<768x224x224xf32, #tpu.memory_space<hbm>> -> memref<1x224x224xf32, #tpu.memory_space<hbm>>
    tpu.wait_dma2 semaphore(%arg8 : memref<!tpu.dma_semaphore, #tpu.memory_space<semaphore_mem>>) src(%dma_wait3A_795 : memref<1x224x224xf32, #tpu.memory_space<hbm>>) dst(%arg6 : memref<1x224x224xf32, #tpu.memory_space<vmem>>)
    %add3A_796 = arith.constant 12 : i32
    %add3A_797 = arith.addi %mul3A_2, %add3A_796 : i32
    %dma_start3A_798 = arith.constant 0 : i32
    %dma_start3A_799 = arith.constant 0 : i32
    %dma_start3A_800 = tpu.memref_slice %arg4[%add3A_797, %dma_start3A_798, %dma_start3A_799] : memref<768x224x224xf32, #tpu.memory_space<hbm>> -> memref<1x224x224xf32, #tpu.memory_space<hbm>>
    %dma_start3A_801 = arith.constant 0 : i32
    %dma_start3A_802 = arith.constant 0 : i32
    %dma_start3A_803 = tpu.memref_slice %arg4[%add3A_797, %dma_start3A_801, %dma_start3A_802] : memref<768x224x224xf32, #tpu.memory_space<hbm>> -> memref<1x224x224xf32, #tpu.memory_space<hbm>>
    tpu.enqueue_dma source(%arg6 : memref<1x224x224xf32, #tpu.memory_space<vmem>>) target(%dma_start3A_803 : memref<1x224x224xf32, #tpu.memory_space<hbm>>) target_semaphore(%arg10 : memref<!tpu.dma_semaphore, #tpu.memory_space<semaphore_mem>>)
    %add3A_804 = arith.constant 12 : i32
    %add3A_805 = arith.addi %mul3A_2, %add3A_804 : i32
    %dma_wait3A_806 = arith.constant 0 : i32
    %dma_wait3A_807 = arith.constant 0 : i32
    %dma_wait3A_808 = tpu.memref_slice %arg4[%add3A_805, %dma_wait3A_806, %dma_wait3A_807] : memref<768x224x224xf32, #tpu.memory_space<hbm>> -> memref<1x224x224xf32, #tpu.memory_space<hbm>>
    %dma_wait3A_809 = arith.constant 0 : i32
    %dma_wait3A_810 = arith.constant 0 : i32
    %dma_wait3A_811 = tpu.memref_slice %arg4[%add3A_805, %dma_wait3A_809, %dma_wait3A_810] : memref<768x224x224xf32, #tpu.memory_space<hbm>> -> memref<1x224x224xf32, #tpu.memory_space<hbm>>
    tpu.wait_dma2 semaphore(%arg10 : memref<!tpu.dma_semaphore, #tpu.memory_space<semaphore_mem>>) src(%arg6 : memref<1x224x224xf32, #tpu.memory_space<vmem>>) dst(%dma_wait3A_811 : memref<1x224x224xf32, #tpu.memory_space<hbm>>)
    %dma_start3A_812 = arith.constant 0 : i32
    %dma_start3A_813 = arith.constant 0 : i32
    %dma_start3A_814 = tpu.memref_slice %arg2[%add3A_290, %dma_start3A_812, %dma_start3A_813] : memref<768x224x224xf32, #tpu.memory_space<hbm>> -> memref<1x224x224xf32, #tpu.memory_space<hbm>>
    %dma_start3A_815 = arith.constant 0 : i32
    %dma_start3A_816 = arith.constant 0 : i32
    %dma_start3A_817 = tpu.memref_slice %arg2[%add3A_290, %dma_start3A_815, %dma_start3A_816] : memref<768x224x224xf32, #tpu.memory_space<hbm>> -> memref<1x224x224xf32, #tpu.memory_space<hbm>>
    tpu.enqueue_dma source(%dma_start3A_817 : memref<1x224x224xf32, #tpu.memory_space<hbm>>) target(%arg6 : memref<1x224x224xf32, #tpu.memory_space<vmem>>) target_semaphore(%arg8 : memref<!tpu.dma_semaphore, #tpu.memory_space<semaphore_mem>>)
    %dma_wait3A_818 = arith.constant 0 : i32
    %dma_wait3A_819 = arith.constant 0 : i32
    %dma_wait3A_820 = tpu.memref_slice %arg2[%add3A_273, %dma_wait3A_818, %dma_wait3A_819] : memref<768x224x224xf32, #tpu.memory_space<hbm>> -> memref<1x224x224xf32, #tpu.memory_space<hbm>>
    %dma_wait3A_821 = arith.constant 0 : i32
    %dma_wait3A_822 = arith.constant 0 : i32
    %dma_wait3A_823 = tpu.memref_slice %arg2[%add3A_273, %dma_wait3A_821, %dma_wait3A_822] : memref<768x224x224xf32, #tpu.memory_space<hbm>> -> memref<1x224x224xf32, #tpu.memory_space<hbm>>
    tpu.wait_dma2 semaphore(%arg9 : memref<!tpu.dma_semaphore, #tpu.memory_space<semaphore_mem>>) src(%dma_wait3A_823 : memref<1x224x224xf32, #tpu.memory_space<hbm>>) dst(%arg7 : memref<1x224x224xf32, #tpu.memory_space<vmem>>)
    %add3A_824 = arith.constant 13 : i32
    %add3A_825 = arith.addi %mul3A_2, %add3A_824 : i32
    %dma_start3A_826 = arith.constant 0 : i32
    %dma_start3A_827 = arith.constant 0 : i32
    %dma_start3A_828 = tpu.memref_slice %arg4[%add3A_825, %dma_start3A_826, %dma_start3A_827] : memref<768x224x224xf32, #tpu.memory_space<hbm>> -> memref<1x224x224xf32, #tpu.memory_space<hbm>>
    %dma_start3A_829 = arith.constant 0 : i32
    %dma_start3A_830 = arith.constant 0 : i32
    %dma_start3A_831 = tpu.memref_slice %arg4[%add3A_825, %dma_start3A_829, %dma_start3A_830] : memref<768x224x224xf32, #tpu.memory_space<hbm>> -> memref<1x224x224xf32, #tpu.memory_space<hbm>>
    tpu.enqueue_dma source(%arg7 : memref<1x224x224xf32, #tpu.memory_space<vmem>>) target(%dma_start3A_831 : memref<1x224x224xf32, #tpu.memory_space<hbm>>) target_semaphore(%arg11 : memref<!tpu.dma_semaphore, #tpu.memory_space<semaphore_mem>>)
    %add3A_832 = arith.constant 13 : i32
    %add3A_833 = arith.addi %mul3A_2, %add3A_832 : i32
    %dma_wait3A_834 = arith.constant 0 : i32
    %dma_wait3A_835 = arith.constant 0 : i32
    %dma_wait3A_836 = tpu.memref_slice %arg4[%add3A_833, %dma_wait3A_834, %dma_wait3A_835] : memref<768x224x224xf32, #tpu.memory_space<hbm>> -> memref<1x224x224xf32, #tpu.memory_space<hbm>>
    %dma_wait3A_837 = arith.constant 0 : i32
    %dma_wait3A_838 = arith.constant 0 : i32
    %dma_wait3A_839 = tpu.memref_slice %arg4[%add3A_833, %dma_wait3A_837, %dma_wait3A_838] : memref<768x224x224xf32, #tpu.memory_space<hbm>> -> memref<1x224x224xf32, #tpu.memory_space<hbm>>
    tpu.wait_dma2 semaphore(%arg11 : memref<!tpu.dma_semaphore, #tpu.memory_space<semaphore_mem>>) src(%arg7 : memref<1x224x224xf32, #tpu.memory_space<vmem>>) dst(%dma_wait3A_839 : memref<1x224x224xf32, #tpu.memory_space<hbm>>)
    %dma_start3A_840 = arith.constant 0 : i32
    %dma_start3A_841 = arith.constant 0 : i32
    %dma_start3A_842 = tpu.memref_slice %arg2[%add3A_307, %dma_start3A_840, %dma_start3A_841] : memref<768x224x224xf32, #tpu.memory_space<hbm>> -> memref<1x224x224xf32, #tpu.memory_space<hbm>>
    %dma_start3A_843 = arith.constant 0 : i32
    %dma_start3A_844 = arith.constant 0 : i32
    %dma_start3A_845 = tpu.memref_slice %arg2[%add3A_307, %dma_start3A_843, %dma_start3A_844] : memref<768x224x224xf32, #tpu.memory_space<hbm>> -> memref<1x224x224xf32, #tpu.memory_space<hbm>>
    tpu.enqueue_dma source(%dma_start3A_845 : memref<1x224x224xf32, #tpu.memory_space<hbm>>) target(%arg7 : memref<1x224x224xf32, #tpu.memory_space<vmem>>) target_semaphore(%arg9 : memref<!tpu.dma_semaphore, #tpu.memory_space<semaphore_mem>>)
    %dma_wait3A_846 = arith.constant 0 : i32
    %dma_wait3A_847 = arith.constant 0 : i32
    %dma_wait3A_848 = tpu.memref_slice %arg2[%add3A_290, %dma_wait3A_846, %dma_wait3A_847] : memref<768x224x224xf32, #tpu.memory_space<hbm>> -> memref<1x224x224xf32, #tpu.memory_space<hbm>>
    %dma_wait3A_849 = arith.constant 0 : i32
    %dma_wait3A_850 = arith.constant 0 : i32
    %dma_wait3A_851 = tpu.memref_slice %arg2[%add3A_290, %dma_wait3A_849, %dma_wait3A_850] : memref<768x224x224xf32, #tpu.memory_space<hbm>> -> memref<1x224x224xf32, #tpu.memory_space<hbm>>
    tpu.wait_dma2 semaphore(%arg8 : memref<!tpu.dma_semaphore, #tpu.memory_space<semaphore_mem>>) src(%dma_wait3A_851 : memref<1x224x224xf32, #tpu.memory_space<hbm>>) dst(%arg6 : memref<1x224x224xf32, #tpu.memory_space<vmem>>)
    %add3A_852 = arith.constant 14 : i32
    %add3A_853 = arith.addi %mul3A_2, %add3A_852 : i32
    %dma_start3A_854 = arith.constant 0 : i32
    %dma_start3A_855 = arith.constant 0 : i32
    %dma_start3A_856 = tpu.memref_slice %arg4[%add3A_853, %dma_start3A_854, %dma_start3A_855] : memref<768x224x224xf32, #tpu.memory_space<hbm>> -> memref<1x224x224xf32, #tpu.memory_space<hbm>>
    %dma_start3A_857 = arith.constant 0 : i32
    %dma_start3A_858 = arith.constant 0 : i32
    %dma_start3A_859 = tpu.memref_slice %arg4[%add3A_853, %dma_start3A_857, %dma_start3A_858] : memref<768x224x224xf32, #tpu.memory_space<hbm>> -> memref<1x224x224xf32, #tpu.memory_space<hbm>>
    tpu.enqueue_dma source(%arg6 : memref<1x224x224xf32, #tpu.memory_space<vmem>>) target(%dma_start3A_859 : memref<1x224x224xf32, #tpu.memory_space<hbm>>) target_semaphore(%arg10 : memref<!tpu.dma_semaphore, #tpu.memory_space<semaphore_mem>>)
    %add3A_860 = arith.constant 14 : i32
    %add3A_861 = arith.addi %mul3A_2, %add3A_860 : i32
    %dma_wait3A_862 = arith.constant 0 : i32
    %dma_wait3A_863 = arith.constant 0 : i32
    %dma_wait3A_864 = tpu.memref_slice %arg4[%add3A_861, %dma_wait3A_862, %dma_wait3A_863] : memref<768x224x224xf32, #tpu.memory_space<hbm>> -> memref<1x224x224xf32, #tpu.memory_space<hbm>>
    %dma_wait3A_865 = arith.constant 0 : i32
    %dma_wait3A_866 = arith.constant 0 : i32
    %dma_wait3A_867 = tpu.memref_slice %arg4[%add3A_861, %dma_wait3A_865, %dma_wait3A_866] : memref<768x224x224xf32, #tpu.memory_space<hbm>> -> memref<1x224x224xf32, #tpu.memory_space<hbm>>
    tpu.wait_dma2 semaphore(%arg10 : memref<!tpu.dma_semaphore, #tpu.memory_space<semaphore_mem>>) src(%arg6 : memref<1x224x224xf32, #tpu.memory_space<vmem>>) dst(%dma_wait3A_867 : memref<1x224x224xf32, #tpu.memory_space<hbm>>)
    %dma_start3A_868 = arith.constant 0 : i32
    %dma_start3A_869 = arith.constant 0 : i32
    %dma_start3A_870 = tpu.memref_slice %arg2[%add3A_324, %dma_start3A_868, %dma_start3A_869] : memref<768x224x224xf32, #tpu.memory_space<hbm>> -> memref<1x224x224xf32, #tpu.memory_space<hbm>>
    %dma_start3A_871 = arith.constant 0 : i32
    %dma_start3A_872 = arith.constant 0 : i32
    %dma_start3A_873 = tpu.memref_slice %arg2[%add3A_324, %dma_start3A_871, %dma_start3A_872] : memref<768x224x224xf32, #tpu.memory_space<hbm>> -> memref<1x224x224xf32, #tpu.memory_space<hbm>>
    tpu.enqueue_dma source(%dma_start3A_873 : memref<1x224x224xf32, #tpu.memory_space<hbm>>) target(%arg6 : memref<1x224x224xf32, #tpu.memory_space<vmem>>) target_semaphore(%arg8 : memref<!tpu.dma_semaphore, #tpu.memory_space<semaphore_mem>>)
    %dma_wait3A_874 = arith.constant 0 : i32
    %dma_wait3A_875 = arith.constant 0 : i32
    %dma_wait3A_876 = tpu.memref_slice %arg2[%add3A_307, %dma_wait3A_874, %dma_wait3A_875] : memref<768x224x224xf32, #tpu.memory_space<hbm>> -> memref<1x224x224xf32, #tpu.memory_space<hbm>>
    %dma_wait3A_877 = arith.constant 0 : i32
    %dma_wait3A_878 = arith.constant 0 : i32
    %dma_wait3A_879 = tpu.memref_slice %arg2[%add3A_307, %dma_wait3A_877, %dma_wait3A_878] : memref<768x224x224xf32, #tpu.memory_space<hbm>> -> memref<1x224x224xf32, #tpu.memory_space<hbm>>
    tpu.wait_dma2 semaphore(%arg9 : memref<!tpu.dma_semaphore, #tpu.memory_space<semaphore_mem>>) src(%dma_wait3A_879 : memref<1x224x224xf32, #tpu.memory_space<hbm>>) dst(%arg7 : memref<1x224x224xf32, #tpu.memory_space<vmem>>)
    %add3A_880 = arith.constant 15 : i32
    %add3A_881 = arith.addi %mul3A_2, %add3A_880 : i32
    %dma_start3A_882 = arith.constant 0 : i32
    %dma_start3A_883 = arith.constant 0 : i32
    %dma_start3A_884 = tpu.memref_slice %arg4[%add3A_881, %dma_start3A_882, %dma_start3A_883] : memref<768x224x224xf32, #tpu.memory_space<hbm>> -> memref<1x224x224xf32, #tpu.memory_space<hbm>>
    %dma_start3A_885 = arith.constant 0 : i32
    %dma_start3A_886 = arith.constant 0 : i32
    %dma_start3A_887 = tpu.memref_slice %arg4[%add3A_881, %dma_start3A_885, %dma_start3A_886] : memref<768x224x224xf32, #tpu.memory_space<hbm>> -> memref<1x224x224xf32, #tpu.memory_space<hbm>>
    tpu.enqueue_dma source(%arg7 : memref<1x224x224xf32, #tpu.memory_space<vmem>>) target(%dma_start3A_887 : memref<1x224x224xf32, #tpu.memory_space<hbm>>) target_semaphore(%arg11 : memref<!tpu.dma_semaphore, #tpu.memory_space<semaphore_mem>>)
    %add3A_888 = arith.constant 15 : i32
    %add3A_889 = arith.addi %mul3A_2, %add3A_888 : i32
    %dma_wait3A_890 = arith.constant 0 : i32
    %dma_wait3A_891 = arith.constant 0 : i32
    %dma_wait3A_892 = tpu.memref_slice %arg4[%add3A_889, %dma_wait3A_890, %dma_wait3A_891] : memref<768x224x224xf32, #tpu.memory_space<hbm>> -> memref<1x224x224xf32, #tpu.memory_space<hbm>>
    %dma_wait3A_893 = arith.constant 0 : i32
    %dma_wait3A_894 = arith.constant 0 : i32
    %dma_wait3A_895 = tpu.memref_slice %arg4[%add3A_889, %dma_wait3A_893, %dma_wait3A_894] : memref<768x224x224xf32, #tpu.memory_space<hbm>> -> memref<1x224x224xf32, #tpu.memory_space<hbm>>
    tpu.wait_dma2 semaphore(%arg11 : memref<!tpu.dma_semaphore, #tpu.memory_space<semaphore_mem>>) src(%arg7 : memref<1x224x224xf32, #tpu.memory_space<vmem>>) dst(%dma_wait3A_895 : memref<1x224x224xf32, #tpu.memory_space<hbm>>)
    %dma_start3A_896 = arith.constant 0 : i32
    %dma_start3A_897 = arith.constant 0 : i32
    %dma_start3A_898 = tpu.memref_slice %arg2[%add3A_341, %dma_start3A_896, %dma_start3A_897] : memref<768x224x224xf32, #tpu.memory_space<hbm>> -> memref<1x224x224xf32, #tpu.memory_space<hbm>>
    %dma_start3A_899 = arith.constant 0 : i32
    %dma_start3A_900 = arith.constant 0 : i32
    %dma_start3A_901 = tpu.memref_slice %arg2[%add3A_341, %dma_start3A_899, %dma_start3A_900] : memref<768x224x224xf32, #tpu.memory_space<hbm>> -> memref<1x224x224xf32, #tpu.memory_space<hbm>>
    tpu.enqueue_dma source(%dma_start3A_901 : memref<1x224x224xf32, #tpu.memory_space<hbm>>) target(%arg7 : memref<1x224x224xf32, #tpu.memory_space<vmem>>) target_semaphore(%arg9 : memref<!tpu.dma_semaphore, #tpu.memory_space<semaphore_mem>>)
    %dma_wait3A_902 = arith.constant 0 : i32
    %dma_wait3A_903 = arith.constant 0 : i32
    %dma_wait3A_904 = tpu.memref_slice %arg2[%add3A_324, %dma_wait3A_902, %dma_wait3A_903] : memref<768x224x224xf32, #tpu.memory_space<hbm>> -> memref<1x224x224xf32, #tpu.memory_space<hbm>>
    %dma_wait3A_905 = arith.constant 0 : i32
    %dma_wait3A_906 = arith.constant 0 : i32
    %dma_wait3A_907 = tpu.memref_slice %arg2[%add3A_324, %dma_wait3A_905, %dma_wait3A_906] : memref<768x224x224xf32, #tpu.memory_space<hbm>> -> memref<1x224x224xf32, #tpu.memory_space<hbm>>
    tpu.wait_dma2 semaphore(%arg8 : memref<!tpu.dma_semaphore, #tpu.memory_space<semaphore_mem>>) src(%dma_wait3A_907 : memref<1x224x224xf32, #tpu.memory_space<hbm>>) dst(%arg6 : memref<1x224x224xf32, #tpu.memory_space<vmem>>)
    %add3A_908 = arith.constant 16 : i32
    %add3A_909 = arith.addi %mul3A_2, %add3A_908 : i32
    %dma_start3A_910 = arith.constant 0 : i32
    %dma_start3A_911 = arith.constant 0 : i32
    %dma_start3A_912 = tpu.memref_slice %arg4[%add3A_909, %dma_start3A_910, %dma_start3A_911] : memref<768x224x224xf32, #tpu.memory_space<hbm>> -> memref<1x224x224xf32, #tpu.memory_space<hbm>>
    %dma_start3A_913 = arith.constant 0 : i32
    %dma_start3A_914 = arith.constant 0 : i32
    %dma_start3A_915 = tpu.memref_slice %arg4[%add3A_909, %dma_start3A_913, %dma_start3A_914] : memref<768x224x224xf32, #tpu.memory_space<hbm>> -> memref<1x224x224xf32, #tpu.memory_space<hbm>>
    tpu.enqueue_dma source(%arg6 : memref<1x224x224xf32, #tpu.memory_space<vmem>>) target(%dma_start3A_915 : memref<1x224x224xf32, #tpu.memory_space<hbm>>) target_semaphore(%arg10 : memref<!tpu.dma_semaphore, #tpu.memory_space<semaphore_mem>>)
    %add3A_916 = arith.constant 16 : i32
    %add3A_917 = arith.addi %mul3A_2, %add3A_916 : i32
    %dma_wait3A_918 = arith.constant 0 : i32
    %dma_wait3A_919 = arith.constant 0 : i32
    %dma_wait3A_920 = tpu.memref_slice %arg4[%add3A_917, %dma_wait3A_918, %dma_wait3A_919] : memref<768x224x224xf32, #tpu.memory_space<hbm>> -> memref<1x224x224xf32, #tpu.memory_space<hbm>>
    %dma_wait3A_921 = arith.constant 0 : i32
    %dma_wait3A_922 = arith.constant 0 : i32
    %dma_wait3A_923 = tpu.memref_slice %arg4[%add3A_917, %dma_wait3A_921, %dma_wait3A_922] : memref<768x224x224xf32, #tpu.memory_space<hbm>> -> memref<1x224x224xf32, #tpu.memory_space<hbm>>
    tpu.wait_dma2 semaphore(%arg10 : memref<!tpu.dma_semaphore, #tpu.memory_space<semaphore_mem>>) src(%arg6 : memref<1x224x224xf32, #tpu.memory_space<vmem>>) dst(%dma_wait3A_923 : memref<1x224x224xf32, #tpu.memory_space<hbm>>)
    %dma_start3A_924 = arith.constant 0 : i32
    %dma_start3A_925 = arith.constant 0 : i32
    %dma_start3A_926 = tpu.memref_slice %arg2[%add3A_358, %dma_start3A_924, %dma_start3A_925] : memref<768x224x224xf32, #tpu.memory_space<hbm>> -> memref<1x224x224xf32, #tpu.memory_space<hbm>>
    %dma_start3A_927 = arith.constant 0 : i32
    %dma_start3A_928 = arith.constant 0 : i32
    %dma_start3A_929 = tpu.memref_slice %arg2[%add3A_358, %dma_start3A_927, %dma_start3A_928] : memref<768x224x224xf32, #tpu.memory_space<hbm>> -> memref<1x224x224xf32, #tpu.memory_space<hbm>>
    tpu.enqueue_dma source(%dma_start3A_929 : memref<1x224x224xf32, #tpu.memory_space<hbm>>) target(%arg6 : memref<1x224x224xf32, #tpu.memory_space<vmem>>) target_semaphore(%arg8 : memref<!tpu.dma_semaphore, #tpu.memory_space<semaphore_mem>>)
    %dma_wait3A_930 = arith.constant 0 : i32
    %dma_wait3A_931 = arith.constant 0 : i32
    %dma_wait3A_932 = tpu.memref_slice %arg2[%add3A_341, %dma_wait3A_930, %dma_wait3A_931] : memref<768x224x224xf32, #tpu.memory_space<hbm>> -> memref<1x224x224xf32, #tpu.memory_space<hbm>>
    %dma_wait3A_933 = arith.constant 0 : i32
    %dma_wait3A_934 = arith.constant 0 : i32
    %dma_wait3A_935 = tpu.memref_slice %arg2[%add3A_341, %dma_wait3A_933, %dma_wait3A_934] : memref<768x224x224xf32, #tpu.memory_space<hbm>> -> memref<1x224x224xf32, #tpu.memory_space<hbm>>
    tpu.wait_dma2 semaphore(%arg9 : memref<!tpu.dma_semaphore, #tpu.memory_space<semaphore_mem>>) src(%dma_wait3A_935 : memref<1x224x224xf32, #tpu.memory_space<hbm>>) dst(%arg7 : memref<1x224x224xf32, #tpu.memory_space<vmem>>)
    %add3A_936 = arith.constant 17 : i32
    %add3A_937 = arith.addi %mul3A_2, %add3A_936 : i32
    %dma_start3A_938 = arith.constant 0 : i32
    %dma_start3A_939 = arith.constant 0 : i32
    %dma_start3A_940 = tpu.memref_slice %arg4[%add3A_937, %dma_start3A_938, %dma_start3A_939] : memref<768x224x224xf32, #tpu.memory_space<hbm>> -> memref<1x224x224xf32, #tpu.memory_space<hbm>>
    %dma_start3A_941 = arith.constant 0 : i32
    %dma_start3A_942 = arith.constant 0 : i32
    %dma_start3A_943 = tpu.memref_slice %arg4[%add3A_937, %dma_start3A_941, %dma_start3A_942] : memref<768x224x224xf32, #tpu.memory_space<hbm>> -> memref<1x224x224xf32, #tpu.memory_space<hbm>>
    tpu.enqueue_dma source(%arg7 : memref<1x224x224xf32, #tpu.memory_space<vmem>>) target(%dma_start3A_943 : memref<1x224x224xf32, #tpu.memory_space<hbm>>) target_semaphore(%arg11 : memref<!tpu.dma_semaphore, #tpu.memory_space<semaphore_mem>>)
    %add3A_944 = arith.constant 17 : i32
    %add3A_945 = arith.addi %mul3A_2, %add3A_944 : i32
    %dma_wait3A_946 = arith.constant 0 : i32
    %dma_wait3A_947 = arith.constant 0 : i32
    %dma_wait3A_948 = tpu.memref_slice %arg4[%add3A_945, %dma_wait3A_946, %dma_wait3A_947] : memref<768x224x224xf32, #tpu.memory_space<hbm>> -> memref<1x224x224xf32, #tpu.memory_space<hbm>>
    %dma_wait3A_949 = arith.constant 0 : i32
    %dma_wait3A_950 = arith.constant 0 : i32
    %dma_wait3A_951 = tpu.memref_slice %arg4[%add3A_945, %dma_wait3A_949, %dma_wait3A_950] : memref<768x224x224xf32, #tpu.memory_space<hbm>> -> memref<1x224x224xf32, #tpu.memory_space<hbm>>
    tpu.wait_dma2 semaphore(%arg11 : memref<!tpu.dma_semaphore, #tpu.memory_space<semaphore_mem>>) src(%arg7 : memref<1x224x224xf32, #tpu.memory_space<vmem>>) dst(%dma_wait3A_951 : memref<1x224x224xf32, #tpu.memory_space<hbm>>)
    %dma_start3A_952 = arith.constant 0 : i32
    %dma_start3A_953 = arith.constant 0 : i32
    %dma_start3A_954 = tpu.memref_slice %arg2[%add3A_375, %dma_start3A_952, %dma_start3A_953] : memref<768x224x224xf32, #tpu.memory_space<hbm>> -> memref<1x224x224xf32, #tpu.memory_space<hbm>>
    %dma_start3A_955 = arith.constant 0 : i32
    %dma_start3A_956 = arith.constant 0 : i32
    %dma_start3A_957 = tpu.memref_slice %arg2[%add3A_375, %dma_start3A_955, %dma_start3A_956] : memref<768x224x224xf32, #tpu.memory_space<hbm>> -> memref<1x224x224xf32, #tpu.memory_space<hbm>>
    tpu.enqueue_dma source(%dma_start3A_957 : memref<1x224x224xf32, #tpu.memory_space<hbm>>) target(%arg7 : memref<1x224x224xf32, #tpu.memory_space<vmem>>) target_semaphore(%arg9 : memref<!tpu.dma_semaphore, #tpu.memory_space<semaphore_mem>>)
    %dma_wait3A_958 = arith.constant 0 : i32
    %dma_wait3A_959 = arith.constant 0 : i32
    %dma_wait3A_960 = tpu.memref_slice %arg2[%add3A_358, %dma_wait3A_958, %dma_wait3A_959] : memref<768x224x224xf32, #tpu.memory_space<hbm>> -> memref<1x224x224xf32, #tpu.memory_space<hbm>>
    %dma_wait3A_961 = arith.constant 0 : i32
    %dma_wait3A_962 = arith.constant 0 : i32
    %dma_wait3A_963 = tpu.memref_slice %arg2[%add3A_358, %dma_wait3A_961, %dma_wait3A_962] : memref<768x224x224xf32, #tpu.memory_space<hbm>> -> memref<1x224x224xf32, #tpu.memory_space<hbm>>
    tpu.wait_dma2 semaphore(%arg8 : memref<!tpu.dma_semaphore, #tpu.memory_space<semaphore_mem>>) src(%dma_wait3A_963 : memref<1x224x224xf32, #tpu.memory_space<hbm>>) dst(%arg6 : memref<1x224x224xf32, #tpu.memory_space<vmem>>)
    %add3A_964 = arith.constant 18 : i32
    %add3A_965 = arith.addi %mul3A_2, %add3A_964 : i32
    %dma_start3A_966 = arith.constant 0 : i32
    %dma_start3A_967 = arith.constant 0 : i32
    %dma_start3A_968 = tpu.memref_slice %arg4[%add3A_965, %dma_start3A_966, %dma_start3A_967] : memref<768x224x224xf32, #tpu.memory_space<hbm>> -> memref<1x224x224xf32, #tpu.memory_space<hbm>>
    %dma_start3A_969 = arith.constant 0 : i32
    %dma_start3A_970 = arith.constant 0 : i32
    %dma_start3A_971 = tpu.memref_slice %arg4[%add3A_965, %dma_start3A_969, %dma_start3A_970] : memref<768x224x224xf32, #tpu.memory_space<hbm>> -> memref<1x224x224xf32, #tpu.memory_space<hbm>>
    tpu.enqueue_dma source(%arg6 : memref<1x224x224xf32, #tpu.memory_space<vmem>>) target(%dma_start3A_971 : memref<1x224x224xf32, #tpu.memory_space<hbm>>) target_semaphore(%arg10 : memref<!tpu.dma_semaphore, #tpu.memory_space<semaphore_mem>>)
    %add3A_972 = arith.constant 18 : i32
    %add3A_973 = arith.addi %mul3A_2, %add3A_972 : i32
    %dma_wait3A_974 = arith.constant 0 : i32
    %dma_wait3A_975 = arith.constant 0 : i32
    %dma_wait3A_976 = tpu.memref_slice %arg4[%add3A_973, %dma_wait3A_974, %dma_wait3A_975] : memref<768x224x224xf32, #tpu.memory_space<hbm>> -> memref<1x224x224xf32, #tpu.memory_space<hbm>>
    %dma_wait3A_977 = arith.constant 0 : i32
    %dma_wait3A_978 = arith.constant 0 : i32
    %dma_wait3A_979 = tpu.memref_slice %arg4[%add3A_973, %dma_wait3A_977, %dma_wait3A_978] : memref<768x224x224xf32, #tpu.memory_space<hbm>> -> memref<1x224x224xf32, #tpu.memory_space<hbm>>
    tpu.wait_dma2 semaphore(%arg10 : memref<!tpu.dma_semaphore, #tpu.memory_space<semaphore_mem>>) src(%arg6 : memref<1x224x224xf32, #tpu.memory_space<vmem>>) dst(%dma_wait3A_979 : memref<1x224x224xf32, #tpu.memory_space<hbm>>)
    %dma_start3A_980 = arith.constant 0 : i32
    %dma_start3A_981 = arith.constant 0 : i32
    %dma_start3A_982 = tpu.memref_slice %arg2[%add3A_392, %dma_start3A_980, %dma_start3A_981] : memref<768x224x224xf32, #tpu.memory_space<hbm>> -> memref<1x224x224xf32, #tpu.memory_space<hbm>>
    %dma_start3A_983 = arith.constant 0 : i32
    %dma_start3A_984 = arith.constant 0 : i32
    %dma_start3A_985 = tpu.memref_slice %arg2[%add3A_392, %dma_start3A_983, %dma_start3A_984] : memref<768x224x224xf32, #tpu.memory_space<hbm>> -> memref<1x224x224xf32, #tpu.memory_space<hbm>>
    tpu.enqueue_dma source(%dma_start3A_985 : memref<1x224x224xf32, #tpu.memory_space<hbm>>) target(%arg6 : memref<1x224x224xf32, #tpu.memory_space<vmem>>) target_semaphore(%arg8 : memref<!tpu.dma_semaphore, #tpu.memory_space<semaphore_mem>>)
    %dma_wait3A_986 = arith.constant 0 : i32
    %dma_wait3A_987 = arith.constant 0 : i32
    %dma_wait3A_988 = tpu.memref_slice %arg2[%add3A_375, %dma_wait3A_986, %dma_wait3A_987] : memref<768x224x224xf32, #tpu.memory_space<hbm>> -> memref<1x224x224xf32, #tpu.memory_space<hbm>>
    %dma_wait3A_989 = arith.constant 0 : i32
    %dma_wait3A_990 = arith.constant 0 : i32
    %dma_wait3A_991 = tpu.memref_slice %arg2[%add3A_375, %dma_wait3A_989, %dma_wait3A_990] : memref<768x224x224xf32, #tpu.memory_space<hbm>> -> memref<1x224x224xf32, #tpu.memory_space<hbm>>
    tpu.wait_dma2 semaphore(%arg9 : memref<!tpu.dma_semaphore, #tpu.memory_space<semaphore_mem>>) src(%dma_wait3A_991 : memref<1x224x224xf32, #tpu.memory_space<hbm>>) dst(%arg7 : memref<1x224x224xf32, #tpu.memory_space<vmem>>)
    %add3A_992 = arith.constant 19 : i32
    %add3A_993 = arith.addi %mul3A_2, %add3A_992 : i32
    %dma_start3A_994 = arith.constant 0 : i32
    %dma_start3A_995 = arith.constant 0 : i32
    %dma_start3A_996 = tpu.memref_slice %arg4[%add3A_993, %dma_start3A_994, %dma_start3A_995] : memref<768x224x224xf32, #tpu.memory_space<hbm>> -> memref<1x224x224xf32, #tpu.memory_space<hbm>>
    %dma_start3A_997 = arith.constant 0 : i32
    %dma_start3A_998 = arith.constant 0 : i32
    %dma_start3A_999 = tpu.memref_slice %arg4[%add3A_993, %dma_start3A_997, %dma_start3A_998] : memref<768x224x224xf32, #tpu.memory_space<hbm>> -> memref<1x224x224xf32, #tpu.memory_space<hbm>>
    tpu.enqueue_dma source(%arg7 : memref<1x224x224xf32, #tpu.memory_space<vmem>>) target(%dma_start3A_999 : memref<1x224x224xf32, #tpu.memory_space<hbm>>) target_semaphore(%arg11 : memref<!tpu.dma_semaphore, #tpu.memory_space<semaphore_mem>>)
    %add3A_1000 = arith.constant 19 : i32
    %add3A_1001 = arith.addi %mul3A_2, %add3A_1000 : i32
    %dma_wait3A_1002 = arith.constant 0 : i32
    %dma_wait3A_1003 = arith.constant 0 : i32
    %dma_wait3A_1004 = tpu.memref_slice %arg4[%add3A_1001, %dma_wait3A_1002, %dma_wait3A_1003] : memref<768x224x224xf32, #tpu.memory_space<hbm>> -> memref<1x224x224xf32, #tpu.memory_space<hbm>>
    %dma_wait3A_1005 = arith.constant 0 : i32
    %dma_wait3A_1006 = arith.constant 0 : i32
    %dma_wait3A_1007 = tpu.memref_slice %arg4[%add3A_1001, %dma_wait3A_1005, %dma_wait3A_1006] : memref<768x224x224xf32, #tpu.memory_space<hbm>> -> memref<1x224x224xf32, #tpu.memory_space<hbm>>
    tpu.wait_dma2 semaphore(%arg11 : memref<!tpu.dma_semaphore, #tpu.memory_space<semaphore_mem>>) src(%arg7 : memref<1x224x224xf32, #tpu.memory_space<vmem>>) dst(%dma_wait3A_1007 : memref<1x224x224xf32, #tpu.memory_space<hbm>>)
    %dma_start3A_1008 = arith.constant 0 : i32
    %dma_start3A_1009 = arith.constant 0 : i32
    %dma_start3A_1010 = tpu.memref_slice %arg2[%add3A_409, %dma_start3A_1008, %dma_start3A_1009] : memref<768x224x224xf32, #tpu.memory_space<hbm>> -> memref<1x224x224xf32, #tpu.memory_space<hbm>>
    %dma_start3A_1011 = arith.constant 0 : i32
    %dma_start3A_1012 = arith.constant 0 : i32
    %dma_start3A_1013 = tpu.memref_slice %arg2[%add3A_409, %dma_start3A_1011, %dma_start3A_1012] : memref<768x224x224xf32, #tpu.memory_space<hbm>> -> memref<1x224x224xf32, #tpu.memory_space<hbm>>
    tpu.enqueue_dma source(%dma_start3A_1013 : memref<1x224x224xf32, #tpu.memory_space<hbm>>) target(%arg7 : memref<1x224x224xf32, #tpu.memory_space<vmem>>) target_semaphore(%arg9 : memref<!tpu.dma_semaphore, #tpu.memory_space<semaphore_mem>>)
    %dma_wait3A_1014 = arith.constant 0 : i32
    %dma_wait3A_1015 = arith.constant 0 : i32
    %dma_wait3A_1016 = tpu.memref_slice %arg2[%add3A_392, %dma_wait3A_1014, %dma_wait3A_1015] : memref<768x224x224xf32, #tpu.memory_space<hbm>> -> memref<1x224x224xf32, #tpu.memory_space<hbm>>
    %dma_wait3A_1017 = arith.constant 0 : i32
    %dma_wait3A_1018 = arith.constant 0 : i32
    %dma_wait3A_1019 = tpu.memref_slice %arg2[%add3A_392, %dma_wait3A_1017, %dma_wait3A_1018] : memref<768x224x224xf32, #tpu.memory_space<hbm>> -> memref<1x224x224xf32, #tpu.memory_space<hbm>>
    tpu.wait_dma2 semaphore(%arg8 : memref<!tpu.dma_semaphore, #tpu.memory_space<semaphore_mem>>) src(%dma_wait3A_1019 : memref<1x224x224xf32, #tpu.memory_space<hbm>>) dst(%arg6 : memref<1x224x224xf32, #tpu.memory_space<vmem>>)
    %add3A_1020 = arith.constant 20 : i32
    %add3A_1021 = arith.addi %mul3A_2, %add3A_1020 : i32
    %dma_start3A_1022 = arith.constant 0 : i32
    %dma_start3A_1023 = arith.constant 0 : i32
    %dma_start3A_1024 = tpu.memref_slice %arg4[%add3A_1021, %dma_start3A_1022, %dma_start3A_1023] : memref<768x224x224xf32, #tpu.memory_space<hbm>> -> memref<1x224x224xf32, #tpu.memory_space<hbm>>
    %dma_start3A_1025 = arith.constant 0 : i32
    %dma_start3A_1026 = arith.constant 0 : i32
    %dma_start3A_1027 = tpu.memref_slice %arg4[%add3A_1021, %dma_start3A_1025, %dma_start3A_1026] : memref<768x224x224xf32, #tpu.memory_space<hbm>> -> memref<1x224x224xf32, #tpu.memory_space<hbm>>
    tpu.enqueue_dma source(%arg6 : memref<1x224x224xf32, #tpu.memory_space<vmem>>) target(%dma_start3A_1027 : memref<1x224x224xf32, #tpu.memory_space<hbm>>) target_semaphore(%arg10 : memref<!tpu.dma_semaphore, #tpu.memory_space<semaphore_mem>>)
    %add3A_1028 = arith.constant 20 : i32
    %add3A_1029 = arith.addi %mul3A_2, %add3A_1028 : i32
    %dma_wait3A_1030 = arith.constant 0 : i32
    %dma_wait3A_1031 = arith.constant 0 : i32
    %dma_wait3A_1032 = tpu.memref_slice %arg4[%add3A_1029, %dma_wait3A_1030, %dma_wait3A_1031] : memref<768x224x224xf32, #tpu.memory_space<hbm>> -> memref<1x224x224xf32, #tpu.memory_space<hbm>>
    %dma_wait3A_1033 = arith.constant 0 : i32
    %dma_wait3A_1034 = arith.constant 0 : i32
    %dma_wait3A_1035 = tpu.memref_slice %arg4[%add3A_1029, %dma_wait3A_1033, %dma_wait3A_1034] : memref<768x224x224xf32, #tpu.memory_space<hbm>> -> memref<1x224x224xf32, #tpu.memory_space<hbm>>
    tpu.wait_dma2 semaphore(%arg10 : memref<!tpu.dma_semaphore, #tpu.memory_space<semaphore_mem>>) src(%arg6 : memref<1x224x224xf32, #tpu.memory_space<vmem>>) dst(%dma_wait3A_1035 : memref<1x224x224xf32, #tpu.memory_space<hbm>>)
    %dma_start3A_1036 = arith.constant 0 : i32
    %dma_start3A_1037 = arith.constant 0 : i32
    %dma_start3A_1038 = tpu.memref_slice %arg2[%add3A_426, %dma_start3A_1036, %dma_start3A_1037] : memref<768x224x224xf32, #tpu.memory_space<hbm>> -> memref<1x224x224xf32, #tpu.memory_space<hbm>>
    %dma_start3A_1039 = arith.constant 0 : i32
    %dma_start3A_1040 = arith.constant 0 : i32
    %dma_start3A_1041 = tpu.memref_slice %arg2[%add3A_426, %dma_start3A_1039, %dma_start3A_1040] : memref<768x224x224xf32, #tpu.memory_space<hbm>> -> memref<1x224x224xf32, #tpu.memory_space<hbm>>
    tpu.enqueue_dma source(%dma_start3A_1041 : memref<1x224x224xf32, #tpu.memory_space<hbm>>) target(%arg6 : memref<1x224x224xf32, #tpu.memory_space<vmem>>) target_semaphore(%arg8 : memref<!tpu.dma_semaphore, #tpu.memory_space<semaphore_mem>>)
    %dma_wait3A_1042 = arith.constant 0 : i32
    %dma_wait3A_1043 = arith.constant 0 : i32
    %dma_wait3A_1044 = tpu.memref_slice %arg2[%add3A_409, %dma_wait3A_1042, %dma_wait3A_1043] : memref<768x224x224xf32, #tpu.memory_space<hbm>> -> memref<1x224x224xf32, #tpu.memory_space<hbm>>
    %dma_wait3A_1045 = arith.constant 0 : i32
    %dma_wait3A_1046 = arith.constant 0 : i32
    %dma_wait3A_1047 = tpu.memref_slice %arg2[%add3A_409, %dma_wait3A_1045, %dma_wait3A_1046] : memref<768x224x224xf32, #tpu.memory_space<hbm>> -> memref<1x224x224xf32, #tpu.memory_space<hbm>>
    tpu.wait_dma2 semaphore(%arg9 : memref<!tpu.dma_semaphore, #tpu.memory_space<semaphore_mem>>) src(%dma_wait3A_1047 : memref<1x224x224xf32, #tpu.memory_space<hbm>>) dst(%arg7 : memref<1x224x224xf32, #tpu.memory_space<vmem>>)
    %add3A_1048 = arith.constant 21 : i32
    %add3A_1049 = arith.addi %mul3A_2, %add3A_1048 : i32
    %dma_start3A_1050 = arith.constant 0 : i32
    %dma_start3A_1051 = arith.constant 0 : i32
    %dma_start3A_1052 = tpu.memref_slice %arg4[%add3A_1049, %dma_start3A_1050, %dma_start3A_1051] : memref<768x224x224xf32, #tpu.memory_space<hbm>> -> memref<1x224x224xf32, #tpu.memory_space<hbm>>
    %dma_start3A_1053 = arith.constant 0 : i32
    %dma_start3A_1054 = arith.constant 0 : i32
    %dma_start3A_1055 = tpu.memref_slice %arg4[%add3A_1049, %dma_start3A_1053, %dma_start3A_1054] : memref<768x224x224xf32, #tpu.memory_space<hbm>> -> memref<1x224x224xf32, #tpu.memory_space<hbm>>
    tpu.enqueue_dma source(%arg7 : memref<1x224x224xf32, #tpu.memory_space<vmem>>) target(%dma_start3A_1055 : memref<1x224x224xf32, #tpu.memory_space<hbm>>) target_semaphore(%arg11 : memref<!tpu.dma_semaphore, #tpu.memory_space<semaphore_mem>>)
    %add3A_1056 = arith.constant 21 : i32
    %add3A_1057 = arith.addi %mul3A_2, %add3A_1056 : i32
    %dma_wait3A_1058 = arith.constant 0 : i32
    %dma_wait3A_1059 = arith.constant 0 : i32
    %dma_wait3A_1060 = tpu.memref_slice %arg4[%add3A_1057, %dma_wait3A_1058, %dma_wait3A_1059] : memref<768x224x224xf32, #tpu.memory_space<hbm>> -> memref<1x224x224xf32, #tpu.memory_space<hbm>>
    %dma_wait3A_1061 = arith.constant 0 : i32
    %dma_wait3A_1062 = arith.constant 0 : i32
    %dma_wait3A_1063 = tpu.memref_slice %arg4[%add3A_1057, %dma_wait3A_1061, %dma_wait3A_1062] : memref<768x224x224xf32, #tpu.memory_space<hbm>> -> memref<1x224x224xf32, #tpu.memory_space<hbm>>
    tpu.wait_dma2 semaphore(%arg11 : memref<!tpu.dma_semaphore, #tpu.memory_space<semaphore_mem>>) src(%arg7 : memref<1x224x224xf32, #tpu.memory_space<vmem>>) dst(%dma_wait3A_1063 : memref<1x224x224xf32, #tpu.memory_space<hbm>>)
    %dma_start3A_1064 = arith.constant 0 : i32
    %dma_start3A_1065 = arith.constant 0 : i32
    %dma_start3A_1066 = tpu.memref_slice %arg2[%add3A_443, %dma_start3A_1064, %dma_start3A_1065] : memref<768x224x224xf32, #tpu.memory_space<hbm>> -> memref<1x224x224xf32, #tpu.memory_space<hbm>>
    %dma_start3A_1067 = arith.constant 0 : i32
    %dma_start3A_1068 = arith.constant 0 : i32
    %dma_start3A_1069 = tpu.memref_slice %arg2[%add3A_443, %dma_start3A_1067, %dma_start3A_1068] : memref<768x224x224xf32, #tpu.memory_space<hbm>> -> memref<1x224x224xf32, #tpu.memory_space<hbm>>
    tpu.enqueue_dma source(%dma_start3A_1069 : memref<1x224x224xf32, #tpu.memory_space<hbm>>) target(%arg7 : memref<1x224x224xf32, #tpu.memory_space<vmem>>) target_semaphore(%arg9 : memref<!tpu.dma_semaphore, #tpu.memory_space<semaphore_mem>>)
    %dma_wait3A_1070 = arith.constant 0 : i32
    %dma_wait3A_1071 = arith.constant 0 : i32
    %dma_wait3A_1072 = tpu.memref_slice %arg2[%add3A_426, %dma_wait3A_1070, %dma_wait3A_1071] : memref<768x224x224xf32, #tpu.memory_space<hbm>> -> memref<1x224x224xf32, #tpu.memory_space<hbm>>
    %dma_wait3A_1073 = arith.constant 0 : i32
    %dma_wait3A_1074 = arith.constant 0 : i32
    %dma_wait3A_1075 = tpu.memref_slice %arg2[%add3A_426, %dma_wait3A_1073, %dma_wait3A_1074] : memref<768x224x224xf32, #tpu.memory_space<hbm>> -> memref<1x224x224xf32, #tpu.memory_space<hbm>>
    tpu.wait_dma2 semaphore(%arg8 : memref<!tpu.dma_semaphore, #tpu.memory_space<semaphore_mem>>) src(%dma_wait3A_1075 : memref<1x224x224xf32, #tpu.memory_space<hbm>>) dst(%arg6 : memref<1x224x224xf32, #tpu.memory_space<vmem>>)
    %add3A_1076 = arith.constant 22 : i32
    %add3A_1077 = arith.addi %mul3A_2, %add3A_1076 : i32
    %dma_start3A_1078 = arith.constant 0 : i32
    %dma_start3A_1079 = arith.constant 0 : i32
    %dma_start3A_1080 = tpu.memref_slice %arg4[%add3A_1077, %dma_start3A_1078, %dma_start3A_1079] : memref<768x224x224xf32, #tpu.memory_space<hbm>> -> memref<1x224x224xf32, #tpu.memory_space<hbm>>
    %dma_start3A_1081 = arith.constant 0 : i32
    %dma_start3A_1082 = arith.constant 0 : i32
    %dma_start3A_1083 = tpu.memref_slice %arg4[%add3A_1077, %dma_start3A_1081, %dma_start3A_1082] : memref<768x224x224xf32, #tpu.memory_space<hbm>> -> memref<1x224x224xf32, #tpu.memory_space<hbm>>
    tpu.enqueue_dma source(%arg6 : memref<1x224x224xf32, #tpu.memory_space<vmem>>) target(%dma_start3A_1083 : memref<1x224x224xf32, #tpu.memory_space<hbm>>) target_semaphore(%arg10 : memref<!tpu.dma_semaphore, #tpu.memory_space<semaphore_mem>>)
    %dma_wait3A_1084 = arith.constant 0 : i32
    %dma_wait3A_1085 = arith.constant 0 : i32
    %dma_wait3A_1086 = tpu.memref_slice %arg2[%add3A_443, %dma_wait3A_1084, %dma_wait3A_1085] : memref<768x224x224xf32, #tpu.memory_space<hbm>> -> memref<1x224x224xf32, #tpu.memory_space<hbm>>
    %dma_wait3A_1087 = arith.constant 0 : i32
    %dma_wait3A_1088 = arith.constant 0 : i32
    %dma_wait3A_1089 = tpu.memref_slice %arg2[%add3A_443, %dma_wait3A_1087, %dma_wait3A_1088] : memref<768x224x224xf32, #tpu.memory_space<hbm>> -> memref<1x224x224xf32, #tpu.memory_space<hbm>>
    tpu.wait_dma2 semaphore(%arg9 : memref<!tpu.dma_semaphore, #tpu.memory_space<semaphore_mem>>) src(%dma_wait3A_1089 : memref<1x224x224xf32, #tpu.memory_space<hbm>>) dst(%arg7 : memref<1x224x224xf32, #tpu.memory_space<vmem>>)
    %add3A_1090 = arith.constant 23 : i32
    %add3A_1091 = arith.addi %mul3A_2, %add3A_1090 : i32
    %dma_start3A_1092 = arith.constant 0 : i32
    %dma_start3A_1093 = arith.constant 0 : i32
    %dma_start3A_1094 = tpu.memref_slice %arg4[%add3A_1091, %dma_start3A_1092, %dma_start3A_1093] : memref<768x224x224xf32, #tpu.memory_space<hbm>> -> memref<1x224x224xf32, #tpu.memory_space<hbm>>
    %dma_start3A_1095 = arith.constant 0 : i32
    %dma_start3A_1096 = arith.constant 0 : i32
    %dma_start3A_1097 = tpu.memref_slice %arg4[%add3A_1091, %dma_start3A_1095, %dma_start3A_1096] : memref<768x224x224xf32, #tpu.memory_space<hbm>> -> memref<1x224x224xf32, #tpu.memory_space<hbm>>
    tpu.enqueue_dma source(%arg7 : memref<1x224x224xf32, #tpu.memory_space<vmem>>) target(%dma_start3A_1097 : memref<1x224x224xf32, #tpu.memory_space<hbm>>) target_semaphore(%arg11 : memref<!tpu.dma_semaphore, #tpu.memory_space<semaphore_mem>>)
    %add3A_1098 = arith.constant 22 : i32
    %add3A_1099 = arith.addi %mul3A_2, %add3A_1098 : i32
    %dma_wait3A_1100 = arith.constant 0 : i32
    %dma_wait3A_1101 = arith.constant 0 : i32
    %dma_wait3A_1102 = tpu.memref_slice %arg4[%add3A_1099, %dma_wait3A_1100, %dma_wait3A_1101] : memref<768x224x224xf32, #tpu.memory_space<hbm>> -> memref<1x224x224xf32, #tpu.memory_space<hbm>>
    %dma_wait3A_1103 = arith.constant 0 : i32
    %dma_wait3A_1104 = arith.constant 0 : i32
    %dma_wait3A_1105 = tpu.memref_slice %arg4[%add3A_1099, %dma_wait3A_1103, %dma_wait3A_1104] : memref<768x224x224xf32, #tpu.memory_space<hbm>> -> memref<1x224x224xf32, #tpu.memory_space<hbm>>
    tpu.wait_dma2 semaphore(%arg10 : memref<!tpu.dma_semaphore, #tpu.memory_space<semaphore_mem>>) src(%arg6 : memref<1x224x224xf32, #tpu.memory_space<vmem>>) dst(%dma_wait3A_1105 : memref<1x224x224xf32, #tpu.memory_space<hbm>>)
    %add3A_1106 = arith.constant 23 : i32
    %add3A_1107 = arith.addi %mul3A_2, %add3A_1106 : i32
    %dma_wait3A_1108 = arith.constant 0 : i32
    %dma_wait3A_1109 = arith.constant 0 : i32
    %dma_wait3A_1110 = tpu.memref_slice %arg4[%add3A_1107, %dma_wait3A_1108, %dma_wait3A_1109] : memref<768x224x224xf32, #tpu.memory_space<hbm>> -> memref<1x224x224xf32, #tpu.memory_space<hbm>>
    %dma_wait3A_1111 = arith.constant 0 : i32
    %dma_wait3A_1112 = arith.constant 0 : i32
    %dma_wait3A_1113 = tpu.memref_slice %arg4[%add3A_1107, %dma_wait3A_1111, %dma_wait3A_1112] : memref<768x224x224xf32, #tpu.memory_space<hbm>> -> memref<1x224x224xf32, #tpu.memory_space<hbm>>
    tpu.wait_dma2 semaphore(%arg11 : memref<!tpu.dma_semaphore, #tpu.memory_space<semaphore_mem>>) src(%arg7 : memref<1x224x224xf32, #tpu.memory_space<vmem>>) dst(%dma_wait3A_1113 : memref<1x224x224xf32, #tpu.memory_space<hbm>>)
    return
  }
}

</mosaic_0001>

<sc_bundles>
// kernel: kernel.3.cloned.1.call-start
scs
__scs_entry_jumppad:
0x0: {  	(pc) =	sbr.rel $0x88, $3  }
0x1: {  	(tag) =	ssettag $0x0;
	lr =	simm.s32 $0x1  }
0x2: {  	[smem:$0x3F9F] =	sst lr;
	_ =	strace $0xD0000000  }
0x3: {  	_ = 	snop  }
0x4: {  	_ = 	snop  }
0x5: {  	_ = 	snop  }
0x6: {  	_ = 	snop  }
0x7: {  	_ = 	snop  }
__scs_overlays_trampoline_lowered:
0x8: {  	[smem:$0x3FAE] =	sst s0  }
0x9: {  	[smem:$0x3FAF] =	sst s1  }
0xa: {  	[smem:$0x3FB0] =	sst s2  }
0xb: {  	[smem:$0x3FB1] =	sst s3  }
0xc: {  	[smem:$0x3FB2] =	sst s4  }
0xd: {  	[smem:$0x3FB3] =	sst s5  }
0xe: {  	[smem:$0x3FB4] =	sst s6  }
0xf: {  	[smem:$0x3FB5] =	sst s7  }
0x10: {  	[smem:$0x3FB6] =	sst s8  }
0x11: {  	[smem:$0x3FB7] =	sst s9;
	s0 =	simm.s32 @!p0 $0x0  }
0x12: {  	s1 =	sld [smem:$0x3F9D];
	s0 =	simm.s32 @p0 $0x1  }
0x13: {  	[smem:$0x3FB8] =	sst s0;
	s0 =	simm.s32 @!p1 $0x0  }
0x14: {  	s2 =	sld [smem:$0x3F9C];
	s0 =	simm.s32 @p1 $0x1  }
0x15: {  	[smem:$0x3FB9] =	sst s0;
	s0 =	simm.s32 @!p2 $0x0  }
0x16: {  	s3 =	sld [smem:$0x3FDB];
	s0 =	simm.s32 @p2 $0x1  }
0x17: {  	s4 =	simm.s32 $0x1BF5;
	[smem:$0x3FBB] =	sst s0  }
0x18: {  	s0 =	sld [smem:$0x3F9E];
	_ =	swait.ge [sflag:s4], $0x0  }
0x19: {  	s7 =	sld [smem:$0x3F9F]  }
0x1a: {  	s8 =	sadd.s32 $0xFFFFE003, lr  }
0x1b: {  	s9 =	sadd.s32 $0xFFFFFEF7, lr;
	s5 =	simm.s32 $0xFFFFFFFF;
	p2 =	slt.u32 s8, $0xFFFFF086  }
0x1c: {  	p1 =	slt.u32 s9, $0xF7A;
	s5 =	simm.s32 @!p2 $0x0  }
0x1d: {  	s5 =	simm.s32 @p1 $0x1;
	p0 =	seq.s32 s7, s2  }
0x1e: {  	s7 =	smul.u32 @!p0 $0xF7A, s2;
	p2 =	seq.s32 @!p0 s5, $0x0  }
0x1f: {  	s9 =	smul.u32 $0xF7A, s1;
	s8 =	simm.s32 @!p0 $0x1BF5;
	p2 =	por !p2, p0  }
0x20: {  	[sflag:s8] =	ssyncset.s32 @!p0 $0xFFFFF086;
	s6 =	sadd.s32 @!p0 s3, s7;
	s7 =	simm.s32 @!p0 $0x108  }
0x21: {  	s3 =	sadd.s32 s3, s9;
	s6 =	sadd.s32 @!p0 $0x88, s6;
	s7 =	simm.s32 @p2 $0x1082  }
0x22: {  	[simem:s7], [sflag:s8] =	dma.local @!p0 [hbm:s6], $0xF7A  }
0x23: {  	s9 =	sor.u32 $0xD0000000, s2;
	s6 =	simm.s32 $0x108;
	_ =	swait.ge @!p0 [sflag:s8], $0x0  }
0x24: {  	s3 =	sadd.s32 $0x88, s3;
	s6 =	simm.s32 @!p1 $0x1082;
	[sflag:s4] =	ssyncset.s32 $0xFFFFF086  }
0x25: {  	[simem:s6], [sflag:s4] =	dma.local [hbm:s3], $0xF7A  }
0x26: {  	[smem:$0x3F9F] =	sst s1;
	(tag) =	ssettag s2;
	_ =	strace s9  }
0x27: {  	s1 =	sld [smem:$0x3FAF]  }
0x28: {  	s2 =	sld [smem:$0x3FB0]  }
0x29: {  	s4 =	sld [smem:$0x3FB2]  }
0x2a: {  	p0 =	seq.s32 s5, $0x0;
	s5 =	sld [smem:$0x3FB3]  }
0x2b: {  	s6 =	sld [smem:$0x3FB4]  }
0x2c: {  	s7 =	sld [smem:$0x3FB5]  }
0x2d: {  	s3 =	simm.s32 $0x108;
	s8 =	sld [smem:$0x3FB6]  }
0x2e: {  	s3 =	simm.s32 @!p0 $0x1082;
	s9 =	sld [smem:$0x3FB7]  }
0x2f: {  	lr =	sadd.s32 s0, s3;
	s0 =	sld [smem:$0x3FAE]  }
0x30: {  	s3 =	sld [smem:$0x3FB1]  }
0x31: {  	[smem:$0x3FBA] =	sst s10  }
0x32: {  	s10 =	sld [smem:$0x3FB8];
	_ =	sdelay $0x3  }
0x33: {  	p0 =	seq.s32 s10, $0x1;
	s10 =	sld [smem:$0x3FBA];
	_ =	sdelay $0x3  }
0x34: {  	[smem:$0x3FBA] =	sst s10  }
0x35: {  	s10 =	sld [smem:$0x3FB9];
	_ =	sdelay $0x3  }
0x36: {  	p1 =	seq.s32 s10, $0x1;
	s10 =	sld [smem:$0x3FBA];
	_ =	sdelay $0x3  }
0x37: {  	[smem:$0x3FBA] =	sst s10  }
0x38: {  	s10 =	sld [smem:$0x3FBB]  }
0x39: {  	_ = 	snop;
	(pc) =	sbr.ind lr, $3  }
0x3a: {  	_ = 	snop  }
0x3b: {  	_ = 	snop  }
0x3c: {  	p2 =	seq.s32 s10, $0x1;
	s10 =	sld [smem:$0x3FBA]  }
0x3d: {  	_ =	shalt  }
0x3e: {  	_ =	shalt  }
0x3f: {  	_ =	shalt  }
0x40: {  	_ =	shalt  }
0x41: {  	_ =	shalt  }
0x42: {  	_ =	shalt  }
0x43: {  	_ =	shalt  }
0x44: {  	_ =	shalt  }
0x45: {  	_ =	shalt  }
0x46: {  	_ =	shalt  }
0x47: {  	_ =	shalt  }
0x48: {  	_ =	shalt  }
0x49: {  	_ =	shalt  }
0x4a: {  	_ =	shalt  }
0x4b: {  	_ =	shalt  }
0x4c: {  	_ =	shalt  }
0x4d: {  	_ =	shalt  }
0x4e: {  	_ =	shalt  }
0x4f: {  	_ =	shalt  }
0x50: {  	_ =	shalt  }
0x51: {  	_ =	shalt  }
0x52: {  	_ =	shalt  }
0x53: {  	_ =	shalt  }
0x54: {  	_ =	shalt  }
0x55: {  	_ =	shalt  }
0x56: {  	_ =	shalt  }
0x57: {  	_ =	shalt  }
0x58: {  	_ =	shalt  }
0x59: {  	_ =	shalt  }
0x5a: {  	_ =	shalt  }
0x5b: {  	_ =	shalt  }
0x5c: {  	_ =	shalt  }
0x5d: {  	_ =	shalt  }
0x5e: {  	_ =	shalt  }
0x5f: {  	_ =	shalt  }
0x60: {  	_ =	shalt  }
0x61: {  	_ =	shalt  }
0x62: {  	_ =	shalt  }
0x63: {  	_ =	shalt  }
0x64: {  	_ =	shalt  }
0x65: {  	_ =	shalt  }
0x66: {  	_ =	shalt  }
0x67: {  	_ =	shalt  }
0x68: {  	_ =	shalt  }
0x69: {  	_ =	shalt  }
0x6a: {  	_ =	shalt  }
0x6b: {  	_ =	shalt  }
0x6c: {  	_ =	shalt  }
0x6d: {  	_ =	shalt  }
0x6e: {  	_ =	shalt  }
0x6f: {  	_ =	shalt  }
0x70: {  	_ =	shalt  }
0x71: {  	_ =	shalt  }
0x72: {  	_ =	shalt  }
0x73: {  	_ =	shalt  }
0x74: {  	_ =	shalt  }
0x75: {  	_ =	shalt  }
0x76: {  	_ =	shalt  }
0x77: {  	_ =	shalt  }
0x78: {  	_ =	shalt  }
0x79: {  	_ =	shalt  }
0x7a: {  	_ =	shalt  }
0x7b: {  	_ =	shalt  }
0x7c: {  	_ =	shalt  }
0x7d: {  	_ =	shalt  }
0x7e: {  	_ =	shalt  }
0x7f: {  	_ =	shalt  }
0x80: {  	_ =	shalt  }
0x81: {  	_ =	shalt  }
0x82: {  	_ =	shalt  }
0x83: {  	_ =	shalt  }
0x84: {  	_ =	shalt  }
0x85: {  	_ =	shalt  }
0x86: {  	_ =	shalt  }
0x87: {  	_ =	shalt  }
.Lfunc_end0:
.L_simem_size_0:
called_computation_lowered:
.L_overlay_start_0:
0x88: {  	s2 =	sld [smem:$0x3FD9]  }
0x89: {  	s3 =	sld [smem:$0x3FFE];
	_ =	sdelay $0x1  }
0x8a: {  	s1 =	srdreg.scid  }
0x8b: {  	s0 =	sand.u32 $0x1, s1  }
0x8c: {  	s18 =	sshll.u32 s0, $0xA;
	s2 =	sadd.s32 s3, s2  }
0x8d: {  	s2 =	sadd.s32 s2, s18  }
0x8e: {  	[smem:$0x3FC6] =	sst s2  }
0x8f: {  	_ = 	snop  }
0x90: {  	s2 =	sld [smem:$0x3FC9]  }
0x91: {  	s19 =	sld [smem:$0x3FC8]  }
0x92: {  	s4 =	sld [smem:$0x3FD0];
	(tm) =	ssettm $0x1  }
0x93: {  	s5 =	sld [smem:$0x3FFB];
	_ =	sdelay $0x3  }
0x94: {  	_ =	strace s5  }
0x95: {  	s5 =	sld [smem:$0x3FFC];
	_ =	sdelay $0x3  }
0x96: {  	_ =	strace s5  }
0x97: {  	s5 =	sld [smem:$0x3FFD];
	_ =	sdelay $0x3  }
0x98: {  	_ =	strace s5  }
0x99: {  	_ =	strace $0x8FFFFFFF  }
0x9a: {  	s20 =	sld [smem:$0x3FDB];
	_ =	sdelay $0x1  }
0x9b: {  	s6 =	simm.s32 $_scs_section_size  }
0x9c: {  	s7 =	simm.s32 $_size__tile_overlayer_lowered;
	s8 =	simm.s32 $_tile_overlayer_lowered  }
0x9d: {  	s23 =	simm.s32 $0x1BFF;
	s22 =	sshll.u32 s8, $0x1;
	s5 =	sadd.s32 s6, s20  }
0x9e: {  	s9 =	simm.s32 $0x0;
	s21 =	sshll.u32 s7, $0x1;
	s7 =	sadd.s32 s22, s5  }
0x9f: {  	[timem:s9], [sflag:s23] =	dma.local [hbm:s7], s21  }
0xa0: {  	_ =	swait.ge [sflag:s23], s21  }
0xa1: {  	s6 =	ssub.s32 $0x0, s21;
	[sflag:s23] =	ssyncset.done $0x0  }
0xa2: {  	[sflag:s23] =	ssyncadd.s32 s6;
	_ =	sdelay $0x1  }
0xa3: {  	s24 =	simm.s32 $0x1B8B  }
0xa4: {  	_ =	swait.ge [sflag:s24], $0x1  }
0xa5: {  	[sflag:s24] =	ssyncset.done $0x0  }
0xa6: {  	s25 =	simm.s32 $0x1B8E;
	[sflag:s24] =	ssyncadd.s32 $0xFFFFFFFF  }
0xa7: {  	s26 =	simm.s32 $execute0_lowered;
	[smem:$0x3FD2] =	sst s25  }
0xa8: {  	s6 =	sshll.u32 s26, $0x1;
	_ =	strace $0x80000046;
	[dreg:$0x1] =	wrdreg $0xFFFFFFFF  }
0xa9: {  	s28 =	simm.s32 $_size_execute0_lowered;
	s5 =	sadd.s32 s5, s6;
	[dreg:$0x0] =	wrdreg $0x0  }
0xaa: {  	s6 =	sshll.u32 s28, $0x1;
	[dreg:$0x2] =	wrdreg s5  }
0xab: {  	[dreg:$0x3] =	wrdreg s6  }
0xac: {  	[dreg:$0x4] =	wrdreg $0xC0  }
0xad: {  	_ =	task [dreg:s9], $0x5FFFF  }
0xae: {  	[dreg:$0x1] =	wrdreg $0xFFFFFFFF  }
0xaf: {  	[dreg:$0x0] =	wrdreg $0x60  }
0xb0: {  	[dreg:$0x2] =	wrdreg s2  }
0xb1: {  	[dreg:$0x3] =	wrdreg s19  }
0xb2: {  	[dreg:$0x4] =	wrdreg s4  }
0xb3: {  	[dreg:$0x5] =	wrdreg $0x9  }
0xb4: {  	_ =	task.clear_ibuf [dreg:s9], $0x6FFFF;
	_ =	strace $0x90000046  }
0xb5: {  	s29 =	simm.s32 $0x9;
	_ =	strace $0x80000048  }
0xb6: {  	_ =	swait.ge [sflag:s29], $0x1  }
0xb7: {  	[sflag:s29] =	ssyncadd.s32 $0xFFFFFFFF  }
0xb8: {  	_ =	strace $0x90000048  }
0xb9: {  	_ =	sfence  }
0xba: {  	s30 =	sld [smem:$0x0];
	_ =	sdelay $0x2  }
0xbb: {  	s31 =	sshll.u32 s1, $0xD;
	s1 =	sshrl.u32 s1, $0x2  }
0xbc: {  	s3 =	sand.u32 $0x4000, s31;
	s1 =	sadd.s32 s1, s30  }
0xbd: {  	s0 =	sor.u32 s3, s0;
	s1 =	sshll.u32 s1, $0x11  }
0xbe: {  	s0 =	sor.u32 s1, s0  }
0xbf: {  	s0 =	sadd.s32 $0x8F2B, s0  }
0xc0: {  	[sflag:s0] =	ssyncadd.remote.s32 $0x1  }
0xc1: {  	_ =	sfence.sel $0xFFFF  }
0xc2: {  	[dreg:$0x0] =	wrdreg $0xFFFFFFFF;
	(pc) =	sbr.abs _section_cstart, $3  }
0xc3: {  	[dreg:$0x1] =	wrdreg $0xFFFFFFFF  }
0xc4: {  	_ =	task.clear_ibuf [dreg:s9], $0x2FFFF;
	_ =	strace $0x9FFFFFFF  }
0xc5: {  	(tm) =	ssettm $0x7FFFFFFF  }
tec
execute0_lowered:
.L_overlay_start_1:
0x0: {  	(tag) =	ssettag $0x1  }
0x1: {  	s1 =	srdreg.scid  }
0x2: {  	s0 =	stileid.u32;
	s4 =	sand.u32 $0x1, s1  }
0x3: {  	s3 =	rddreg [dreg:$0x0];
	s6 =	sand.u32 $0x3, s0;
	s1 =	sshll.u32 s4, $0x4  }
0x4: {  	s5 =	rddreg [dreg:$0x1];
	s9 =	smul.u32 $0x3, s6;
	s8 =	sor.u32 s0, s1  }
0x5: {  	s7 =	rddreg [dreg:$0x2];
	s2 =	simm.s32 $0x0;
	s10 =	smul.u32 $0x2A000, s8  }
0x6: {  	[smem:$0x7FF] =	sst s2;
	s12 =	smul.u32 $0x150000, s8  }
0x7: {  	s26 =	rddreg [dreg:$0x3];
	_ =	strace $0x80000047  }
0x8: {  	s5 =	sadd.s32 s5, s9;
	s11 =	sadd.s32 s7, s10;
	s25 =	sshrl.u32 s12, $0x3  }
0x9: {  	[dreg:$0x4] =	wrdreg s5;
	s28 =	sadd.s32 $0x1C00, s11;
	s7 =	sadd.s32 s7, s25  }
0xa: {  	[dreg:$0x5] =	wrdreg s28;
	s29 =	sadd.s32 $0x3800, s7  }
0xb: {  	s30 =	sadd.s32 $0x5400, s7;
	[dreg:$0x6] =	wrdreg s29  }
0xc: {  	s31 =	sadd.s32 $0x7000, s7;
	[dreg:$0x7] =	wrdreg s30  }
0xd: {  	s1 =	sadd.s32 $0x8C00, s7;
	[dreg:$0x8] =	wrdreg s31  }
0xe: {  	s9 =	sadd.s32 $0xA800, s7;
	[dreg:$0x9] =	wrdreg s1  }
0xf: {  	s4 =	ssub.s32 $0x2, s4;
	s10 =	sadd.s32 $0xC400, s7;
	[dreg:$0xa] =	wrdreg s9  }
0x10: {  	p1 =	sne.s32 s6, $0x0;
	s12 =	sadd.s32 $0xE000, s7;
	[dreg:$0xb] =	wrdreg s10  }
0x11: {  	s6 =	simm.s32 $0xE080;
	s13 =	sadd.s32 $0xFC00, s7;
	[dreg:$0xc] =	wrdreg s12  }
0x12: {  	s16 =	sshrl.u32 s4, $0x1;
	s14 =	sadd.s32 $0x11800, s7;
	[dreg:$0xd] =	wrdreg s13  }
0x13: {  	s19 =	sshrl.u32 s8, $0x2;
	s15 =	sadd.s32 $0x13400, s7;
	[dreg:$0xe] =	wrdreg s14  }
0x14: {  	p0 =	seq.s32 s8, $0x0;
	s17 =	sadd.s32 $0x15000, s7;
	[dreg:$0xf] =	wrdreg s15  }
0x15: {  	s8 =	simm.s32 $0x1;
	s18 =	sadd.s32 $0x16C00, s7;
	[dreg:$0x10] =	wrdreg s17  }
0x16: {  	p0 =	por !p1, !p0;
	s20 =	sadd.s32 $0x18800, s7;
	[dreg:$0x11] =	wrdreg s18  }
0x17: {  	p0 =	por !p0, !p0;
	s21 =	sadd.s32 $0x1A400, s7;
	[dreg:$0x12] =	wrdreg s20  }
0x18: {  	s8 =	simm.s32 @!p0 $0x0;
	s22 =	sadd.s32 $0x1C000, s7;
	[dreg:$0x13] =	wrdreg s21  }
0x19: {  	p0 =	por $0x0, $0x0;
	s23 =	sadd.s32 $0x1DC00, s7;
	[dreg:$0x14] =	wrdreg s22  }
0x1a: {  	s24 =	sadd.s32 $0x1F800, s7;
	s25 =	sadd.s32 $0x21400, s7;
	[dreg:$0x15] =	wrdreg s23  }
0x1b: {  	s28 =	sadd.s32 $0x23000, s7;
	s9 =	ssub.s32 s4, s16;
	[dreg:$0x16] =	wrdreg s24  }
0x1c: {  	s5 =	ssub.s32 s19, s8;
	[dreg:$0x17] =	wrdreg s25;
	s13 =	smax.u32 s9, $0x1  }
0x1d: {  	vm12 =	vcmask $0x70C;
	s4 =	simm.s32 $0x1;
	[dreg:$0x18] =	wrdreg s28;
	p1 =	sne.s32 s13, $0x1  }
.Ltmp0:
0x1e: {  	vm13 =	vcmask $0xB10;
	vm11 =	vcmask $0xF14;
	vm10 =	vcmask $0x1318;
	s29 =	sadd.s32 $0x24C00, s7;
	s30 =	sadd.s32 $0x26800, s7;
	(pc) =	sbr.rel @!p1 .LBB2_5-.Ltmp0, $4  }
0x1f: {  	vm9 =	vcmask $0x171C;
	vm8 =	vcmask $0x1B20;
	vm6 =	vcmask $0x1F24;
	s8 =	smul.u32 $0x60, s5;
	s31 =	sadd.s32 $0x28400, s7;
	s14 =	rddreg [dreg:$0x4]  }
0x20: {  	vm7 =	vcmask $0x2328;
	vm5 =	vcmask $0x272C;
	vm4 =	vcmask $0x2B30;
	s12 =	simm.s32 $0x5;
	s5 =	simm.s32 $0x3;
	[dreg:$0x19] =	wrdreg s29  }
0x21: {  	vm3 =	vcmask $0x2F34;
	vm2 =	vcmask $0x3338;
	vm0 =	vcmask $0x373C;
	s10 =	simm.s32 $0x2;
	s7 =	simm.s32 $0x4;
	[dreg:$0x1a] =	wrdreg s30  }
0x22: {  	vm1 =	vmmov $0x7fff;
	vm14 =	vmmov $0x1;
	vm15 =	vcmask $0x308;
	[dreg:$0x1b] =	wrdreg s31;
	s9 =	simm.s32 $0x80;
	s13 =	sadd.s32 $0xFFFFFFFF, s13  }
0x23: {  	[tilespmem:s2], [sflag:$0x5] =	stream.linear.gather [hbm4b:s14+s2], $0x18, $0x38;
	[tilespmem:$0x1C080] =	vst v63  }
0x24: {  	_ =	swait.ge [sflag:s12], $0x18  }
0x25: {  	[sflag:s12] =	ssyncset.done $0x0  }
0x26: {  	[sflag:s12] =	ssyncadd.s32 $0xFFFFFFE8  }
0x27: {  	v0 =	vld [tilespmem:$0x0];
	_ =	sdelay $0x4  }
0x28: {  	v1 =	vnsel vm14, $0x0, v0  }
0x29: {  	v2 =	vsel vm15, $0x0, v0;
	v1 =	vxor.u32 $0x80000000, v1  }
0x2a: {  	v2 =	vxor.u32 $0x80000000, v2;
	(xrf0) =	vmax.scan.msk.u32 $0xffff, v1  }
0x2b: {  	(xrf0) =	vmax.scan.msk.u32 $0xffff, v2;
	_ =	sdelay $0x1  }
0x2c: {  	v18 =	vsel vm12, $0x0, v0  }
0x2d: {  	v1 =	vxor.u32 $0x80000000, v18  }
0x2e: {  	v19 =	vsel vm13, $0x0, v0;
	(xrf0) =	vmax.scan.msk.u32 $0xffff, v1  }
0x2f: {  	v20 =	vxor.u32 $0x80000000, v19;
	v21, _, _ =	vpop (xrf0)  }
0x30: {  	(xrf0) =	vmax.scan.msk.u32 $0xffff, v20;
	(v2sf) =	vpush v21, $0xF;
	v22, _, _ =	vpop (xrf0)  }
0x31: {  	v23 =	vsel vm11, $0x0, v0;
	(v2sf) =	vpush v22, $0xF  }
0x32: {  	v24 =	vsel vm10, $0x0, v0;
	v1 =	vxor.u32 $0x80000000, v23  }
0x33: {  	v2 =	vxor.u32 $0x80000000, v24;
	(xrf0) =	vmax.scan.msk.u32 $0xffff, v1  }
0x34: {  	v25, _, _ =	vpop (xrf0);
	(xrf0) =	vmax.scan.msk.u32 $0xffff, v2  }
0x35: {  	(v2sf) =	vpush v25, $0xF  }
0x36: {  	v26 =	vsel vm9, $0x0, v0;
	v27, _, _ =	vpop (xrf0)  }
0x37: {  	v3 =	vsel vm8, $0x0, v0;
	v1 =	vxor.u32 $0x80000000, v26;
	(v2sf) =	vpush v27, $0xF  }
0x38: {  	v28 =	vsel vm6, $0x0, v0;
	v3 =	vxor.u32 $0x80000000, v3;
	(xrf0) =	vmax.scan.msk.u32 $0xffff, v1  }
0x39: {  	v30 =	vsel vm7, $0x0, v0;
	v29 =	vxor.u32 $0x80000000, v28;
	(xrf0) =	vmax.scan.msk.u32 $0xffff, v3;
	v32, _, _ =	vpop (xrf0)  }
0x3a: {  	v31 =	vsel vm5, $0x0, v0;
	v2 =	vxor.u32 $0x80000000, v30;
	(xrf0) =	vmax.scan.msk.u32 $0xffff, v29;
	(v2sf) =	vpush v32, $0xF;
	v35, _, _ =	vpop (xrf0)  }
0x3b: {  	v4 =	vsel vm4, $0x0, v0;
	v3 =	vxor.u32 $0x80000000, v31;
	(xrf0) =	vmax.scan.msk.u32 $0xffff, v2;
	(v2sf) =	vpush v35, $0xF  }
0x3c: {  	v34 =	vsel vm3, $0x0, v0;
	v33 =	vxor.u32 $0x80000000, v4;
	(xrf0) =	vmax.scan.msk.u32 $0xffff, v3  }
0x3d: {  	v36 =	vsel vm2, $0x0, v0;
	v2 =	vxor.u32 $0x80000000, v34;
	(xrf0) =	vmax.scan.msk.u32 $0xffff, v33  }
0x3e: {  	v37 =	vsel vm0, $0x0, v0;
	v38 =	vxor.u32 $0x80000000, v36;
	v39, _, _ =	vpop (xrf0);
	(xrf0) =	vmax.scan.msk.u32 $0xffff, v2  }
0x3f: {  	v0 =	vsel vm1, $0x0, v0;
	v1 =	vxor.u32 $0x80000000, v37;
	v40, _, _ =	vpop (xrf0);
	(xrf0) =	vmax.scan.msk.u32 $0xffff, v38;
	s26 =	spop (v2sf)  }
0x40: {  	v0 =	vxor.u32 $0x80000000, v0;
	v41, _, _ =	vpop (xrf0);
	(xrf0) =	vmax.scan.msk.u32 $0xffff, v1;
	s14 =	sadd.s32 s8, s26;
	s15 =	spop (v2sf)  }
0x41: {  	v42, _, _ =	vpop (xrf0);
	(xrf0) =	vmax.scan.msk.u32 $0xffff, v0;
	s14 =	smul.u32 $0xE000, s14;
	s15 =	sadd.s32 s8, s15  }
0x42: {  	v43, _, _ =	vpop (xrf0);
	(v2sf) =	vpush v39, $0xF;
	s15 =	smul.u32 $0xE000, s15  }
0x43: {  	v6 =	vld [tilespmem:$0x8];
	v5, _, _ =	vpop (xrf0);
	s14 =	sshrl.u32 s14, $0x3  }
0x44: {  	v44, _, _ =	vpop (xrf0);
	s16 =	spop (v2sf);
	s14 =	sadd.s32 s3, s14;
	s15 =	sshrl.u32 s15, $0x3  }
0x45: {  	v7, _, _ =	vpop (xrf0);
	(v2sf) =	vpush v40, $0xF;
	[tilespmem:s9], [sflag:$0x1] =	stream.linear.gather [hbm4b:s14+s2], $0xE000, $0x38;
	[tilespmem:$0x1C080] =	vst v63  }
0x46: {  	v45, _, _ =	vpop (xrf0);
	(v2sf) =	vpush v41, $0xF;
	s28 =	spop (v2sf);
	s15 =	sadd.s32 s3, s15  }
0x47: {  	v46, _, _ =	vpop (xrf0);
	(v2sf) =	vpush v42, $0xF;
	[tilespmem:s6], [sflag:$0x2] =	stream.linear.gather [hbm4b:s15+s2], $0xE000, $0x38;
	[tilespmem:$0x1C080] =	vst v63  }
0x48: {  	v47 =	vsel vm7, $0x0, v6;
	_ =	swait.ge [sflag:s4], $0xE000  }
0x49: {  	v1 =	vxor.u32 $0x80000000, v47;
	[sflag:s4] =	ssyncset.done $0x0;
	s18 =	spop (v2sf)  }
0x4a: {  	s29 =	sadd.s32 s8, s16;
	(xrf0) =	vmax.scan.msk.u32 $0xffff, v1;
	[sflag:s4] =	ssyncadd.s32 $0xFFFF2000;
	s30 =	spop (v2sf)  }
0x4b: {  	v8 =	vsel vm6, $0x0, v6;
	(v2sf) =	vpush v43, $0xF;
	[hbm4b:s11+s2] =	stream.linear.scatter [tilespmem:s9], [sflag:$0x3], $0xE000, $0x38;
	[tilespmem:$0x1C080] =	vst v63  }
0x4c: {  	v48 =	vsel vm5, $0x0, v6;
	v49 =	vxor.u32 $0x80000000, v8;
	s15 =	smul.u32 $0xE000, s29;
	_ =	swait.ge [sflag:s5], $0xE000  }
0x4d: {  	v50 =	vsel vm4, $0x0, v6;
	v0 =	vxor.u32 $0x80000000, v48;
	(xrf0) =	vmax.scan.msk.u32 $0xffff, v49  }
0x4e: {  	v51 =	vxor.u32 $0x80000000, v50;
	s15 =	sshrl.u32 s15, $0x3;
	[sflag:s5] =	ssyncset.done $0x0;
	(xrf0) =	vmax.scan.msk.u32 $0xffff, v0  }
0x4f: {  	v52 =	vsel vm3, $0x0, v6;
	s15 =	sadd.s32 s3, s15;
	[sflag:s5] =	ssyncadd.s32 $0xFFFF2000;
	(xrf0) =	vmax.scan.msk.u32 $0xffff, v51  }
0x50: {  	(v2sf) =	vpush v5, $0xF;
	v0 =	vxor.u32 $0x80000000, v52;
	[tilespmem:s9], [sflag:$0x1] =	stream.linear.gather [hbm4b:s15+s2], $0xE000, $0x38;
	[tilespmem:$0x1C080] =	vst v63  }
0x51: {  	v53 =	vsel vm2, $0x0, v6;
	s17 =	spop (v2sf);
	(xrf0) =	vmax.scan.msk.u32 $0xffff, v0  }
0x52: {  	v54 =	vsel vm0, $0x0, v6;
	v1 =	vxor.u32 $0x80000000, v53;
	_ =	swait.ge [sflag:s10], $0xE000  }
0x53: {  	v55 =	vsel vm1, $0x0, v6;
	v0 =	vxor.u32 $0x80000000, v54;
	(xrf0) =	vmax.scan.msk.u32 $0xffff, v1;
	v56, _, _ =	vpop (xrf0)  }
0x54: {  	v5 =	vxor.u32 $0x80000000, v55;
	s15 =	spop (v2sf);
	(v2sf) =	vpush v44, $0xF;
	[sflag:s10] =	ssyncset.done $0x0;
	(xrf0) =	vmax.scan.msk.u32 $0xffff, v0;
	v57, _, _ =	vpop (xrf0)  }
0x55: {  	s19 =	rddreg [dreg:$0x5];
	s14 =	spop (v2sf);
	[sflag:s10] =	ssyncadd.s32 $0xFFFF2000;
	(xrf0) =	vmax.scan.msk.u32 $0xffff, v5;
	v58, _, _ =	vpop (xrf0)  }
0x56: {  	(v2sf) =	vpush v57, $0xF;
	[hbm4b:s19+s2] =	stream.linear.scatter [tilespmem:s6], [sflag:$0x4], $0xE000, $0x38;
	v59, _, _ =	vpop (xrf0);
	[tilespmem:$0x1C080] =	vst v63  }
0x57: {  	s20 =	sadd.s32 s8, s28;
	_ =	swait.ge [sflag:s7], $0xE000  }
0x58: {  	s31 =	smul.u32 $0xE000, s20;
	(v2sf) =	vpush v7, $0xF  }
0x59: {  	v60, _, _ =	vpop (xrf0)  }
0x5a: {  	s19 =	sshrl.u32 s31, $0x3;
	[sflag:s7] =	ssyncset.done $0x0;
	v61, _, _ =	vpop (xrf0)  }
0x5b: {  	s19 =	sadd.s32 s3, s19;
	s29 =	spop (v2sf);
	[sflag:s7] =	ssyncadd.s32 $0xFFFF2000;
	v62, _, _ =	vpop (xrf0)  }
0x5c: {  	[tilespmem:s6], [sflag:$0x2] =	stream.linear.gather [hbm4b:s19+s2], $0xE000, $0x38;
	v63, _, _ =	vpop (xrf0);
	[tilespmem:$0x1C080] =	vst v63  }
0x5d: {  	s18 =	sadd.s32 s8, s18;
	_ =	swait.ge [sflag:s4], $0xE000  }
0x5e: {  	s18 =	smul.u32 $0xE000, s18;
	s28 =	spop (v2sf);
	[sflag:s4] =	ssyncset.done $0x0  }
0x5f: {  	(v2sf) =	vpush v56, $0xF;
	s1 =	rddreg [dreg:$0x6];
	s26 =	spop (v2sf);
	[sflag:s4] =	ssyncadd.s32 $0xFFFF2000  }
0x60: {  	(v2sf) =	vpush v45, $0xF;
	[hbm4b:s1+s2] =	stream.linear.scatter [tilespmem:s9], [sflag:$0x3], $0xE000, $0x38;
	[tilespmem:$0x1C080] =	vst v63  }
0x61: {  	_ =	swait.ge [sflag:s5], $0xE000  }
0x62: {  	s18 =	sshrl.u32 s18, $0x3;
	(v2sf) =	vpush v58, $0xF;
	[sflag:s5] =	ssyncset.done $0x0  }
0x63: {  	s18 =	sadd.s32 s3, s18;
	s24 =	spop (v2sf);
	[sflag:s5] =	ssyncadd.s32 $0xFFFF2000  }
0x64: {  	[tilespmem:s9], [sflag:$0x1] =	stream.linear.gather [hbm4b:s18+s2], $0xE000, $0x38;
	[tilespmem:$0x1C080] =	vst v63  }
0x65: {  	_ =	swait.ge [sflag:s10], $0xE000  }
0x66: {  	s16 =	sadd.s32 s8, s30;
	(v2sf) =	vpush v46, $0xF;
	s21 =	spop (v2sf);
	[sflag:s10] =	ssyncset.done $0x0  }
0x67: {  	s20 =	rddreg [dreg:$0x7];
	[sflag:s10] =	ssyncadd.s32 $0xFFFF2000;
	s22 =	spop (v2sf)  }
0x68: {  	(v2sf) =	vpush v59, $0xF;
	[hbm4b:s20+s2] =	stream.linear.scatter [tilespmem:s6], [sflag:$0x4], $0xE000, $0x38;
	[tilespmem:$0x1C080] =	vst v63  }
0x69: {  	s16 =	smul.u32 $0xE000, s16;
	_ =	swait.ge [sflag:s7], $0xE000  }
0x6a: {  	(v2sf) =	vpush v60, $0xF  }
0x6b: {  	s16 =	sshrl.u32 s16, $0x3;
	[sflag:s7] =	ssyncset.done $0x0  }
0x6c: {  	s16 =	sadd.s32 s3, s16;
	[sflag:s7] =	ssyncadd.s32 $0xFFFF2000  }
0x6d: {  	[tilespmem:s6], [sflag:$0x2] =	stream.linear.gather [hbm4b:s16+s2], $0xE000, $0x38;
	[tilespmem:$0x1C080] =	vst v63  }
0x6e: {  	s19 =	spop (v2sf)  }
0x6f: {  	s17 =	sadd.s32 s8, s17;
	_ =	swait.ge [sflag:s4], $0xE000  }
0x70: {  	s17 =	smul.u32 $0xE000, s17;
	(v2sf) =	vpush v61, $0xF;
	s25 =	spop (v2sf);
	[sflag:s4] =	ssyncset.done $0x0  }
0x71: {  	s23 =	rddreg [dreg:$0x8];
	[sflag:s4] =	ssyncadd.s32 $0xFFFF2000;
	s18 =	spop (v2sf)  }
0x72: {  	(v2sf) =	vpush v62, $0xF;
	[hbm4b:s23+s2] =	stream.linear.scatter [tilespmem:s9], [sflag:$0x3], $0xE000, $0x38;
	[tilespmem:$0x1C080] =	vst v63  }
0x73: {  	_ =	swait.ge [sflag:s5], $0xE000  }
0x74: {  	s30 =	sshrl.u32 s17, $0x3;
	[sflag:s5] =	ssyncset.done $0x0  }
0x75: {  	s16 =	sadd.s32 s3, s30;
	[sflag:s5] =	ssyncadd.s32 $0xFFFF2000;
	s23 =	spop (v2sf);
	(v2sf) =	vpush v63, $0xF  }
0x76: {  	[tilespmem:s9], [sflag:$0x1] =	stream.linear.gather [hbm4b:s16+s2], $0xE000, $0x38;
	[tilespmem:$0x1C080] =	vst v63  }
0x77: {  	s15 =	sadd.s32 s8, s15;
	_ =	swait.ge [sflag:s10], $0xE000  }
0x78: {  	s15 =	smul.u32 $0xE000, s15;
	s20 =	spop (v2sf);
	[sflag:s10] =	ssyncset.done $0x0  }
0x79: {  	s31 =	rddreg [dreg:$0x9];
	[sflag:s10] =	ssyncadd.s32 $0xFFFF2000;
	s17 =	spop (v2sf)  }
0x7a: {  	[hbm4b:s31+s2] =	stream.linear.scatter [tilespmem:s6], [sflag:$0x4], $0xE000, $0x38;
	[tilespmem:$0x1C080] =	vst v63  }
0x7b: {  	_ =	swait.ge [sflag:s7], $0xE000  }
0x7c: {  	s15 =	sshrl.u32 s15, $0x3;
	[sflag:s7] =	ssyncset.done $0x0  }
0x7d: {  	s15 =	sadd.s32 s3, s15;
	[sflag:s7] =	ssyncadd.s32 $0xFFFF2000  }
0x7e: {  	[tilespmem:s6], [sflag:$0x2] =	stream.linear.gather [hbm4b:s15+s2], $0xE000, $0x38;
	[tilespmem:$0x1C080] =	vst v63  }
0x7f: {  	s16 =	spop (v2sf)  }
0x80: {  	_ =	swait.ge [sflag:s4], $0xE000  }
0x81: {  	s14 =	sadd.s32 s8, s14;
	[sflag:s4] =	ssyncset.done $0x0  }
0x82: {  	s30 =	rddreg [dreg:$0xa];
	s15 =	spop (v2sf);
	[sflag:s4] =	ssyncadd.s32 $0xFFFF2000  }
0x83: {  	[hbm4b:s30+s2] =	stream.linear.scatter [tilespmem:s9], [sflag:$0x3], $0xE000, $0x38;
	[tilespmem:$0x1C080] =	vst v63  }
0x84: {  	s1 =	smul.u32 $0xE000, s14;
	s14 =	spop (v2sf)  }
0x85: {  	_ =	swait.ge [sflag:s5], $0xE000  }
0x86: {  	s30 =	sshrl.u32 s1, $0x3;
	[sflag:s5] =	ssyncset.done $0x0  }
0x87: {  	s30 =	sadd.s32 s3, s30;
	[sflag:s5] =	ssyncadd.s32 $0xFFFF2000  }
0x88: {  	[tilespmem:s9], [sflag:$0x1] =	stream.linear.gather [hbm4b:s30+s2], $0xE000, $0x38;
	[tilespmem:$0x1C080] =	vst v63  }
0x89: {  	_ =	swait.ge [sflag:s10], $0xE000  }
0x8a: {  	s29 =	sadd.s32 s8, s29;
	[sflag:s10] =	ssyncset.done $0x0  }
0x8b: {  	s29 =	smul.u32 $0xE000, s29;
	s31 =	rddreg [dreg:$0xb];
	[sflag:s10] =	ssyncadd.s32 $0xFFFF2000  }
0x8c: {  	[hbm4b:s31+s2] =	stream.linear.scatter [tilespmem:s6], [sflag:$0x4], $0xE000, $0x38;
	[tilespmem:$0x1C080] =	vst v63  }
0x8d: {  	_ =	swait.ge [sflag:s7], $0xE000  }
0x8e: {  	s29 =	sshrl.u32 s29, $0x3;
	[sflag:s7] =	ssyncset.done $0x0  }
0x8f: {  	s29 =	sadd.s32 s3, s29;
	[sflag:s7] =	ssyncadd.s32 $0xFFFF2000  }
0x90: {  	[tilespmem:s6], [sflag:$0x2] =	stream.linear.gather [hbm4b:s29+s2], $0xE000, $0x38;
	[tilespmem:$0x1C080] =	vst v63  }
0x91: {  	_ =	swait.ge [sflag:s4], $0xE000  }
0x92: {  	s28 =	sadd.s32 s8, s28;
	[sflag:s4] =	ssyncset.done $0x0  }
0x93: {  	s28 =	smul.u32 $0xE000, s28;
	s1 =	rddreg [dreg:$0xc];
	[sflag:s4] =	ssyncadd.s32 $0xFFFF2000  }
0x94: {  	[hbm4b:s1+s2] =	stream.linear.scatter [tilespmem:s9], [sflag:$0x3], $0xE000, $0x38;
	[tilespmem:$0x1C080] =	vst v63  }
0x95: {  	_ =	swait.ge [sflag:s5], $0xE000  }
0x96: {  	s28 =	sshrl.u32 s28, $0x3;
	[sflag:s5] =	ssyncset.done $0x0  }
0x97: {  	s28 =	sadd.s32 s3, s28;
	[sflag:s5] =	ssyncadd.s32 $0xFFFF2000  }
0x98: {  	[tilespmem:s9], [sflag:$0x1] =	stream.linear.gather [hbm4b:s28+s2], $0xE000, $0x38;
	[tilespmem:$0x1C080] =	vst v63  }
0x99: {  	_ =	swait.ge [sflag:s10], $0xE000  }
0x9a: {  	s26 =	sadd.s32 s8, s26;
	[sflag:s10] =	ssyncset.done $0x0  }
0x9b: {  	s26 =	smul.u32 $0xE000, s26;
	s30 =	rddreg [dreg:$0xd];
	[sflag:s10] =	ssyncadd.s32 $0xFFFF2000  }
0x9c: {  	[hbm4b:s30+s2] =	stream.linear.scatter [tilespmem:s6], [sflag:$0x4], $0xE000, $0x38;
	[tilespmem:$0x1C080] =	vst v63  }
0x9d: {  	_ =	swait.ge [sflag:s7], $0xE000  }
0x9e: {  	s26 =	sshrl.u32 s26, $0x3;
	[sflag:s7] =	ssyncset.done $0x0  }
0x9f: {  	s26 =	sadd.s32 s3, s26;
	[sflag:s7] =	ssyncadd.s32 $0xFFFF2000  }
0xa0: {  	[tilespmem:s6], [sflag:$0x2] =	stream.linear.gather [hbm4b:s26+s2], $0xE000, $0x38;
	[tilespmem:$0x1C080] =	vst v63  }
0xa1: {  	_ =	swait.ge [sflag:s4], $0xE000  }
0xa2: {  	s24 =	sadd.s32 s8, s24;
	[sflag:s4] =	ssyncset.done $0x0  }
0xa3: {  	s24 =	smul.u32 $0xE000, s24;
	s31 =	rddreg [dreg:$0xe];
	[sflag:s4] =	ssyncadd.s32 $0xFFFF2000  }
0xa4: {  	[hbm4b:s31+s2] =	stream.linear.scatter [tilespmem:s9], [sflag:$0x3], $0xE000, $0x38;
	[tilespmem:$0x1C080] =	vst v63  }
0xa5: {  	_ =	swait.ge [sflag:s5], $0xE000  }
0xa6: {  	s24 =	sshrl.u32 s24, $0x3;
	[sflag:s5] =	ssyncset.done $0x0  }
0xa7: {  	s24 =	sadd.s32 s3, s24;
	[sflag:s5] =	ssyncadd.s32 $0xFFFF2000  }
0xa8: {  	[tilespmem:s9], [sflag:$0x1] =	stream.linear.gather [hbm4b:s24+s2], $0xE000, $0x38;
	[tilespmem:$0x1C080] =	vst v63  }
0xa9: {  	_ =	swait.ge [sflag:s10], $0xE000  }
0xaa: {  	s22 =	sadd.s32 s8, s22;
	[sflag:s10] =	ssyncset.done $0x0  }
0xab: {  	s22 =	smul.u32 $0xE000, s22;
	s1 =	rddreg [dreg:$0xf];
	[sflag:s10] =	ssyncadd.s32 $0xFFFF2000  }
0xac: {  	[hbm4b:s1+s2] =	stream.linear.scatter [tilespmem:s6], [sflag:$0x4], $0xE000, $0x38;
	[tilespmem:$0x1C080] =	vst v63  }
0xad: {  	_ =	swait.ge [sflag:s7], $0xE000  }
0xae: {  	s22 =	sshrl.u32 s22, $0x3;
	[sflag:s7] =	ssyncset.done $0x0  }
0xaf: {  	s22 =	sadd.s32 s3, s22;
	[sflag:s7] =	ssyncadd.s32 $0xFFFF2000  }
0xb0: {  	[tilespmem:s6], [sflag:$0x2] =	stream.linear.gather [hbm4b:s22+s2], $0xE000, $0x38;
	[tilespmem:$0x1C080] =	vst v63  }
0xb1: {  	_ =	swait.ge [sflag:s4], $0xE000  }
0xb2: {  	s28 =	sadd.s32 s8, s25;
	[sflag:s4] =	ssyncset.done $0x0  }
0xb3: {  	s22 =	smul.u32 $0xE000, s28;
	s26 =	rddreg [dreg:$0x10];
	[sflag:s4] =	ssyncadd.s32 $0xFFFF2000  }
0xb4: {  	[hbm4b:s26+s2] =	stream.linear.scatter [tilespmem:s9], [sflag:$0x3], $0xE000, $0x38;
	[tilespmem:$0x1C080] =	vst v63  }
0xb5: {  	_ =	swait.ge [sflag:s5], $0xE000  }
0xb6: {  	s22 =	sshrl.u32 s22, $0x3;
	[sflag:s5] =	ssyncset.done $0x0  }
0xb7: {  	s22 =	sadd.s32 s3, s22;
	[sflag:s5] =	ssyncadd.s32 $0xFFFF2000  }
0xb8: {  	[tilespmem:s9], [sflag:$0x1] =	stream.linear.gather [hbm4b:s22+s2], $0xE000, $0x38;
	[tilespmem:$0x1C080] =	vst v63  }
0xb9: {  	_ =	swait.ge [sflag:s10], $0xE000  }
0xba: {  	s30 =	sadd.s32 s8, s23;
	[sflag:s10] =	ssyncset.done $0x0  }
0xbb: {  	s22 =	smul.u32 $0xE000, s30;
	s29 =	rddreg [dreg:$0x11];
	[sflag:s10] =	ssyncadd.s32 $0xFFFF2000  }
0xbc: {  	[hbm4b:s29+s2] =	stream.linear.scatter [tilespmem:s6], [sflag:$0x4], $0xE000, $0x38;
	[tilespmem:$0x1C080] =	vst v63  }
0xbd: {  	_ =	swait.ge [sflag:s7], $0xE000  }
0xbe: {  	s22 =	sshrl.u32 s22, $0x3;
	[sflag:s7] =	ssyncset.done $0x0  }
0xbf: {  	s22 =	sadd.s32 s3, s22;
	[sflag:s7] =	ssyncadd.s32 $0xFFFF2000  }
0xc0: {  	[tilespmem:s6], [sflag:$0x2] =	stream.linear.gather [hbm4b:s22+s2], $0xE000, $0x38;
	[tilespmem:$0x1C080] =	vst v63  }
0xc1: {  	_ =	swait.ge [sflag:s4], $0xE000  }
0xc2: {  	s21 =	sadd.s32 s8, s21;
	[sflag:s4] =	ssyncset.done $0x0  }
0xc3: {  	s21 =	smul.u32 $0xE000, s21;
	s31 =	rddreg [dreg:$0x12];
	[sflag:s4] =	ssyncadd.s32 $0xFFFF2000  }
0xc4: {  	[hbm4b:s31+s2] =	stream.linear.scatter [tilespmem:s9], [sflag:$0x3], $0xE000, $0x38;
	[tilespmem:$0x1C080] =	vst v63  }
0xc5: {  	_ =	swait.ge [sflag:s5], $0xE000  }
0xc6: {  	s21 =	sshrl.u32 s21, $0x3;
	[sflag:s5] =	ssyncset.done $0x0  }
0xc7: {  	s21 =	sadd.s32 s3, s21;
	[sflag:s5] =	ssyncadd.s32 $0xFFFF2000  }
0xc8: {  	[tilespmem:s9], [sflag:$0x1] =	stream.linear.gather [hbm4b:s21+s2], $0xE000, $0x38;
	[tilespmem:$0x1C080] =	vst v63  }
0xc9: {  	_ =	swait.ge [sflag:s10], $0xE000  }
0xca: {  	s19 =	sadd.s32 s8, s19;
	[sflag:s10] =	ssyncset.done $0x0  }
0xcb: {  	s19 =	smul.u32 $0xE000, s19;
	s1 =	rddreg [dreg:$0x13];
	[sflag:s10] =	ssyncadd.s32 $0xFFFF2000  }
0xcc: {  	[hbm4b:s1+s2] =	stream.linear.scatter [tilespmem:s6], [sflag:$0x4], $0xE000, $0x38;
	[tilespmem:$0x1C080] =	vst v63  }
0xcd: {  	_ =	swait.ge [sflag:s7], $0xE000  }
0xce: {  	s19 =	sshrl.u32 s19, $0x3;
	[sflag:s7] =	ssyncset.done $0x0  }
0xcf: {  	s19 =	sadd.s32 s3, s19;
	[sflag:s7] =	ssyncadd.s32 $0xFFFF2000  }
0xd0: {  	[tilespmem:s6], [sflag:$0x2] =	stream.linear.gather [hbm4b:s19+s2], $0xE000, $0x38;
	[tilespmem:$0x1C080] =	vst v63  }
0xd1: {  	_ =	swait.ge [sflag:s4], $0xE000  }
0xd2: {  	s18 =	sadd.s32 s8, s18;
	[sflag:s4] =	ssyncset.done $0x0  }
0xd3: {  	s18 =	smul.u32 $0xE000, s18;
	s22 =	rddreg [dreg:$0x14];
	[sflag:s4] =	ssyncadd.s32 $0xFFFF2000  }
0xd4: {  	[hbm4b:s22+s2] =	stream.linear.scatter [tilespmem:s9], [sflag:$0x3], $0xE000, $0x38;
	[tilespmem:$0x1C080] =	vst v63  }
0xd5: {  	_ =	swait.ge [sflag:s5], $0xE000  }
0xd6: {  	s18 =	sshrl.u32 s18, $0x3;
	[sflag:s5] =	ssyncset.done $0x0  }
0xd7: {  	s18 =	sadd.s32 s3, s18;
	[sflag:s5] =	ssyncadd.s32 $0xFFFF2000  }
0xd8: {  	[tilespmem:s9], [sflag:$0x1] =	stream.linear.gather [hbm4b:s18+s2], $0xE000, $0x38;
	[tilespmem:$0x1C080] =	vst v63  }
0xd9: {  	_ =	swait.ge [sflag:s10], $0xE000  }
0xda: {  	s24 =	sadd.s32 s8, s20;
	[sflag:s10] =	ssyncset.done $0x0  }
0xdb: {  	s18 =	smul.u32 $0xE000, s24;
	s23 =	rddreg [dreg:$0x15];
	[sflag:s10] =	ssyncadd.s32 $0xFFFF2000  }
0xdc: {  	[hbm4b:s23+s2] =	stream.linear.scatter [tilespmem:s6], [sflag:$0x4], $0xE000, $0x38;
	[tilespmem:$0x1C080] =	vst v63  }
0xdd: {  	_ =	swait.ge [sflag:s7], $0xE000  }
0xde: {  	s18 =	sshrl.u32 s18, $0x3;
	[sflag:s7] =	ssyncset.done $0x0  }
0xdf: {  	s18 =	sadd.s32 s3, s18;
	[sflag:s7] =	ssyncadd.s32 $0xFFFF2000  }
0xe0: {  	[tilespmem:s6], [sflag:$0x2] =	stream.linear.gather [hbm4b:s18+s2], $0xE000, $0x38;
	[tilespmem:$0x1C080] =	vst v63  }
0xe1: {  	_ =	swait.ge [sflag:s4], $0xE000  }
0xe2: {  	s17 =	sadd.s32 s8, s17;
	[sflag:s4] =	ssyncset.done $0x0  }
0xe3: {  	s17 =	smul.u32 $0xE000, s17;
	s25 =	rddreg [dreg:$0x16];
	[sflag:s4] =	ssyncadd.s32 $0xFFFF2000  }
0xe4: {  	[hbm4b:s25+s2] =	stream.linear.scatter [tilespmem:s9], [sflag:$0x3], $0xE000, $0x38;
	[tilespmem:$0x1C080] =	vst v63  }
0xe5: {  	_ =	swait.ge [sflag:s5], $0xE000  }
0xe6: {  	s17 =	sshrl.u32 s17, $0x3;
	[sflag:s5] =	ssyncset.done $0x0  }
0xe7: {  	s17 =	sadd.s32 s3, s17;
	[sflag:s5] =	ssyncadd.s32 $0xFFFF2000  }
0xe8: {  	[tilespmem:s9], [sflag:$0x1] =	stream.linear.gather [hbm4b:s17+s2], $0xE000, $0x38;
	[tilespmem:$0x1C080] =	vst v63  }
0xe9: {  	_ =	swait.ge [sflag:s10], $0xE000  }
0xea: {  	s16 =	sadd.s32 s8, s16;
	[sflag:s10] =	ssyncset.done $0x0  }
0xeb: {  	s16 =	smul.u32 $0xE000, s16;
	s26 =	rddreg [dreg:$0x17];
	[sflag:s10] =	ssyncadd.s32 $0xFFFF2000  }
0xec: {  	[hbm4b:s26+s2] =	stream.linear.scatter [tilespmem:s6], [sflag:$0x4], $0xE000, $0x38;
	[tilespmem:$0x1C080] =	vst v63  }
0xed: {  	_ =	swait.ge [sflag:s7], $0xE000  }
0xee: {  	s16 =	sshrl.u32 s16, $0x3;
	[sflag:s7] =	ssyncset.done $0x0  }
0xef: {  	s16 =	sadd.s32 s3, s16;
	[sflag:s7] =	ssyncadd.s32 $0xFFFF2000  }
0xf0: {  	[tilespmem:s6], [sflag:$0x2] =	stream.linear.gather [hbm4b:s16+s2], $0xE000, $0x38;
	[tilespmem:$0x1C080] =	vst v63  }
0xf1: {  	_ =	swait.ge [sflag:s4], $0xE000  }
0xf2: {  	s15 =	sadd.s32 s8, s15;
	[sflag:s4] =	ssyncset.done $0x0  }
0xf3: {  	s15 =	smul.u32 $0xE000, s15;
	s28 =	rddreg [dreg:$0x18];
	[sflag:s4] =	ssyncadd.s32 $0xFFFF2000  }
0xf4: {  	[hbm4b:s28+s2] =	stream.linear.scatter [tilespmem:s9], [sflag:$0x3], $0xE000, $0x38;
	[tilespmem:$0x1C080] =	vst v63  }
0xf5: {  	_ =	swait.ge [sflag:s5], $0xE000  }
0xf6: {  	s15 =	sshrl.u32 s15, $0x3;
	[sflag:s5] =	ssyncset.done $0x0  }
0xf7: {  	s15 =	sadd.s32 s3, s15;
	[sflag:s5] =	ssyncadd.s32 $0xFFFF2000  }
0xf8: {  	[tilespmem:s9], [sflag:$0x1] =	stream.linear.gather [hbm4b:s15+s2], $0xE000, $0x38;
	[tilespmem:$0x1C080] =	vst v63  }
0xf9: {  	_ =	swait.ge [sflag:s10], $0xE000  }
0xfa: {  	s14 =	sadd.s32 s8, s14;
	[sflag:s10] =	ssyncset.done $0x0  }
0xfb: {  	s14 =	smul.u32 $0xE000, s14;
	s29 =	rddreg [dreg:$0x19];
	[sflag:s10] =	ssyncadd.s32 $0xFFFF2000  }
0xfc: {  	[hbm4b:s29+s2] =	stream.linear.scatter [tilespmem:s6], [sflag:$0x4], $0xE000, $0x38;
	[tilespmem:$0x1C080] =	vst v63  }
0xfd: {  	_ =	swait.ge [sflag:s7], $0xE000  }
0xfe: {  	s14 =	sshrl.u32 s14, $0x3;
	[sflag:s7] =	ssyncset.done $0x0  }
0xff: {  	s14 =	sadd.s32 s3, s14;
	[sflag:s7] =	ssyncadd.s32 $0xFFFF2000  }
0x100: {  	[tilespmem:s6], [sflag:$0x2] =	stream.linear.gather [hbm4b:s14+s2], $0xE000, $0x38;
	[tilespmem:$0x1C080] =	vst v63  }
0x101: {  	_ =	swait.ge [sflag:s4], $0xE000  }
0x102: {  	[sflag:s4] =	ssyncset.done $0x0  }
0x103: {  	s30 =	rddreg [dreg:$0x1a];
	[sflag:s4] =	ssyncadd.s32 $0xFFFF2000  }
0x104: {  	[hbm4b:s30+s2] =	stream.linear.scatter [tilespmem:s9], [sflag:$0x3], $0xE000, $0x38;
	[tilespmem:$0x1C080] =	vst v63  }
0x105: {  	_ =	swait.ge [sflag:s10], $0xE000  }
0x106: {  	[sflag:s10] =	ssyncset.done $0x0  }
0x107: {  	p1 =	sne.s32 s13, $0x1;
	s31 =	rddreg [dreg:$0x1b];
	[sflag:s10] =	ssyncadd.s32 $0xFFFF2000  }
0x108: {  	[hbm4b:s31+s2] =	stream.linear.scatter [tilespmem:s6], [sflag:$0x4], $0xE000, $0x38;
	[tilespmem:$0x1C080] =	vst v63  }
.Ltmp1:
0x109: {  	_ =	swait.ge [sflag:s5], $0xE000;
	(pc) =	sbr.rel @!p1 .LBB2_2-.Ltmp1, $4  }
0x10a: {  	[sflag:s5] =	ssyncset.done $0x0  }
0x10b: {  	[sflag:s5] =	ssyncadd.s32 $0xFFFF2000  }
0x10c: {  	s13 =	sadd.s32 $0xFFFFFFFF, s13;
	_ =	swait.ge [sflag:s7], $0xE000  }
0x10d: {  	p0 =	por $0x1, $0x1;
	s14 =	rddreg [dreg:$0x4];
	[sflag:s7] =	ssyncset.done $0x0  }
.LBB2_3:
0x10e: {  	[sflag:s7] =	ssyncadd.s32 $0xFFFF2000  }
0x10f: {  	[tilespmem:s2], [sflag:$0x5] =	stream.linear.gather [hbm4b:s14+s2], $0x18, $0x38;
	[tilespmem:$0x1C080] =	vst v63  }
0x110: {  	_ =	swait.ge [sflag:s12], $0x18  }
0x111: {  	[sflag:s12] =	ssyncset.done $0x0  }
0x112: {  	[sflag:s12] =	ssyncadd.s32 $0xFFFFFFE8  }
0x113: {  	v0 =	vld [tilespmem:$0x0];
	_ =	sdelay $0x4  }
0x114: {  	v2 =	vnsel vm14, $0x0, v0  }
0x115: {  	v3 =	vsel vm15, $0x0, v0;
	v2 =	vxor.u32 $0x80000000, v2  }
0x116: {  	v3 =	vxor.u32 $0x80000000, v3;
	(xrf0) =	vmax.scan.msk.u32 $0xffff, v2  }
0x117: {  	(xrf0) =	vmax.scan.msk.u32 $0xffff, v3;
	_ =	sdelay $0x1  }
0x118: {  	v1 =	vsel vm12, $0x0, v0  }
0x119: {  	v1 =	vxor.u32 $0x80000000, v1  }
0x11a: {  	v4 =	vsel vm13, $0x0, v0;
	(xrf0) =	vmax.scan.msk.u32 $0xffff, v1  }
0x11b: {  	v18 =	vxor.u32 $0x80000000, v4;
	v32, _, _ =	vpop (xrf0)  }
0x11c: {  	(xrf0) =	vmax.scan.msk.u32 $0xffff, v18;
	(v2sf) =	vpush v32, $0xF;
	v33, _, _ =	vpop (xrf0)  }
0x11d: {  	v5 =	vsel vm11, $0x0, v0;
	(v2sf) =	vpush v33, $0xF  }
0x11e: {  	v6 =	vsel vm10, $0x0, v0;
	v19 =	vxor.u32 $0x80000000, v5  }
0x11f: {  	v20 =	vxor.u32 $0x80000000, v6;
	(xrf0) =	vmax.scan.msk.u32 $0xffff, v19  }
0x120: {  	(xrf0) =	vmax.scan.msk.u32 $0xffff, v20;
	v9, _, _ =	vpop (xrf0)  }
0x121: {  	(v2sf) =	vpush v9, $0xF  }
0x122: {  	v21 =	vsel vm9, $0x0, v0;
	v35, _, _ =	vpop (xrf0)  }
0x123: {  	v22 =	vsel vm8, $0x0, v0;
	v23 =	vxor.u32 $0x80000000, v21;
	(v2sf) =	vpush v35, $0xF  }
0x124: {  	v7 =	vsel vm6, $0x0, v0;
	v24 =	vxor.u32 $0x80000000, v22;
	(xrf0) =	vmax.scan.msk.u32 $0xffff, v23  }
0x125: {  	v26 =	vsel vm7, $0x0, v0;
	v25 =	vxor.u32 $0x80000000, v7;
	(xrf0) =	vmax.scan.msk.u32 $0xffff, v24;
	v36, _, _ =	vpop (xrf0)  }
0x126: {  	v27 =	vsel vm5, $0x0, v0;
	v2 =	vxor.u32 $0x80000000, v26;
	(xrf0) =	vmax.scan.msk.u32 $0xffff, v25;
	v37, _, _ =	vpop (xrf0);
	(v2sf) =	vpush v36, $0xF  }
0x127: {  	v8 =	vsel vm4, $0x0, v0;
	v28 =	vxor.u32 $0x80000000, v27;
	(xrf0) =	vmax.scan.msk.u32 $0xffff, v2;
	(v2sf) =	vpush v37, $0xF  }
0x128: {  	v30 =	vsel vm3, $0x0, v0;
	v29 =	vxor.u32 $0x80000000, v8;
	(xrf0) =	vmax.scan.msk.u32 $0xffff, v28  }
0x129: {  	v31 =	vsel vm2, $0x0, v0;
	v5 =	vxor.u32 $0x80000000, v30;
	(xrf0) =	vmax.scan.msk.u32 $0xffff, v29  }
0x12a: {  	v10 =	vsel vm0, $0x0, v0;
	v8 =	vxor.u32 $0x80000000, v31;
	v38, _, _ =	vpop (xrf0);
	(xrf0) =	vmax.scan.msk.u32 $0xffff, v5  }
0x12b: {  	v0 =	vsel vm1, $0x0, v0;
	v34 =	vxor.u32 $0x80000000, v10;
	v39, _, _ =	vpop (xrf0);
	(xrf0) =	vmax.scan.msk.u32 $0xffff, v8;
	s31 =	spop (v2sf)  }
0x12c: {  	v0 =	vxor.u32 $0x80000000, v0;
	v6, _, _ =	vpop (xrf0);
	(xrf0) =	vmax.scan.msk.u32 $0xffff, v34;
	s14 =	sadd.s32 s8, s31;
	s15 =	spop (v2sf)  }
0x12d: {  	v40, _, _ =	vpop (xrf0);
	(xrf0) =	vmax.scan.msk.u32 $0xffff, v0;
	s14 =	smul.u32 $0xE000, s14;
	s15 =	sadd.s32 s8, s15  }
0x12e: {  	(v2sf) =	vpush v38, $0xF;
	v41, _, _ =	vpop (xrf0);
	s15 =	smul.u32 $0xE000, s15  }
0x12f: {  	v46 =	vld [tilespmem:$0x8];
	v42, _, _ =	vpop (xrf0);
	s14 =	sshrl.u32 s14, $0x3  }
0x130: {  	v43, _, _ =	vpop (xrf0);
	s16 =	spop (v2sf);
	s14 =	sadd.s32 s3, s14;
	s15 =	sshrl.u32 s15, $0x3  }
0x131: {  	v44, _, _ =	vpop (xrf0);
	(v2sf) =	vpush v39, $0xF;
	[tilespmem:s9], [sflag:$0x1] =	stream.linear.gather [hbm4b:s14+s2], $0xE000, $0x38;
	[tilespmem:$0x1C080] =	vst v63  }
0x132: {  	v45, _, _ =	vpop (xrf0);
	s17 =	spop (v2sf);
	(v2sf) =	vpush v6, $0xF;
	s15 =	sadd.s32 s3, s15  }
0x133: {  	v0, _, _ =	vpop (xrf0);
	(v2sf) =	vpush v40, $0xF;
	[tilespmem:s6], [sflag:$0x2] =	stream.linear.gather [hbm4b:s15+s2], $0xE000, $0x38;
	[tilespmem:$0x1C080] =	vst v63  }
0x134: {  	v48 =	vsel vm7, $0x0, v46;
	_ =	swait.ge [sflag:s4], $0xE000  }
0x135: {  	v5 =	vxor.u32 $0x80000000, v48;
	s19 =	spop (v2sf);
	[sflag:s4] =	ssyncset.done $0x0  }
0x136: {  	s16 =	sadd.s32 s8, s16;
	(xrf0) =	vmax.scan.msk.u32 $0xffff, v5;
	s20 =	spop (v2sf);
	[sflag:s4] =	ssyncadd.s32 $0xFFFF2000  }
0x137: {  	v47 =	vsel vm6, $0x0, v46;
	(v2sf) =	vpush v41, $0xF;
	[hbm4b:s11+s2] =	stream.linear.scatter [tilespmem:s9], [sflag:$0x3], $0xE000, $0x38;
	[tilespmem:$0x1C080] =	vst v63  }
0x138: {  	v49 =	vsel vm5, $0x0, v46;
	v3 =	vxor.u32 $0x80000000, v47;
	s16 =	smul.u32 $0xE000, s16;
	_ =	swait.ge [sflag:s5], $0xE000  }
0x139: {  	v50 =	vsel vm4, $0x0, v46;
	v6 =	vxor.u32 $0x80000000, v49;
	(xrf0) =	vmax.scan.msk.u32 $0xffff, v3  }
0x13a: {  	v52 =	vxor.u32 $0x80000000, v50;
	s16 =	sshrl.u32 s16, $0x3;
	[sflag:s5] =	ssyncset.done $0x0;
	(xrf0) =	vmax.scan.msk.u32 $0xffff, v6  }
0x13b: {  	v51 =	vsel vm3, $0x0, v46;
	s17 =	sadd.s32 s8, s17;
	s16 =	sadd.s32 s3, s16;
	[sflag:s5] =	ssyncadd.s32 $0xFFFF2000;
	(xrf0) =	vmax.scan.msk.u32 $0xffff, v52  }
0x13c: {  	v53 =	vxor.u32 $0x80000000, v51;
	(v2sf) =	vpush v42, $0xF;
	[tilespmem:s9], [sflag:$0x1] =	stream.linear.gather [hbm4b:s16+s2], $0xE000, $0x38;
	[tilespmem:$0x1C080] =	vst v63  }
0x13d: {  	v54 =	vsel vm2, $0x0, v46;
	s17 =	smul.u32 $0xE000, s17;
	s15 =	sadd.s32 s8, s19;
	s19 =	spop (v2sf);
	(xrf0) =	vmax.scan.msk.u32 $0xffff, v53  }
0x13e: {  	v55 =	vsel vm0, $0x0, v46;
	v2 =	vxor.u32 $0x80000000, v54;
	_ =	swait.ge [sflag:s10], $0xE000  }
0x13f: {  	v4 =	vsel vm1, $0x0, v46;
	s1 =	sshrl.u32 s17, $0x3;
	s17 =	sadd.s32 s8, s20;
	v3 =	vxor.u32 $0x80000000, v55;
	(xrf0) =	vmax.scan.msk.u32 $0xffff, v2;
	v56, _, _ =	vpop (xrf0)  }
0x140: {  	v4 =	vxor.u32 $0x80000000, v4;
	s15 =	smul.u32 $0xE000, s15;
	s23 =	spop (v2sf);
	(v2sf) =	vpush v43, $0xF;
	[sflag:s10] =	ssyncset.done $0x0;
	(xrf0) =	vmax.scan.msk.u32 $0xffff, v3;
	v57, _, _ =	vpop (xrf0)  }
0x141: {  	s24 =	rddreg [dreg:$0x5];
	s25 =	spop (v2sf);
	[sflag:s10] =	ssyncadd.s32 $0xFFFF2000;
	(xrf0) =	vmax.scan.msk.u32 $0xffff, v4;
	v58, _, _ =	vpop (xrf0)  }
0x142: {  	(v2sf) =	vpush v57, $0xF;
	[hbm4b:s24+s2] =	stream.linear.scatter [tilespmem:s6], [sflag:$0x4], $0xE000, $0x38;
	v59, _, _ =	vpop (xrf0);
	[tilespmem:$0x1C080] =	vst v63  }
0x143: {  	s21 =	smul.u32 $0xE000, s17;
	_ =	swait.ge [sflag:s7], $0xE000  }
0x144: {  	s29 =	sadd.s32 s3, s1;
	s18 =	sshrl.u32 s15, $0x3;
	s22 =	sadd.s32 s8, s19;
	(v2sf) =	vpush v44, $0xF  }
0x145: {  	s17 =	sshrl.u32 s21, $0x3;
	s18 =	sadd.s32 s3, s18;
	s15 =	smul.u32 $0xE000, s22;
	v60, _, _ =	vpop (xrf0)  }
0x146: {  	s17 =	sadd.s32 s3, s17;
	s16 =	sadd.s32 s8, s23;
	[sflag:s7] =	ssyncset.done $0x0;
	v61, _, _ =	vpop (xrf0)  }
0x147: {  	s20 =	smul.u32 $0xE000, s16;
	s28 =	spop (v2sf);
	[sflag:s7] =	ssyncadd.s32 $0xFFFF2000;
	v62, _, _ =	vpop (xrf0)  }
0x148: {  	[tilespmem:s6], [sflag:$0x2] =	stream.linear.gather [hbm4b:s29+s2], $0xE000, $0x38;
	v63, _, _ =	vpop (xrf0);
	[tilespmem:$0x1C080] =	vst v63  }
0x149: {  	s21 =	sadd.s32 s8, s25;
	s16 =	sshrl.u32 s15, $0x3;
	_ =	swait.ge [sflag:s4], $0xE000  }
0x14a: {  	s26 =	smul.u32 $0xE000, s21;
	s31 =	spop (v2sf);
	[sflag:s4] =	ssyncset.done $0x0  }
0x14b: {  	(v2sf) =	vpush v56, $0xF;
	s1 =	rddreg [dreg:$0x6];
	s22 =	spop (v2sf);
	[sflag:s4] =	ssyncadd.s32 $0xFFFF2000  }
0x14c: {  	(v2sf) =	vpush v45, $0xF;
	[hbm4b:s1+s2] =	stream.linear.scatter [tilespmem:s9], [sflag:$0x3], $0xE000, $0x38;
	[tilespmem:$0x1C080] =	vst v63  }
0x14d: {  	s16 =	sadd.s32 s3, s16;
	s30 =	sadd.s32 s8, s28;
	_ =	swait.ge [sflag:s5], $0xE000  }
0x14e: {  	s19 =	smul.u32 $0xE000, s30;
	s22 =	sadd.s32 s8, s22;
	(v2sf) =	vpush v58, $0xF;
	[sflag:s5] =	ssyncset.done $0x0  }
0x14f: {  	s21 =	smul.u32 $0xE000, s22;
	s22 =	spop (v2sf);
	[sflag:s5] =	ssyncadd.s32 $0xFFFF2000  }
0x150: {  	[tilespmem:s9], [sflag:$0x1] =	stream.linear.gather [hbm4b:s18+s2], $0xE000, $0x38;
	[tilespmem:$0x1C080] =	vst v63  }
0x151: {  	s15 =	sshrl.u32 s20, $0x3;
	s29 =	sshrl.u32 s19, $0x3;
	_ =	swait.ge [sflag:s10], $0xE000  }
0x152: {  	s20 =	sadd.s32 s8, s31;
	(v2sf) =	vpush v0, $0xF;
	s25 =	spop (v2sf);
	[sflag:s10] =	ssyncset.done $0x0  }
0x153: {  	s28 =	rddreg [dreg:$0x7];
	[sflag:s10] =	ssyncadd.s32 $0xFFFF2000;
	s30 =	spop (v2sf)  }
0x154: {  	(v2sf) =	vpush v59, $0xF;
	[hbm4b:s28+s2] =	stream.linear.scatter [tilespmem:s6], [sflag:$0x4], $0xE000, $0x38;
	[tilespmem:$0x1C080] =	vst v63  }
0x155: {  	s20 =	smul.u32 $0xE000, s20;
	s24 =	sadd.s32 s8, s22;
	_ =	swait.ge [sflag:s7], $0xE000  }
0x156: {  	s23 =	sshrl.u32 s21, $0x3;
	s18 =	smul.u32 $0xE000, s24;
	s19 =	sadd.s32 s8, s25;
	(v2sf) =	vpush v60, $0xF  }
0x157: {  	s19 =	smul.u32 $0xE000, s19;
	s21 =	sadd.s32 s8, s30;
	[sflag:s7] =	ssyncset.done $0x0  }
0x158: {  	s14 =	sshrl.u32 s26, $0x3;
	s31 =	smul.u32 $0xE000, s21;
	[sflag:s7] =	ssyncadd.s32 $0xFFFF2000  }
0x159: {  	[tilespmem:s6], [sflag:$0x2] =	stream.linear.gather [hbm4b:s17+s2], $0xE000, $0x38;
	[tilespmem:$0x1C080] =	vst v63  }
0x15a: {  	s26 =	sshrl.u32 s20, $0x3;
	s24 =	sshrl.u32 s18, $0x3;
	s1 =	spop (v2sf)  }
0x15b: {  	s18 =	sshrl.u32 s19, $0x3;
	s22 =	sshrl.u32 s31, $0x3;
	_ =	swait.ge [sflag:s4], $0xE000  }
0x15c: {  	s20 =	sadd.s32 s8, s1;
	s21 =	spop (v2sf);
	(v2sf) =	vpush v61, $0xF;
	[sflag:s4] =	ssyncset.done $0x0  }
0x15d: {  	s25 =	rddreg [dreg:$0x8];
	[sflag:s4] =	ssyncadd.s32 $0xFFFF2000;
	s30 =	spop (v2sf)  }
0x15e: {  	(v2sf) =	vpush v62, $0xF;
	[hbm4b:s25+s2] =	stream.linear.scatter [tilespmem:s9], [sflag:$0x3], $0xE000, $0x38;
	[tilespmem:$0x1C080] =	vst v63  }
0x15f: {  	s17 =	smul.u32 $0xE000, s20;
	s19 =	sadd.s32 s8, s21;
	_ =	swait.ge [sflag:s5], $0xE000  }
0x160: {  	s19 =	smul.u32 $0xE000, s19;
	s28 =	sadd.s32 s8, s30;
	(v2sf) =	vpush v63, $0xF;
	[sflag:s5] =	ssyncset.done $0x0  }
0x161: {  	s31 =	smul.u32 $0xE000, s28;
	[sflag:s5] =	ssyncadd.s32 $0xFFFF2000;
	s1 =	spop (v2sf)  }
0x162: {  	[tilespmem:s9], [sflag:$0x1] =	stream.linear.gather [hbm4b:s16+s2], $0xE000, $0x38;
	[tilespmem:$0x1C080] =	vst v63  }
0x163: {  	s25 =	sshrl.u32 s19, $0x3;
	s19 =	sshrl.u32 s31, $0x3;
	_ =	swait.ge [sflag:s10], $0xE000  }
0x164: {  	s28 =	sadd.s32 s8, s1;
	s30 =	spop (v2sf);
	[sflag:s10] =	ssyncset.done $0x0  }
0x165: {  	s31 =	rddreg [dreg:$0x9];
	[sflag:s10] =	ssyncadd.s32 $0xFFFF2000;
	s1 =	spop (v2sf)  }
0x166: {  	[hbm4b:s31+s2] =	stream.linear.scatter [tilespmem:s6], [sflag:$0x4], $0xE000, $0x38;
	[tilespmem:$0x1C080] =	vst v63  }
0x167: {  	s20 =	sshrl.u32 s17, $0x3;
	_ =	swait.ge [sflag:s7], $0xE000  }
0x168: {  	s16 =	smul.u32 $0xE000, s28;
	s17 =	sadd.s32 s8, s30;
	[sflag:s7] =	ssyncset.done $0x0  }
0x169: {  	s15 =	sadd.s32 s3, s15;
	s17 =	smul.u32 $0xE000, s17;
	[sflag:s7] =	ssyncadd.s32 $0xFFFF2000  }
0x16a: {  	[tilespmem:s6], [sflag:$0x2] =	stream.linear.gather [hbm4b:s15+s2], $0xE000, $0x38;
	[tilespmem:$0x1C080] =	vst v63  }
0x16b: {  	s28 =	sshrl.u32 s16, $0x3;
	s31 =	spop (v2sf)  }
0x16c: {  	s30 =	sadd.s32 s8, s1;
	s21 =	sshrl.u32 s17, $0x3;
	_ =	swait.ge [sflag:s4], $0xE000  }
0x16d: {  	s17 =	smul.u32 $0xE000, s30;
	s1 =	sadd.s32 s8, s31;
	s31 =	spop (v2sf)  }
0x16e: {  	s30 =	rddreg [dreg:$0xa];
	s15 =	smul.u32 $0xE000, s1;
	[sflag:s4] =	ssyncset.done $0x0  }
0x16f: {  	s16 =	sadd.s32 s8, s31;
	[sflag:s4] =	ssyncadd.s32 $0xFFFF2000;
	s1 =	spop (v2sf)  }
0x170: {  	[hbm4b:s30+s2] =	stream.linear.scatter [tilespmem:s9], [sflag:$0x3], $0xE000, $0x38;
	[tilespmem:$0x1C080] =	vst v63  }
0x171: {  	s31 =	smul.u32 $0xE000, s16;
	_ =	swait.ge [sflag:s5], $0xE000  }
0x172: {  	s16 =	sshrl.u32 s15, $0x3;
	[sflag:s5] =	ssyncset.done $0x0  }
0x173: {  	s15 =	sshrl.u32 s31, $0x3;
	s31 =	sadd.s32 s3, s14;
	[sflag:s5] =	ssyncadd.s32 $0xFFFF2000  }
0x174: {  	[tilespmem:s9], [sflag:$0x1] =	stream.linear.gather [hbm4b:s31+s2], $0xE000, $0x38;
	[tilespmem:$0x1C080] =	vst v63  }
0x175: {  	_ =	swait.ge [sflag:s10], $0xE000  }
0x176: {  	[sflag:s10] =	ssyncset.done $0x0  }
0x177: {  	s30 =	rddreg [dreg:$0xb];
	[sflag:s10] =	ssyncadd.s32 $0xFFFF2000  }
0x178: {  	[hbm4b:s30+s2] =	stream.linear.scatter [tilespmem:s6], [sflag:$0x4], $0xE000, $0x38;
	[tilespmem:$0x1C080] =	vst v63  }
0x179: {  	_ =	swait.ge [sflag:s7], $0xE000  }
0x17a: {  	[sflag:s7] =	ssyncset.done $0x0  }
0x17b: {  	s31 =	sadd.s32 s3, s29;
	[sflag:s7] =	ssyncadd.s32 $0xFFFF2000  }
0x17c: {  	[tilespmem:s6], [sflag:$0x2] =	stream.linear.gather [hbm4b:s31+s2], $0xE000, $0x38;
	[tilespmem:$0x1C080] =	vst v63  }
0x17d: {  	_ =	swait.ge [sflag:s4], $0xE000  }
0x17e: {  	[sflag:s4] =	ssyncset.done $0x0  }
0x17f: {  	s29 =	rddreg [dreg:$0xc];
	[sflag:s4] =	ssyncadd.s32 $0xFFFF2000  }
0x180: {  	[hbm4b:s29+s2] =	stream.linear.scatter [tilespmem:s9], [sflag:$0x3], $0xE000, $0x38;
	[tilespmem:$0x1C080] =	vst v63  }
0x181: {  	_ =	swait.ge [sflag:s5], $0xE000  }
0x182: {  	[sflag:s5] =	ssyncset.done $0x0  }
0x183: {  	s30 =	sadd.s32 s3, s26;
	[sflag:s5] =	ssyncadd.s32 $0xFFFF2000  }
0x184: {  	[tilespmem:s9], [sflag:$0x1] =	stream.linear.gather [hbm4b:s30+s2], $0xE000, $0x38;
	[tilespmem:$0x1C080] =	vst v63  }
0x185: {  	_ =	swait.ge [sflag:s10], $0xE000  }
0x186: {  	[sflag:s10] =	ssyncset.done $0x0  }
0x187: {  	s31 =	rddreg [dreg:$0xd];
	[sflag:s10] =	ssyncadd.s32 $0xFFFF2000  }
0x188: {  	[hbm4b:s31+s2] =	stream.linear.scatter [tilespmem:s6], [sflag:$0x4], $0xE000, $0x38;
	[tilespmem:$0x1C080] =	vst v63  }
0x189: {  	_ =	swait.ge [sflag:s7], $0xE000  }
0x18a: {  	[sflag:s7] =	ssyncset.done $0x0  }
0x18b: {  	s23 =	sadd.s32 s3, s23;
	[sflag:s7] =	ssyncadd.s32 $0xFFFF2000  }
0x18c: {  	[tilespmem:s6], [sflag:$0x2] =	stream.linear.gather [hbm4b:s23+s2], $0xE000, $0x38;
	[tilespmem:$0x1C080] =	vst v63  }
0x18d: {  	_ =	swait.ge [sflag:s4], $0xE000  }
0x18e: {  	[sflag:s4] =	ssyncset.done $0x0  }
0x18f: {  	s26 =	rddreg [dreg:$0xe];
	[sflag:s4] =	ssyncadd.s32 $0xFFFF2000  }
0x190: {  	[hbm4b:s26+s2] =	stream.linear.scatter [tilespmem:s9], [sflag:$0x3], $0xE000, $0x38;
	[tilespmem:$0x1C080] =	vst v63  }
0x191: {  	_ =	swait.ge [sflag:s5], $0xE000  }
0x192: {  	[sflag:s5] =	ssyncset.done $0x0  }
0x193: {  	s29 =	sadd.s32 s3, s24;
	[sflag:s5] =	ssyncadd.s32 $0xFFFF2000  }
0x194: {  	[tilespmem:s9], [sflag:$0x1] =	stream.linear.gather [hbm4b:s29+s2], $0xE000, $0x38;
	[tilespmem:$0x1C080] =	vst v63  }
0x195: {  	_ =	swait.ge [sflag:s10], $0xE000  }
0x196: {  	[sflag:s10] =	ssyncset.done $0x0  }
0x197: {  	s30 =	rddreg [dreg:$0xf];
	[sflag:s10] =	ssyncadd.s32 $0xFFFF2000  }
0x198: {  	[hbm4b:s30+s2] =	stream.linear.scatter [tilespmem:s6], [sflag:$0x4], $0xE000, $0x38;
	[tilespmem:$0x1C080] =	vst v63  }
0x199: {  	_ =	swait.ge [sflag:s7], $0xE000  }
0x19a: {  	[sflag:s7] =	ssyncset.done $0x0  }
0x19b: {  	s31 =	sadd.s32 s3, s22;
	[sflag:s7] =	ssyncadd.s32 $0xFFFF2000  }
0x19c: {  	[tilespmem:s6], [sflag:$0x2] =	stream.linear.gather [hbm4b:s31+s2], $0xE000, $0x38;
	[tilespmem:$0x1C080] =	vst v63  }
0x19d: {  	_ =	swait.ge [sflag:s4], $0xE000  }
0x19e: {  	[sflag:s4] =	ssyncset.done $0x0  }
0x19f: {  	s22 =	rddreg [dreg:$0x10];
	[sflag:s4] =	ssyncadd.s32 $0xFFFF2000  }
0x1a0: {  	[hbm4b:s22+s2] =	stream.linear.scatter [tilespmem:s9], [sflag:$0x3], $0xE000, $0x38;
	[tilespmem:$0x1C080] =	vst v63  }
0x1a1: {  	_ =	swait.ge [sflag:s5], $0xE000  }
0x1a2: {  	[sflag:s5] =	ssyncset.done $0x0  }
0x1a3: {  	s23 =	sadd.s32 s3, s25;
	[sflag:s5] =	ssyncadd.s32 $0xFFFF2000  }
0x1a4: {  	[tilespmem:s9], [sflag:$0x1] =	stream.linear.gather [hbm4b:s23+s2], $0xE000, $0x38;
	[tilespmem:$0x1C080] =	vst v63  }
0x1a5: {  	_ =	swait.ge [sflag:s10], $0xE000  }
0x1a6: {  	[sflag:s10] =	ssyncset.done $0x0  }
0x1a7: {  	s24 =	rddreg [dreg:$0x11];
	[sflag:s10] =	ssyncadd.s32 $0xFFFF2000  }
0x1a8: {  	[hbm4b:s24+s2] =	stream.linear.scatter [tilespmem:s6], [sflag:$0x4], $0xE000, $0x38;
	[tilespmem:$0x1C080] =	vst v63  }
0x1a9: {  	_ =	swait.ge [sflag:s7], $0xE000  }
0x1aa: {  	[sflag:s7] =	ssyncset.done $0x0  }
0x1ab: {  	s25 =	sadd.s32 s3, s28;
	[sflag:s7] =	ssyncadd.s32 $0xFFFF2000  }
0x1ac: {  	[tilespmem:s6], [sflag:$0x2] =	stream.linear.gather [hbm4b:s25+s2], $0xE000, $0x38;
	[tilespmem:$0x1C080] =	vst v63  }
0x1ad: {  	_ =	swait.ge [sflag:s4], $0xE000  }
0x1ae: {  	[sflag:s4] =	ssyncset.done $0x0  }
0x1af: {  	s26 =	rddreg [dreg:$0x12];
	[sflag:s4] =	ssyncadd.s32 $0xFFFF2000  }
0x1b0: {  	[hbm4b:s26+s2] =	stream.linear.scatter [tilespmem:s9], [sflag:$0x3], $0xE000, $0x38;
	[tilespmem:$0x1C080] =	vst v63  }
0x1b1: {  	_ =	swait.ge [sflag:s5], $0xE000  }
0x1b2: {  	[sflag:s5] =	ssyncset.done $0x0  }
0x1b3: {  	s28 =	sadd.s32 s3, s18;
	[sflag:s5] =	ssyncadd.s32 $0xFFFF2000  }
0x1b4: {  	[tilespmem:s9], [sflag:$0x1] =	stream.linear.gather [hbm4b:s28+s2], $0xE000, $0x38;
	[tilespmem:$0x1C080] =	vst v63  }
0x1b5: {  	_ =	swait.ge [sflag:s10], $0xE000  }
0x1b6: {  	[sflag:s10] =	ssyncset.done $0x0  }
0x1b7: {  	s29 =	rddreg [dreg:$0x13];
	[sflag:s10] =	ssyncadd.s32 $0xFFFF2000  }
0x1b8: {  	[hbm4b:s29+s2] =	stream.linear.scatter [tilespmem:s6], [sflag:$0x4], $0xE000, $0x38;
	[tilespmem:$0x1C080] =	vst v63  }
0x1b9: {  	_ =	swait.ge [sflag:s7], $0xE000  }
0x1ba: {  	[sflag:s7] =	ssyncset.done $0x0  }
0x1bb: {  	s30 =	sadd.s32 s3, s20;
	[sflag:s7] =	ssyncadd.s32 $0xFFFF2000  }
0x1bc: {  	[tilespmem:s6], [sflag:$0x2] =	stream.linear.gather [hbm4b:s30+s2], $0xE000, $0x38;
	[tilespmem:$0x1C080] =	vst v63  }
0x1bd: {  	_ =	swait.ge [sflag:s4], $0xE000  }
0x1be: {  	[sflag:s4] =	ssyncset.done $0x0  }
0x1bf: {  	s31 =	rddreg [dreg:$0x14];
	[sflag:s4] =	ssyncadd.s32 $0xFFFF2000  }
0x1c0: {  	[hbm4b:s31+s2] =	stream.linear.scatter [tilespmem:s9], [sflag:$0x3], $0xE000, $0x38;
	[tilespmem:$0x1C080] =	vst v63  }
0x1c1: {  	_ =	swait.ge [sflag:s5], $0xE000  }
0x1c2: {  	[sflag:s5] =	ssyncset.done $0x0  }
0x1c3: {  	s18 =	sadd.s32 s3, s19;
	[sflag:s5] =	ssyncadd.s32 $0xFFFF2000  }
0x1c4: {  	[tilespmem:s9], [sflag:$0x1] =	stream.linear.gather [hbm4b:s18+s2], $0xE000, $0x38;
	[tilespmem:$0x1C080] =	vst v63  }
0x1c5: {  	_ =	swait.ge [sflag:s10], $0xE000  }
0x1c6: {  	[sflag:s10] =	ssyncset.done $0x0  }
0x1c7: {  	s19 =	rddreg [dreg:$0x15];
	[sflag:s10] =	ssyncadd.s32 $0xFFFF2000  }
0x1c8: {  	[hbm4b:s19+s2] =	stream.linear.scatter [tilespmem:s6], [sflag:$0x4], $0xE000, $0x38;
	[tilespmem:$0x1C080] =	vst v63  }
0x1c9: {  	_ =	swait.ge [sflag:s7], $0xE000  }
0x1ca: {  	[sflag:s7] =	ssyncset.done $0x0  }
0x1cb: {  	s20 =	sadd.s32 s3, s21;
	[sflag:s7] =	ssyncadd.s32 $0xFFFF2000  }
0x1cc: {  	[tilespmem:s6], [sflag:$0x2] =	stream.linear.gather [hbm4b:s20+s2], $0xE000, $0x38;
	[tilespmem:$0x1C080] =	vst v63  }
0x1cd: {  	_ =	swait.ge [sflag:s4], $0xE000  }
0x1ce: {  	[sflag:s4] =	ssyncset.done $0x0  }
0x1cf: {  	s21 =	rddreg [dreg:$0x16];
	[sflag:s4] =	ssyncadd.s32 $0xFFFF2000  }
0x1d0: {  	[hbm4b:s21+s2] =	stream.linear.scatter [tilespmem:s9], [sflag:$0x3], $0xE000, $0x38;
	[tilespmem:$0x1C080] =	vst v63  }
0x1d1: {  	_ =	swait.ge [sflag:s5], $0xE000  }
0x1d2: {  	s17 =	sshrl.u32 s17, $0x3;
	[sflag:s5] =	ssyncset.done $0x0  }
0x1d3: {  	s22 =	sadd.s32 s3, s17;
	[sflag:s5] =	ssyncadd.s32 $0xFFFF2000  }
0x1d4: {  	[tilespmem:s9], [sflag:$0x1] =	stream.linear.gather [hbm4b:s22+s2], $0xE000, $0x38;
	[tilespmem:$0x1C080] =	vst v63  }
0x1d5: {  	_ =	swait.ge [sflag:s10], $0xE000  }
0x1d6: {  	[sflag:s10] =	ssyncset.done $0x0  }
0x1d7: {  	s23 =	rddreg [dreg:$0x17];
	[sflag:s10] =	ssyncadd.s32 $0xFFFF2000  }
0x1d8: {  	[hbm4b:s23+s2] =	stream.linear.scatter [tilespmem:s6], [sflag:$0x4], $0xE000, $0x38;
	[tilespmem:$0x1C080] =	vst v63  }
0x1d9: {  	_ =	swait.ge [sflag:s7], $0xE000  }
0x1da: {  	[sflag:s7] =	ssyncset.done $0x0  }
0x1db: {  	s24 =	sadd.s32 s3, s16;
	[sflag:s7] =	ssyncadd.s32 $0xFFFF2000  }
0x1dc: {  	[tilespmem:s6], [sflag:$0x2] =	stream.linear.gather [hbm4b:s24+s2], $0xE000, $0x38;
	[tilespmem:$0x1C080] =	vst v63  }
0x1dd: {  	_ =	swait.ge [sflag:s4], $0xE000  }
0x1de: {  	[sflag:s4] =	ssyncset.done $0x0  }
0x1df: {  	s25 =	rddreg [dreg:$0x18];
	[sflag:s4] =	ssyncadd.s32 $0xFFFF2000  }
0x1e0: {  	[hbm4b:s25+s2] =	stream.linear.scatter [tilespmem:s9], [sflag:$0x3], $0xE000, $0x38;
	[tilespmem:$0x1C080] =	vst v63  }
0x1e1: {  	_ =	swait.ge [sflag:s5], $0xE000  }
0x1e2: {  	[sflag:s5] =	ssyncset.done $0x0  }
0x1e3: {  	s26 =	sadd.s32 s3, s15;
	[sflag:s5] =	ssyncadd.s32 $0xFFFF2000  }
0x1e4: {  	[tilespmem:s9], [sflag:$0x1] =	stream.linear.gather [hbm4b:s26+s2], $0xE000, $0x38;
	[tilespmem:$0x1C080] =	vst v63  }
0x1e5: {  	_ =	swait.ge [sflag:s10], $0xE000  }
0x1e6: {  	s1 =	sadd.s32 s8, s1;
	[sflag:s10] =	ssyncset.done $0x0  }
0x1e7: {  	s1 =	smul.u32 $0xE000, s1;
	s28 =	rddreg [dreg:$0x19];
	[sflag:s10] =	ssyncadd.s32 $0xFFFF2000  }
0x1e8: {  	[hbm4b:s28+s2] =	stream.linear.scatter [tilespmem:s6], [sflag:$0x4], $0xE000, $0x38;
	[tilespmem:$0x1C080] =	vst v63  }
0x1e9: {  	_ =	swait.ge [sflag:s7], $0xE000  }
0x1ea: {  	s14 =	sshrl.u32 s1, $0x3;
	[sflag:s7] =	ssyncset.done $0x0  }
0x1eb: {  	s29 =	sadd.s32 s3, s14;
	[sflag:s7] =	ssyncadd.s32 $0xFFFF2000  }
0x1ec: {  	[tilespmem:s6], [sflag:$0x2] =	stream.linear.gather [hbm4b:s29+s2], $0xE000, $0x38;
	[tilespmem:$0x1C080] =	vst v63  }
0x1ed: {  	_ =	swait.ge [sflag:s4], $0xE000  }
0x1ee: {  	[sflag:s4] =	ssyncset.done $0x0  }
0x1ef: {  	s30 =	rddreg [dreg:$0x1a];
	[sflag:s4] =	ssyncadd.s32 $0xFFFF2000  }
0x1f0: {  	[hbm4b:s30+s2] =	stream.linear.scatter [tilespmem:s9], [sflag:$0x3], $0xE000, $0x38;
	[tilespmem:$0x1C080] =	vst v63  }
0x1f1: {  	_ =	swait.ge [sflag:s10], $0xE000  }
0x1f2: {  	[sflag:s10] =	ssyncset.done $0x0  }
0x1f3: {  	p1 =	sne.s32 s13, $0x1;
	s31 =	rddreg [dreg:$0x1b];
	[sflag:s10] =	ssyncadd.s32 $0xFFFF2000  }
0x1f4: {  	[hbm4b:s31+s2] =	stream.linear.scatter [tilespmem:s6], [sflag:$0x4], $0xE000, $0x38;
	[tilespmem:$0x1C080] =	vst v63  }
.Ltmp2:
0x1f5: {  	_ =	swait.ge [sflag:s5], $0xE000;
	(pc) =	sbr.rel @p1 .LBB2_3-.Ltmp2, $4  }
0x1f6: {  	[sflag:s5] =	ssyncset.done $0x0  }
0x1f7: {  	[sflag:s5] =	ssyncadd.s32 $0xFFFF2000  }
0x1f8: {  	_ =	swait.ge [sflag:s7], $0xE000  }
0x1f9: {  	s13 =	sadd.s32 $0xFFFFFFFF, s13;
	s14 =	rddreg [dreg:$0x4];
	[sflag:s7] =	ssyncset.done $0x0  }
0x1fa: {  	s26 =	rddreg [dreg:$0x3]  }
.LBB2_5:
0x1fb: {  	[sflag:s7] =	ssyncadd.s32 @p0 $0xFFFF2000  }
0x1fc: {  	[tilespmem:s2], [sflag:$0x5] =	stream.linear.gather [hbm4b:s14+s2], $0x18, $0x38;
	[tilespmem:$0x1C080] =	vst v63  }
0x1fd: {  	_ =	swait.ge [sflag:s12], $0x18  }
0x1fe: {  	[sflag:s12] =	ssyncset.done $0x0  }
0x1ff: {  	[sflag:s12] =	ssyncadd.s32 $0xFFFFFFE8  }
0x200: {  	v0 =	vld [tilespmem:$0x0];
	_ =	sdelay $0x4  }
0x201: {  	v1 =	vnsel vm14, $0x0, v0  }
0x202: {  	v2 =	vsel vm15, $0x0, v0;
	v1 =	vxor.u32 $0x80000000, v1  }
0x203: {  	v2 =	vxor.u32 $0x80000000, v2;
	(xrf0) =	vmax.scan.msk.u32 $0xffff, v1  }
0x204: {  	(xrf0) =	vmax.scan.msk.u32 $0xffff, v2;
	_ =	sdelay $0x1  }
0x205: {  	v18 =	vsel vm12, $0x0, v0  }
0x206: {  	v1 =	vxor.u32 $0x80000000, v18  }
0x207: {  	v19 =	vsel vm13, $0x0, v0;
	(xrf0) =	vmax.scan.msk.u32 $0xffff, v1  }
0x208: {  	v20 =	vxor.u32 $0x80000000, v19;
	v21, _, _ =	vpop (xrf0)  }
0x209: {  	(xrf0) =	vmax.scan.msk.u32 $0xffff, v20;
	(v2sf) =	vpush v21, $0xF;
	v22, _, _ =	vpop (xrf0)  }
0x20a: {  	v23 =	vsel vm11, $0x0, v0;
	(v2sf) =	vpush v22, $0xF  }
0x20b: {  	v24 =	vsel vm10, $0x0, v0;
	v1 =	vxor.u32 $0x80000000, v23  }
0x20c: {  	v2 =	vxor.u32 $0x80000000, v24;
	(xrf0) =	vmax.scan.msk.u32 $0xffff, v1  }
0x20d: {  	v25, _, _ =	vpop (xrf0);
	(xrf0) =	vmax.scan.msk.u32 $0xffff, v2  }
0x20e: {  	(v2sf) =	vpush v25, $0xF  }
0x20f: {  	v26 =	vsel vm9, $0x0, v0;
	v27, _, _ =	vpop (xrf0)  }
0x210: {  	v3 =	vsel vm8, $0x0, v0;
	v1 =	vxor.u32 $0x80000000, v26;
	(v2sf) =	vpush v27, $0xF  }
0x211: {  	v28 =	vsel vm6, $0x0, v0;
	v3 =	vxor.u32 $0x80000000, v3;
	(xrf0) =	vmax.scan.msk.u32 $0xffff, v1  }
0x212: {  	v30 =	vsel vm7, $0x0, v0;
	v29 =	vxor.u32 $0x80000000, v28;
	(xrf0) =	vmax.scan.msk.u32 $0xffff, v3;
	v32, _, _ =	vpop (xrf0)  }
0x213: {  	v31 =	vsel vm5, $0x0, v0;
	v2 =	vxor.u32 $0x80000000, v30;
	(xrf0) =	vmax.scan.msk.u32 $0xffff, v29;
	(v2sf) =	vpush v32, $0xF;
	v35, _, _ =	vpop (xrf0)  }
0x214: {  	v4 =	vsel vm4, $0x0, v0;
	v3 =	vxor.u32 $0x80000000, v31;
	(xrf0) =	vmax.scan.msk.u32 $0xffff, v2;
	(v2sf) =	vpush v35, $0xF  }
0x215: {  	v34 =	vsel vm3, $0x0, v0;
	v33 =	vxor.u32 $0x80000000, v4;
	(xrf0) =	vmax.scan.msk.u32 $0xffff, v3  }
0x216: {  	v36 =	vsel vm2, $0x0, v0;
	v2 =	vxor.u32 $0x80000000, v34;
	(xrf0) =	vmax.scan.msk.u32 $0xffff, v33  }
0x217: {  	v37 =	vsel vm0, $0x0, v0;
	v38 =	vxor.u32 $0x80000000, v36;
	v39, _, _ =	vpop (xrf0);
	(xrf0) =	vmax.scan.msk.u32 $0xffff, v2  }
0x218: {  	v0 =	vsel vm1, $0x0, v0;
	v1 =	vxor.u32 $0x80000000, v37;
	v40, _, _ =	vpop (xrf0);
	(xrf0) =	vmax.scan.msk.u32 $0xffff, v38;
	s1 =	spop (v2sf)  }
0x219: {  	v0 =	vxor.u32 $0x80000000, v0;
	v41, _, _ =	vpop (xrf0);
	(xrf0) =	vmax.scan.msk.u32 $0xffff, v1;
	s1 =	sadd.s32 s8, s1;
	s24 =	spop (v2sf)  }
0x21a: {  	v42, _, _ =	vpop (xrf0);
	(xrf0) =	vmax.scan.msk.u32 $0xffff, v0;
	s1 =	smul.u32 $0xE000, s1;
	s12 =	sadd.s32 s8, s24  }
0x21b: {  	v43, _, _ =	vpop (xrf0);
	(v2sf) =	vpush v39, $0xF;
	s12 =	smul.u32 $0xE000, s12  }
0x21c: {  	v6 =	vld [tilespmem:$0x8];
	v5, _, _ =	vpop (xrf0);
	s1 =	sshrl.u32 s1, $0x3  }
0x21d: {  	v44, _, _ =	vpop (xrf0);
	s13 =	spop (v2sf);
	s1 =	sadd.s32 s3, s1;
	s12 =	sshrl.u32 s12, $0x3  }
0x21e: {  	v7, _, _ =	vpop (xrf0);
	(v2sf) =	vpush v40, $0xF;
	[tilespmem:s9], [sflag:$0x1] =	stream.linear.gather [hbm4b:s1+s2], $0xE000, $0x38;
	[tilespmem:$0x1C080] =	vst v63  }
0x21f: {  	v45, _, _ =	vpop (xrf0);
	(v2sf) =	vpush v41, $0xF;
	s25 =	spop (v2sf);
	s12 =	sadd.s32 s3, s12  }
0x220: {  	v46, _, _ =	vpop (xrf0);
	(v2sf) =	vpush v42, $0xF;
	[tilespmem:s6], [sflag:$0x2] =	stream.linear.gather [hbm4b:s12+s2], $0xE000, $0x38;
	[tilespmem:$0x1C080] =	vst v63  }
0x221: {  	v47 =	vsel vm7, $0x0, v6;
	_ =	swait.ge [sflag:s4], $0xE000  }
0x222: {  	v1 =	vxor.u32 $0x80000000, v47;
	[sflag:s4] =	ssyncset.done $0x0;
	s15 =	spop (v2sf)  }
0x223: {  	s28 =	sadd.s32 s8, s13;
	(xrf0) =	vmax.scan.msk.u32 $0xffff, v1;
	[sflag:s4] =	ssyncadd.s32 $0xFFFF2000;
	s29 =	spop (v2sf)  }
0x224: {  	v8 =	vsel vm6, $0x0, v6;
	(v2sf) =	vpush v43, $0xF;
	[hbm4b:s11+s2] =	stream.linear.scatter [tilespmem:s9], [sflag:$0x3], $0xE000, $0x38;
	[tilespmem:$0x1C080] =	vst v63  }
0x225: {  	v48 =	vsel vm5, $0x0, v6;
	v49 =	vxor.u32 $0x80000000, v8;
	s11 =	smul.u32 $0xE000, s28;
	_ =	swait.ge [sflag:s5], $0xE000  }
0x226: {  	v50 =	vsel vm4, $0x0, v6;
	v0 =	vxor.u32 $0x80000000, v48;
	(xrf0) =	vmax.scan.msk.u32 $0xffff, v49  }
0x227: {  	v51 =	vxor.u32 $0x80000000, v50;
	s11 =	sshrl.u32 s11, $0x3;
	[sflag:s5] =	ssyncset.done $0x0;
	(xrf0) =	vmax.scan.msk.u32 $0xffff, v0  }
0x228: {  	v52 =	vsel vm3, $0x0, v6;
	[sflag:s5] =	ssyncadd.s32 $0xFFFF2000;
	s11 =	sadd.s32 s3, s11;
	(xrf0) =	vmax.scan.msk.u32 $0xffff, v51  }
0x229: {  	(v2sf) =	vpush v5, $0xF;
	v0 =	vxor.u32 $0x80000000, v52;
	[tilespmem:s9], [sflag:$0x1] =	stream.linear.gather [hbm4b:s11+s2], $0xE000, $0x38;
	[tilespmem:$0x1C080] =	vst v63  }
0x22a: {  	v53 =	vsel vm2, $0x0, v6;
	s30 =	spop (v2sf);
	(xrf0) =	vmax.scan.msk.u32 $0xffff, v0  }
0x22b: {  	v54 =	vsel vm0, $0x0, v6;
	v1 =	vxor.u32 $0x80000000, v53;
	_ =	swait.ge [sflag:s10], $0xE000  }
0x22c: {  	v55 =	vsel vm1, $0x0, v6;
	v0 =	vxor.u32 $0x80000000, v54;
	(xrf0) =	vmax.scan.msk.u32 $0xffff, v1;
	v56, _, _ =	vpop (xrf0)  }
0x22d: {  	v5 =	vxor.u32 $0x80000000, v55;
	s12 =	spop (v2sf);
	(v2sf) =	vpush v44, $0xF;
	[sflag:s10] =	ssyncset.done $0x0;
	(xrf0) =	vmax.scan.msk.u32 $0xffff, v0;
	v57, _, _ =	vpop (xrf0)  }
0x22e: {  	s16 =	rddreg [dreg:$0x5];
	s11 =	spop (v2sf);
	[sflag:s10] =	ssyncadd.s32 $0xFFFF2000;
	(xrf0) =	vmax.scan.msk.u32 $0xffff, v5;
	v58, _, _ =	vpop (xrf0)  }
0x22f: {  	(v2sf) =	vpush v57, $0xF;
	[hbm4b:s16+s2] =	stream.linear.scatter [tilespmem:s6], [sflag:$0x4], $0xE000, $0x38;
	v59, _, _ =	vpop (xrf0);
	[tilespmem:$0x1C080] =	vst v63  }
0x230: {  	s1 =	sadd.s32 s8, s25;
	_ =	swait.ge [sflag:s7], $0xE000  }
0x231: {  	s1 =	smul.u32 $0xE000, s1;
	(v2sf) =	vpush v7, $0xF  }
0x232: {  	v60, _, _ =	vpop (xrf0)  }
0x233: {  	s1 =	sshrl.u32 s1, $0x3;
	[sflag:s7] =	ssyncset.done $0x0;
	v61, _, _ =	vpop (xrf0)  }
0x234: {  	s1 =	sadd.s32 s3, s1;
	s25 =	spop (v2sf);
	[sflag:s7] =	ssyncadd.s32 $0xFFFF2000;
	v62, _, _ =	vpop (xrf0)  }
0x235: {  	[tilespmem:s6], [sflag:$0x2] =	stream.linear.gather [hbm4b:s1+s2], $0xE000, $0x38;
	v63, _, _ =	vpop (xrf0);
	[tilespmem:$0x1C080] =	vst v63  }
0x236: {  	s15 =	sadd.s32 s8, s15;
	_ =	swait.ge [sflag:s4], $0xE000  }
0x237: {  	s15 =	smul.u32 $0xE000, s15;
	s24 =	spop (v2sf);
	[sflag:s4] =	ssyncset.done $0x0  }
0x238: {  	(v2sf) =	vpush v56, $0xF;
	s31 =	rddreg [dreg:$0x6];
	s23 =	spop (v2sf);
	[sflag:s4] =	ssyncadd.s32 $0xFFFF2000  }
0x239: {  	(v2sf) =	vpush v45, $0xF;
	[hbm4b:s31+s2] =	stream.linear.scatter [tilespmem:s9], [sflag:$0x3], $0xE000, $0x38;
	[tilespmem:$0x1C080] =	vst v63  }
0x23a: {  	_ =	swait.ge [sflag:s5], $0xE000  }
0x23b: {  	s15 =	sshrl.u32 s15, $0x3;
	(v2sf) =	vpush v58, $0xF;
	[sflag:s5] =	ssyncset.done $0x0  }
0x23c: {  	s1 =	sadd.s32 s3, s15;
	s21 =	spop (v2sf);
	[sflag:s5] =	ssyncadd.s32 $0xFFFF2000  }
0x23d: {  	[tilespmem:s9], [sflag:$0x1] =	stream.linear.gather [hbm4b:s1+s2], $0xE000, $0x38;
	[tilespmem:$0x1C080] =	vst v63  }
0x23e: {  	_ =	swait.ge [sflag:s10], $0xE000  }
0x23f: {  	s13 =	sadd.s32 s8, s29;
	(v2sf) =	vpush v46, $0xF;
	s18 =	spop (v2sf);
	[sflag:s10] =	ssyncset.done $0x0  }
0x240: {  	s16 =	rddreg [dreg:$0x7];
	[sflag:s10] =	ssyncadd.s32 $0xFFFF2000;
	s19 =	spop (v2sf)  }
0x241: {  	(v2sf) =	vpush v59, $0xF;
	[hbm4b:s16+s2] =	stream.linear.scatter [tilespmem:s6], [sflag:$0x4], $0xE000, $0x38;
	[tilespmem:$0x1C080] =	vst v63  }
0x242: {  	s13 =	smul.u32 $0xE000, s13;
	_ =	swait.ge [sflag:s7], $0xE000  }
0x243: {  	(v2sf) =	vpush v60, $0xF  }
0x244: {  	s17 =	sshrl.u32 s13, $0x3;
	[sflag:s7] =	ssyncset.done $0x0  }
0x245: {  	s1 =	sadd.s32 s3, s17;
	[sflag:s7] =	ssyncadd.s32 $0xFFFF2000  }
0x246: {  	[tilespmem:s6], [sflag:$0x2] =	stream.linear.gather [hbm4b:s1+s2], $0xE000, $0x38;
	[tilespmem:$0x1C080] =	vst v63  }
0x247: {  	s16 =	spop (v2sf)  }
0x248: {  	s28 =	sadd.s32 s8, s30;
	_ =	swait.ge [sflag:s4], $0xE000  }
0x249: {  	s13 =	smul.u32 $0xE000, s28;
	(v2sf) =	vpush v61, $0xF;
	s22 =	spop (v2sf);
	[sflag:s4] =	ssyncset.done $0x0  }
0x24a: {  	s20 =	rddreg [dreg:$0x8];
	[sflag:s4] =	ssyncadd.s32 $0xFFFF2000;
	s15 =	spop (v2sf)  }
0x24b: {  	(v2sf) =	vpush v62, $0xF;
	[hbm4b:s20+s2] =	stream.linear.scatter [tilespmem:s9], [sflag:$0x3], $0xE000, $0x38;
	[tilespmem:$0x1C080] =	vst v63  }
0x24c: {  	_ =	swait.ge [sflag:s5], $0xE000  }
0x24d: {  	s29 =	sshrl.u32 s13, $0x3;
	[sflag:s5] =	ssyncset.done $0x0  }
0x24e: {  	s1 =	sadd.s32 s3, s29;
	[sflag:s5] =	ssyncadd.s32 $0xFFFF2000;
	s20 =	spop (v2sf)  }
0x24f: {  	(v2sf) =	vpush v63, $0xF;
	[tilespmem:s9], [sflag:$0x1] =	stream.linear.gather [hbm4b:s1+s2], $0xE000, $0x38;
	[tilespmem:$0x1C080] =	vst v63  }
0x250: {  	s12 =	sadd.s32 s8, s12;
	_ =	swait.ge [sflag:s10], $0xE000  }
0x251: {  	s12 =	smul.u32 $0xE000, s12;
	s17 =	spop (v2sf);
	[sflag:s10] =	ssyncset.done $0x0  }
0x252: {  	s30 =	rddreg [dreg:$0x9];
	[sflag:s10] =	ssyncadd.s32 $0xFFFF2000;
	s14 =	spop (v2sf)  }
0x253: {  	[hbm4b:s30+s2] =	stream.linear.scatter [tilespmem:s6], [sflag:$0x4], $0xE000, $0x38;
	[tilespmem:$0x1C080] =	vst v63  }
0x254: {  	_ =	swait.ge [sflag:s7], $0xE000  }
0x255: {  	s31 =	sshrl.u32 s12, $0x3;
	[sflag:s7] =	ssyncset.done $0x0  }
0x256: {  	s1 =	sadd.s32 s3, s31;
	[sflag:s7] =	ssyncadd.s32 $0xFFFF2000  }
0x257: {  	[tilespmem:s6], [sflag:$0x2] =	stream.linear.gather [hbm4b:s1+s2], $0xE000, $0x38;
	[tilespmem:$0x1C080] =	vst v63  }
0x258: {  	s13 =	spop (v2sf)  }
0x259: {  	_ =	swait.ge [sflag:s4], $0xE000  }
0x25a: {  	[sflag:s4] =	ssyncset.done $0x0  }
0x25b: {  	s12 =	rddreg [dreg:$0xa];
	[sflag:s4] =	ssyncadd.s32 $0xFFFF2000  }
0x25c: {  	[hbm4b:s12+s2] =	stream.linear.scatter [tilespmem:s9], [sflag:$0x3], $0xE000, $0x38;
	[tilespmem:$0x1C080] =	vst v63  }
0x25d: {  	s28 =	sadd.s32 s8, s11;
	s12 =	spop (v2sf)  }
0x25e: {  	s1 =	smul.u32 $0xE000, s28;
	s11 =	spop (v2sf)  }
0x25f: {  	_ =	swait.ge [sflag:s5], $0xE000  }
0x260: {  	s1 =	sshrl.u32 s1, $0x3;
	[sflag:s5] =	ssyncset.done $0x0  }
0x261: {  	s1 =	sadd.s32 s3, s1;
	[sflag:s5] =	ssyncadd.s32 $0xFFFF2000  }
0x262: {  	[tilespmem:s9], [sflag:$0x1] =	stream.linear.gather [hbm4b:s1+s2], $0xE000, $0x38;
	[tilespmem:$0x1C080] =	vst v63  }
0x263: {  	_ =	swait.ge [sflag:s10], $0xE000  }
0x264: {  	s30 =	sadd.s32 s8, s25;
	[sflag:s10] =	ssyncset.done $0x0  }
0x265: {  	s1 =	smul.u32 $0xE000, s30;
	s29 =	rddreg [dreg:$0xb];
	[sflag:s10] =	ssyncadd.s32 $0xFFFF2000  }
0x266: {  	[hbm4b:s29+s2] =	stream.linear.scatter [tilespmem:s6], [sflag:$0x4], $0xE000, $0x38;
	[tilespmem:$0x1C080] =	vst v63  }
0x267: {  	_ =	swait.ge [sflag:s7], $0xE000  }
0x268: {  	s1 =	sshrl.u32 s1, $0x3;
	[sflag:s7] =	ssyncset.done $0x0  }
0x269: {  	s1 =	sadd.s32 s3, s1;
	[sflag:s7] =	ssyncadd.s32 $0xFFFF2000  }
0x26a: {  	[tilespmem:s6], [sflag:$0x2] =	stream.linear.gather [hbm4b:s1+s2], $0xE000, $0x38;
	[tilespmem:$0x1C080] =	vst v63  }
0x26b: {  	_ =	swait.ge [sflag:s4], $0xE000  }
0x26c: {  	s24 =	sadd.s32 s8, s24;
	[sflag:s4] =	ssyncset.done $0x0  }
0x26d: {  	s1 =	smul.u32 $0xE000, s24;
	s31 =	rddreg [dreg:$0xc];
	[sflag:s4] =	ssyncadd.s32 $0xFFFF2000  }
0x26e: {  	[hbm4b:s31+s2] =	stream.linear.scatter [tilespmem:s9], [sflag:$0x3], $0xE000, $0x38;
	[tilespmem:$0x1C080] =	vst v63  }
0x26f: {  	_ =	swait.ge [sflag:s5], $0xE000  }
0x270: {  	s1 =	sshrl.u32 s1, $0x3;
	[sflag:s5] =	ssyncset.done $0x0  }
0x271: {  	s1 =	sadd.s32 s3, s1;
	[sflag:s5] =	ssyncadd.s32 $0xFFFF2000  }
0x272: {  	[tilespmem:s9], [sflag:$0x1] =	stream.linear.gather [hbm4b:s1+s2], $0xE000, $0x38;
	[tilespmem:$0x1C080] =	vst v63  }
0x273: {  	_ =	swait.ge [sflag:s10], $0xE000  }
0x274: {  	s28 =	sadd.s32 s8, s23;
	[sflag:s10] =	ssyncset.done $0x0  }
0x275: {  	s1 =	smul.u32 $0xE000, s28;
	s25 =	rddreg [dreg:$0xd];
	[sflag:s10] =	ssyncadd.s32 $0xFFFF2000  }
0x276: {  	[hbm4b:s25+s2] =	stream.linear.scatter [tilespmem:s6], [sflag:$0x4], $0xE000, $0x38;
	[tilespmem:$0x1C080] =	vst v63  }
0x277: {  	_ =	swait.ge [sflag:s7], $0xE000  }
0x278: {  	s1 =	sshrl.u32 s1, $0x3;
	[sflag:s7] =	ssyncset.done $0x0  }
0x279: {  	s1 =	sadd.s32 s3, s1;
	[sflag:s7] =	ssyncadd.s32 $0xFFFF2000  }
0x27a: {  	[tilespmem:s6], [sflag:$0x2] =	stream.linear.gather [hbm4b:s1+s2], $0xE000, $0x38;
	[tilespmem:$0x1C080] =	vst v63  }
0x27b: {  	_ =	swait.ge [sflag:s4], $0xE000  }
0x27c: {  	s30 =	sadd.s32 s8, s21;
	[sflag:s4] =	ssyncset.done $0x0  }
0x27d: {  	s1 =	smul.u32 $0xE000, s30;
	s29 =	rddreg [dreg:$0xe];
	[sflag:s4] =	ssyncadd.s32 $0xFFFF2000  }
0x27e: {  	[hbm4b:s29+s2] =	stream.linear.scatter [tilespmem:s9], [sflag:$0x3], $0xE000, $0x38;
	[tilespmem:$0x1C080] =	vst v63  }
0x27f: {  	_ =	swait.ge [sflag:s5], $0xE000  }
0x280: {  	s1 =	sshrl.u32 s1, $0x3;
	[sflag:s5] =	ssyncset.done $0x0  }
0x281: {  	s1 =	sadd.s32 s3, s1;
	[sflag:s5] =	ssyncadd.s32 $0xFFFF2000  }
0x282: {  	[tilespmem:s9], [sflag:$0x1] =	stream.linear.gather [hbm4b:s1+s2], $0xE000, $0x38;
	[tilespmem:$0x1C080] =	vst v63  }
0x283: {  	_ =	swait.ge [sflag:s10], $0xE000  }
0x284: {  	s19 =	sadd.s32 s8, s19;
	[sflag:s10] =	ssyncset.done $0x0  }
0x285: {  	s1 =	smul.u32 $0xE000, s19;
	s31 =	rddreg [dreg:$0xf];
	[sflag:s10] =	ssyncadd.s32 $0xFFFF2000  }
0x286: {  	[hbm4b:s31+s2] =	stream.linear.scatter [tilespmem:s6], [sflag:$0x4], $0xE000, $0x38;
	[tilespmem:$0x1C080] =	vst v63  }
0x287: {  	_ =	swait.ge [sflag:s7], $0xE000  }
0x288: {  	s1 =	sshrl.u32 s1, $0x3;
	[sflag:s7] =	ssyncset.done $0x0  }
0x289: {  	s1 =	sadd.s32 s3, s1;
	[sflag:s7] =	ssyncadd.s32 $0xFFFF2000  }
0x28a: {  	[tilespmem:s6], [sflag:$0x2] =	stream.linear.gather [hbm4b:s1+s2], $0xE000, $0x38;
	[tilespmem:$0x1C080] =	vst v63  }
0x28b: {  	_ =	swait.ge [sflag:s4], $0xE000  }
0x28c: {  	s22 =	sadd.s32 s8, s22;
	[sflag:s4] =	ssyncset.done $0x0  }
0x28d: {  	s1 =	smul.u32 $0xE000, s22;
	s21 =	rddreg [dreg:$0x10];
	[sflag:s4] =	ssyncadd.s32 $0xFFFF2000  }
0x28e: {  	[hbm4b:s21+s2] =	stream.linear.scatter [tilespmem:s9], [sflag:$0x3], $0xE000, $0x38;
	[tilespmem:$0x1C080] =	vst v63  }
0x28f: {  	_ =	swait.ge [sflag:s5], $0xE000  }
0x290: {  	s1 =	sshrl.u32 s1, $0x3;
	[sflag:s5] =	ssyncset.done $0x0  }
0x291: {  	s1 =	sadd.s32 s3, s1;
	[sflag:s5] =	ssyncadd.s32 $0xFFFF2000  }
0x292: {  	[tilespmem:s9], [sflag:$0x1] =	stream.linear.gather [hbm4b:s1+s2], $0xE000, $0x38;
	[tilespmem:$0x1C080] =	vst v63  }
0x293: {  	_ =	swait.ge [sflag:s10], $0xE000  }
0x294: {  	s24 =	sadd.s32 s8, s20;
	[sflag:s10] =	ssyncset.done $0x0  }
0x295: {  	s1 =	smul.u32 $0xE000, s24;
	s23 =	rddreg [dreg:$0x11];
	[sflag:s10] =	ssyncadd.s32 $0xFFFF2000  }
0x296: {  	[hbm4b:s23+s2] =	stream.linear.scatter [tilespmem:s6], [sflag:$0x4], $0xE000, $0x38;
	[tilespmem:$0x1C080] =	vst v63  }
0x297: {  	_ =	swait.ge [sflag:s7], $0xE000  }
0x298: {  	s1 =	sshrl.u32 s1, $0x3;
	[sflag:s7] =	ssyncset.done $0x0  }
0x299: {  	s1 =	sadd.s32 s3, s1;
	[sflag:s7] =	ssyncadd.s32 $0xFFFF2000  }
0x29a: {  	[tilespmem:s6], [sflag:$0x2] =	stream.linear.gather [hbm4b:s1+s2], $0xE000, $0x38;
	[tilespmem:$0x1C080] =	vst v63  }
0x29b: {  	_ =	swait.ge [sflag:s4], $0xE000  }
0x29c: {  	s28 =	sadd.s32 s8, s18;
	[sflag:s4] =	ssyncset.done $0x0  }
0x29d: {  	s1 =	smul.u32 $0xE000, s28;
	s25 =	rddreg [dreg:$0x12];
	[sflag:s4] =	ssyncadd.s32 $0xFFFF2000  }
0x29e: {  	[hbm4b:s25+s2] =	stream.linear.scatter [tilespmem:s9], [sflag:$0x3], $0xE000, $0x38;
	[tilespmem:$0x1C080] =	vst v63  }
0x29f: {  	_ =	swait.ge [sflag:s5], $0xE000  }
0x2a0: {  	s1 =	sshrl.u32 s1, $0x3;
	[sflag:s5] =	ssyncset.done $0x0  }
0x2a1: {  	s1 =	sadd.s32 s3, s1;
	[sflag:s5] =	ssyncadd.s32 $0xFFFF2000  }
0x2a2: {  	[tilespmem:s9], [sflag:$0x1] =	stream.linear.gather [hbm4b:s1+s2], $0xE000, $0x38;
	[tilespmem:$0x1C080] =	vst v63  }
0x2a3: {  	_ =	swait.ge [sflag:s10], $0xE000  }
0x2a4: {  	s30 =	sadd.s32 s8, s16;
	[sflag:s10] =	ssyncset.done $0x0  }
0x2a5: {  	s1 =	smul.u32 $0xE000, s30;
	s29 =	rddreg [dreg:$0x13];
	[sflag:s10] =	ssyncadd.s32 $0xFFFF2000  }
0x2a6: {  	[hbm4b:s29+s2] =	stream.linear.scatter [tilespmem:s6], [sflag:$0x4], $0xE000, $0x38;
	[tilespmem:$0x1C080] =	vst v63  }
0x2a7: {  	_ =	swait.ge [sflag:s7], $0xE000  }
0x2a8: {  	s1 =	sshrl.u32 s1, $0x3;
	[sflag:s7] =	ssyncset.done $0x0  }
0x2a9: {  	s1 =	sadd.s32 s3, s1;
	[sflag:s7] =	ssyncadd.s32 $0xFFFF2000  }
0x2aa: {  	[tilespmem:s6], [sflag:$0x2] =	stream.linear.gather [hbm4b:s1+s2], $0xE000, $0x38;
	[tilespmem:$0x1C080] =	vst v63  }
0x2ab: {  	_ =	swait.ge [sflag:s4], $0xE000  }
0x2ac: {  	s15 =	sadd.s32 s8, s15;
	[sflag:s4] =	ssyncset.done $0x0  }
0x2ad: {  	s1 =	smul.u32 $0xE000, s15;
	s31 =	rddreg [dreg:$0x14];
	[sflag:s4] =	ssyncadd.s32 $0xFFFF2000  }
0x2ae: {  	[hbm4b:s31+s2] =	stream.linear.scatter [tilespmem:s9], [sflag:$0x3], $0xE000, $0x38;
	[tilespmem:$0x1C080] =	vst v63  }
0x2af: {  	_ =	swait.ge [sflag:s5], $0xE000  }
0x2b0: {  	s1 =	sshrl.u32 s1, $0x3;
	[sflag:s5] =	ssyncset.done $0x0  }
0x2b1: {  	s1 =	sadd.s32 s3, s1;
	[sflag:s5] =	ssyncadd.s32 $0xFFFF2000  }
0x2b2: {  	[tilespmem:s9], [sflag:$0x1] =	stream.linear.gather [hbm4b:s1+s2], $0xE000, $0x38;
	[tilespmem:$0x1C080] =	vst v63  }
0x2b3: {  	_ =	swait.ge [sflag:s10], $0xE000  }
0x2b4: {  	s18 =	sadd.s32 s8, s17;
	[sflag:s10] =	ssyncset.done $0x0  }
0x2b5: {  	s1 =	smul.u32 $0xE000, s18;
	s16 =	rddreg [dreg:$0x15];
	[sflag:s10] =	ssyncadd.s32 $0xFFFF2000  }
0x2b6: {  	[hbm4b:s16+s2] =	stream.linear.scatter [tilespmem:s6], [sflag:$0x4], $0xE000, $0x38;
	[tilespmem:$0x1C080] =	vst v63  }
0x2b7: {  	_ =	swait.ge [sflag:s7], $0xE000  }
0x2b8: {  	s1 =	sshrl.u32 s1, $0x3;
	[sflag:s7] =	ssyncset.done $0x0  }
0x2b9: {  	s1 =	sadd.s32 s3, s1;
	[sflag:s7] =	ssyncadd.s32 $0xFFFF2000  }
0x2ba: {  	[tilespmem:s6], [sflag:$0x2] =	stream.linear.gather [hbm4b:s1+s2], $0xE000, $0x38;
	[tilespmem:$0x1C080] =	vst v63  }
0x2bb: {  	_ =	swait.ge [sflag:s4], $0xE000  }
0x2bc: {  	s20 =	sadd.s32 s8, s14;
	[sflag:s4] =	ssyncset.done $0x0  }
0x2bd: {  	s1 =	smul.u32 $0xE000, s20;
	s19 =	rddreg [dreg:$0x16];
	[sflag:s4] =	ssyncadd.s32 $0xFFFF2000  }
0x2be: {  	[hbm4b:s19+s2] =	stream.linear.scatter [tilespmem:s9], [sflag:$0x3], $0xE000, $0x38;
	[tilespmem:$0x1C080] =	vst v63  }
0x2bf: {  	_ =	swait.ge [sflag:s5], $0xE000  }
0x2c0: {  	s1 =	sshrl.u32 s1, $0x3;
	[sflag:s5] =	ssyncset.done $0x0  }
0x2c1: {  	s1 =	sadd.s32 s3, s1;
	[sflag:s5] =	ssyncadd.s32 $0xFFFF2000  }
0x2c2: {  	[tilespmem:s9], [sflag:$0x1] =	stream.linear.gather [hbm4b:s1+s2], $0xE000, $0x38;
	[tilespmem:$0x1C080] =	vst v63  }
0x2c3: {  	_ =	swait.ge [sflag:s10], $0xE000  }
0x2c4: {  	s22 =	sadd.s32 s8, s13;
	[sflag:s10] =	ssyncset.done $0x0  }
0x2c5: {  	s1 =	smul.u32 $0xE000, s22;
	s21 =	rddreg [dreg:$0x17];
	[sflag:s10] =	ssyncadd.s32 $0xFFFF2000  }
0x2c6: {  	[hbm4b:s21+s2] =	stream.linear.scatter [tilespmem:s6], [sflag:$0x4], $0xE000, $0x38;
	[tilespmem:$0x1C080] =	vst v63  }
0x2c7: {  	_ =	swait.ge [sflag:s7], $0xE000  }
0x2c8: {  	s1 =	sshrl.u32 s1, $0x3;
	[sflag:s7] =	ssyncset.done $0x0  }
0x2c9: {  	s1 =	sadd.s32 s3, s1;
	[sflag:s7] =	ssyncadd.s32 $0xFFFF2000  }
0x2ca: {  	[tilespmem:s6], [sflag:$0x2] =	stream.linear.gather [hbm4b:s1+s2], $0xE000, $0x38;
	[tilespmem:$0x1C080] =	vst v63  }
0x2cb: {  	_ =	swait.ge [sflag:s4], $0xE000  }
0x2cc: {  	s24 =	sadd.s32 s8, s12;
	[sflag:s4] =	ssyncset.done $0x0  }
0x2cd: {  	s1 =	smul.u32 $0xE000, s24;
	s23 =	rddreg [dreg:$0x18];
	[sflag:s4] =	ssyncadd.s32 $0xFFFF2000  }
0x2ce: {  	[hbm4b:s23+s2] =	stream.linear.scatter [tilespmem:s9], [sflag:$0x3], $0xE000, $0x38;
	[tilespmem:$0x1C080] =	vst v63  }
0x2cf: {  	_ =	swait.ge [sflag:s5], $0xE000  }
0x2d0: {  	s1 =	sshrl.u32 s1, $0x3;
	[sflag:s5] =	ssyncset.done $0x0  }
0x2d1: {  	s1 =	sadd.s32 s3, s1;
	[sflag:s5] =	ssyncadd.s32 $0xFFFF2000  }
0x2d2: {  	[tilespmem:s9], [sflag:$0x1] =	stream.linear.gather [hbm4b:s1+s2], $0xE000, $0x38;
	[tilespmem:$0x1C080] =	vst v63  }
0x2d3: {  	_ =	swait.ge [sflag:s10], $0xE000  }
0x2d4: {  	s28 =	sadd.s32 s8, s11;
	[sflag:s10] =	ssyncset.done $0x0  }
0x2d5: {  	s29 =	smul.u32 $0xE000, s28;
	s25 =	rddreg [dreg:$0x19];
	[sflag:s10] =	ssyncadd.s32 $0xFFFF2000  }
0x2d6: {  	[hbm4b:s25+s2] =	stream.linear.scatter [tilespmem:s6], [sflag:$0x4], $0xE000, $0x38;
	[tilespmem:$0x1C080] =	vst v63  }
0x2d7: {  	_ =	swait.ge [sflag:s7], $0xE000  }
0x2d8: {  	s1 =	sshrl.u32 s29, $0x3;
	[sflag:s7] =	ssyncset.done $0x0  }
0x2d9: {  	s1 =	sadd.s32 s3, s1;
	[sflag:s7] =	ssyncadd.s32 $0xFFFF2000  }
0x2da: {  	[tilespmem:s6], [sflag:$0x2] =	stream.linear.gather [hbm4b:s1+s2], $0xE000, $0x38;
	[tilespmem:$0x1C080] =	vst v63  }
0x2db: {  	_ =	swait.ge [sflag:s4], $0xE000  }
0x2dc: {  	[sflag:s4] =	ssyncset.done $0x0  }
0x2dd: {  	s30 =	rddreg [dreg:$0x1a];
	[sflag:s4] =	ssyncadd.s32 $0xFFFF2000  }
0x2de: {  	[hbm4b:s30+s2] =	stream.linear.scatter [tilespmem:s9], [sflag:$0x3], $0xE000, $0x38;
	[tilespmem:$0x1C080] =	vst v63  }
0x2df: {  	_ =	swait.ge [sflag:s10], $0xE000  }
0x2e0: {  	[sflag:s10] =	ssyncset.done $0x0  }
0x2e1: {  	s31 =	rddreg [dreg:$0x1b];
	[sflag:s10] =	ssyncadd.s32 $0xFFFF2000  }
0x2e2: {  	[hbm4b:s31+s2] =	stream.linear.scatter [tilespmem:s6], [sflag:$0x4], $0xE000, $0x38;
	[tilespmem:$0x1C080] =	vst v63  }
0x2e3: {  	_ =	swait.ge [sflag:s5], $0xE000  }
0x2e4: {  	[sflag:s5] =	ssyncset.done $0x0  }
0x2e5: {  	[sflag:s5] =	ssyncadd.s32 $0xFFFF2000  }
0x2e6: {  	_ =	swait.ge [sflag:s7], $0xE000  }
0x2e7: {  	[sflag:s7] =	ssyncset.done $0x0  }
0x2e8: {  	[sflag:s7] =	ssyncadd.s32 $0xFFFF2000  }
0x2e9: {  	_ =	sfence.sel $0x180000  }
0x2ea: {  	[bflag:$0x0] =	sbarrier.arrive $0xFFFF  }
0x2eb: {  	p0 =	sne.s32 s0, $0x0;
	_ =	strace $0x90000047  }
0x2ec: {  	s0 =	sadd.s32 @!p0 $0x100000, s26;
	[bflag:$0x2] =	sbarrier.arrive $0xFFFF  }
0x2ed: {  	[sflag:s0] =	ssyncadd.tile.s32 @!p0 $0x1;
	_ =	shalt  }
.LBB2_2:
.Ltmp3:
0x2ee: {  	(pc) =	sbr.rel .LBB2_5-.Ltmp3, $2  }
0x2ef: {  	_ =	sdelay $0x2  }
0x2f0: {  	s26 =	rddreg [dreg:$0x3]  }
.Lfunc_end2:
_tile_overlayer_lowered:
.L_overlay_start_2:
0x2f1: {  	(tag) =	ssettag $0x2  }
0x2f2: {  	s0 =	rddreg [dreg:$0x0];
	s2 =	stileid.u32  }
0x2f3: {  	s1 =	rddreg [dreg:$0x1];
	p0 =	sne.s32 s2, $0x0  }
0x2f4: {  	s3 =	rddreg [dreg:$0x2];
	[bflag:$0x3] =	sbarrier.arrive $0xFFFF;
	s2 =	simm.s32 @!p0 $0x1C05  }
0x2f5: {  	[timem:s3], [sflag:s2] =	dma.local @!p0 [hbm:s0], s1  }
0x2f6: {  	s0 =	simm.s32 @!p0 $0x5  }
0x2f7: {  	_ =	swait.ge @!p0 [sflag:s0], s1  }
0x2f8: {  	s1 =	ssub.s32 @!p0 $0x0, s1;
	[sflag:s0] =	ssyncset.done @!p0 $0x0  }
0x2f9: {  	[sflag:s0] =	ssyncadd.s32 @!p0 s1  }
0x2fa: {  	[bflag:$0x3] =	sbarrier.arrive $0xFFFF  }
0x2fb: {  	_ =	shalt  }

</sc_bundles>
